<compile_context>
chip_gen: v7x
topology: tpu7x:2x2x1
jax: 0.10.2.dev20260603
libtpu: 0.0.44.dev20260713+nightly
codegen_flags: <defaults>
</compile_context>

<pallas_src>
import functools

import jax
import jax.numpy as jnp
from jax import lax
from jax.experimental import pallas as pl
from jax.experimental.pallas import tpu as pltpu
from jax.experimental.pallas import tpu_sc as plsc

N_NODES = 10000
IN_DIM = 128
HID_DIM = 32
LAT_DIM = 16

NC = 2
NS = 16
NW = NC * NS
N_EDGES = 320000
EW = N_EDGES // NW
CHUNK = 125
NCHUNK = 80
N_PAD = 10240
ROWS_PER_TILE = N_PAD // NS

_MESH = plsc.VectorSubcoreMesh(core_axis_name="c", subcore_axis_name="s")
_SC_PARAMS = pltpu.CompilerParams(use_tc_tiling_on_sc=False)



def _deg_body(dst3_hbm, ones_hbm, zeros_hbm, out_hbm, didx_v, ones_v, acc_sp,
              ssems):
    c = lax.axis_index("c")
    s = lax.axis_index("s")
    w = c * NS + s
    pltpu.sync_copy(dst3_hbm.at[w], didx_v)
    pltpu.sync_copy(ones_hbm, ones_v)

    @pl.when(s == 0)
    def _():
        pltpu.sync_copy(zeros_hbm.at[pl.ds(0, N_NODES)], acc_sp.at[pl.ds(0, N_NODES)])
        pltpu.sync_copy(zeros_hbm.at[pl.ds(0, N_PAD - N_NODES)],
                        acc_sp.at[pl.ds(N_NODES, N_PAD - N_NODES)])

    plsc.subcore_barrier()

    def body(i, carry):
        for b in range(4):
            g = 4 * i + b

            @pl.when(g >= 4)
            def _():
                pltpu.make_async_copy(
                    ones_v, acc_sp.at[didx_v.at[0]], ssems.at[b]).wait()

            pltpu.async_copy(ones_v, acc_sp.at[didx_v.at[g]], ssems.at[b],
                             add=True)
        return carry

    lax.fori_loop(0, NCHUNK // 4, body, 0)
    for b in range(4):
        pltpu.make_async_copy(ones_v, acc_sp.at[didx_v.at[0]], ssems.at[b]).wait()
    plsc.subcore_barrier()
    pltpu.sync_copy(acc_sp.at[pl.ds(s * ROWS_PER_TILE, ROWS_PER_TILE)],
                    out_hbm.at[c, pl.ds(s * ROWS_PER_TILE, ROWS_PER_TILE)])


@functools.partial(
    pl.kernel,
    out_type=jax.ShapeDtypeStruct((NC, N_PAD, 16), jnp.float32),
    mesh=_MESH,
    scratch_types=[
        pltpu.VMEM((NCHUNK, CHUNK), jnp.int32),
        pltpu.VMEM((CHUNK, 16), jnp.float32),
        pltpu.VMEM_SHARED((N_PAD, 16), jnp.float32),
        pltpu.SemaphoreType.DMA((4,)),
    ],
    compiler_params=_SC_PARAMS,
)
def _degree_sc(dst3_hbm, ones_hbm, zeros_hbm, out_hbm, didx_v, ones_v, acc_sp,
               ssems):
    _deg_body(dst3_hbm, ones_hbm, zeros_hbm, out_hbm, didx_v, ones_v, acc_sp,
              ssems)


def _agg_body(wh_hbm, src3_hbm, dst3_hbm, zeros_hbm, out_hbm,
              sidx_v, didx_v, rows0_v, rows1_v, rows2_v, rows3_v, acc_sp,
              wh_sp, gsems, ssems):
    c = lax.axis_index("c")
    s = lax.axis_index("s")
    w = c * NS + s
    pltpu.sync_copy(src3_hbm.at[w], sidx_v)
    pltpu.sync_copy(dst3_hbm.at[w], didx_v)

    @pl.when(s == 0)
    def _():
        @pl.when(c == 0)
        def _():
            pltpu.sync_copy(wh_hbm.at[pl.ds(0, N_NODES)], acc_sp.at[pl.ds(0, N_NODES)])

        @pl.when(c != 0)
        def _():
            pltpu.sync_copy(zeros_hbm.at[pl.ds(0, N_NODES)], acc_sp.at[pl.ds(0, N_NODES)])

        pltpu.sync_copy(zeros_hbm.at[pl.ds(0, N_PAD - N_NODES)],
                        acc_sp.at[pl.ds(N_NODES, N_PAD - N_NODES)])

    @pl.when(s == 1)
    def _():
        pltpu.sync_copy(wh_hbm.at[pl.ds(0, N_NODES)], wh_sp.at[pl.ds(0, N_NODES)])

    plsc.subcore_barrier()

    rows = [rows0_v, rows1_v, rows2_v, rows3_v]
    pltpu.async_copy(wh_sp.at[sidx_v.at[0]], rows[0], gsems.at[0])
    pltpu.async_copy(wh_sp.at[sidx_v.at[1]], rows[1], gsems.at[1])

    def body(i, carry):
        for b in range(4):
            g = 4 * i + b
            b2 = (b + 2) % 4

            @pl.when(g >= 2)
            def _():
                pltpu.make_async_copy(
                    rows[b2], acc_sp.at[didx_v.at[0]], ssems.at[b2]).wait()

            @pl.when(g + 2 < NCHUNK)
            def _():
                pltpu.async_copy(wh_sp.at[sidx_v.at[g + 2]], rows[b2],
                                 gsems.at[b2])

            pltpu.make_async_copy(wh_sp.at[sidx_v.at[g]], rows[b],
                                  gsems.at[b]).wait()
            pltpu.async_copy(rows[b], acc_sp.at[didx_v.at[g]], ssems.at[b],
                             add=True)
        return carry

    lax.fori_loop(0, NCHUNK // 4, body, 0)
    pltpu.make_async_copy(rows[(NCHUNK - 2) % 4], acc_sp.at[didx_v.at[0]],
                          ssems.at[(NCHUNK - 2) % 4]).wait()
    pltpu.make_async_copy(rows[(NCHUNK - 1) % 4], acc_sp.at[didx_v.at[0]],
                          ssems.at[(NCHUNK - 1) % 4]).wait()
    plsc.subcore_barrier()
    pltpu.sync_copy(acc_sp.at[pl.ds(s * ROWS_PER_TILE, ROWS_PER_TILE)],
                    out_hbm.at[c, pl.ds(s * ROWS_PER_TILE, ROWS_PER_TILE)])


def _make_agg(d):
    @functools.partial(
        pl.kernel,
        out_type=jax.ShapeDtypeStruct((NC, N_PAD, d), jnp.float32),
        mesh=_MESH,
        scratch_types=[
            pltpu.VMEM((NCHUNK, CHUNK), jnp.int32),
            pltpu.VMEM((NCHUNK, CHUNK), jnp.int32),
            pltpu.VMEM((CHUNK, d), jnp.float32),
            pltpu.VMEM((CHUNK, d), jnp.float32),
            pltpu.VMEM((CHUNK, d), jnp.float32),
            pltpu.VMEM((CHUNK, d), jnp.float32),
            pltpu.VMEM_SHARED((N_PAD, d), jnp.float32),
            pltpu.VMEM_SHARED((N_PAD, d), jnp.float32),
            pltpu.SemaphoreType.DMA((4,)),
            pltpu.SemaphoreType.DMA((4,)),
        ],
        compiler_params=_SC_PARAMS,
    )
    def agg(wh_hbm, src3_hbm, dst3_hbm, zeros_hbm, out_hbm,
            sidx_v, didx_v, rows0_v, rows1_v, rows2_v, rows3_v, acc_sp,
            wh_sp, gsems, ssems):
        _agg_body(wh_hbm, src3_hbm, dst3_hbm, zeros_hbm, out_hbm,
                  sidx_v, didx_v, rows0_v, rows1_v, rows2_v, rows3_v, acc_sp,
                  wh_sp, gsems, ssems)

    return agg


_agg32 = _make_agg(HID_DIM)
_agg16 = _make_agg(LAT_DIM)



def _mm_body(x_ref, w_ref, out_ref):
    out_ref[...] = jnp.dot(x_ref[...], w_ref[...],
                           preferred_element_type=jnp.float32)


def _mm(x, w, bm=1000):
    n, k = x.shape
    d = w.shape[1]
    return pl.pallas_call(
        _mm_body,
        grid=(n // bm,),
        in_specs=[
            pl.BlockSpec((bm, k), lambda i: (i, 0)),
            pl.BlockSpec((k, d), lambda i: (0, 0)),
        ],
        out_specs=pl.BlockSpec((bm, d), lambda i: (i, 0)),
        out_shape=jax.ShapeDtypeStruct((n, d), jnp.float32),
    )(x, w)


def _scale_body(h_ref, degp_ref, out_ref, deg_ref):
    dp = degp_ref[...]
    deg = dp[0, :, 0:1] + dp[1, :, 0:1] + 1.0
    deg_ref[...] = deg
    out_ref[...] = h_ref[...] * jax.lax.rsqrt(deg)


def _scale(h, degparts, bm=1000):
    n, d = h.shape
    return pl.pallas_call(
        _scale_body,
        grid=(n // bm,),
        in_specs=[
            pl.BlockSpec((bm, d), lambda i: (i, 0)),
            pl.BlockSpec((NC, bm, 16), lambda i: (0, i, 0)),
        ],
        out_specs=[
            pl.BlockSpec((bm, d), lambda i: (i, 0)),
            pl.BlockSpec((bm, 1), lambda i: (i, 0)),
        ],
        out_shape=[
            jax.ShapeDtypeStruct((n, d), jnp.float32),
            jax.ShapeDtypeStruct((n, 1), jnp.float32),
        ],
    )(h, degparts)


def _post_mm_body(accp_ref, deg_ref, b_ref, w_ref, out_ref):
    ap = accp_ref[...]
    dis = jax.lax.rsqrt(deg_ref[...])
    h = jnp.maximum((ap[0] + ap[1]) * dis + b_ref[...], 0.0)
    out_ref[...] = jnp.dot(h, w_ref[...], preferred_element_type=jnp.float32) * dis


def _post_mm(accparts, deg2d, b, w, bm=1000):
    n = deg2d.shape[0]
    k = accparts.shape[2]
    d = w.shape[1]
    return pl.pallas_call(
        _post_mm_body,
        grid=(n // bm,),
        in_specs=[
            pl.BlockSpec((NC, bm, k), lambda i: (0, i, 0)),
            pl.BlockSpec((bm, 1), lambda i: (i, 0)),
            pl.BlockSpec((1, k), lambda i: (0, 0)),
            pl.BlockSpec((k, d), lambda i: (0, 0)),
        ],
        out_specs=pl.BlockSpec((bm, d), lambda i: (i, 0)),
        out_shape=jax.ShapeDtypeStruct((n, d), jnp.float32),
    )(accparts, deg2d, b.reshape(1, k), w)


def _final_body(accp_ref, deg_ref, b_ref, out_ref):
    ap = accp_ref[...]
    out_ref[...] = (ap[0] + ap[1]) * jax.lax.rsqrt(deg_ref[...]) + b_ref[...]


def _final(accparts, deg2d, b, bm=1000):
    n = deg2d.shape[0]
    d = accparts.shape[2]
    return pl.pallas_call(
        _final_body,
        grid=(n // bm,),
        in_specs=[
            pl.BlockSpec((NC, bm, d), lambda i: (0, i, 0)),
            pl.BlockSpec((bm, 1), lambda i: (i, 0)),
            pl.BlockSpec((1, d), lambda i: (0, 0)),
        ],
        out_specs=pl.BlockSpec((bm, d), lambda i: (i, 0)),
        out_shape=jax.ShapeDtypeStruct((n, d), jnp.float32),
    )(accparts, deg2d, b.reshape(1, d))


def _decoder_body(zi_ref, zj_ref, out_ref):
    g = jax.lax.dot_general(
        zi_ref[...], zj_ref[...], (((1,), (1,)), ((), ())),
        preferred_element_type=jnp.float32,
        precision=jax.lax.Precision.DEFAULT,
    )
    out_ref[...] = jax.nn.sigmoid(g)


def _decoder(z, bm=1024, bn=2048):
    n, d = z.shape
    grid = (pl.cdiv(n, bm), pl.cdiv(n, bn))
    return pl.pallas_call(
        _decoder_body,
        grid=grid,
        in_specs=[
            pl.BlockSpec((bm, d), lambda i, j: (i, 0)),
            pl.BlockSpec((bn, d), lambda i, j: (j, 0)),
        ],
        out_specs=pl.BlockSpec((bm, bn), lambda i, j: (i, j)),
        out_shape=jax.ShapeDtypeStruct((n, n), jnp.float32),
    )(z, z)



def kernel(x, edge_index, W1, b1, W2, b2):
    n = x.shape[0]
    src3 = edge_index[0].astype(jnp.int32).reshape(NW, NCHUNK, CHUNK)
    dst3 = edge_index[1].astype(jnp.int32).reshape(NW, NCHUNK, CHUNK)

    ones128 = jnp.ones((CHUNK, 16), jnp.float32)
    zeros16 = jnp.zeros((n, 16), jnp.float32)
    zeros32 = jnp.zeros((n, HID_DIM), jnp.float32)

    h1 = _mm(x, W1)
    degparts = _degree_sc(dst3, ones128, zeros16)
    wh1, deg2d = _scale(h1, degparts)
    acc1parts = _agg32(wh1, src3, dst3, zeros32)
    wh2 = _post_mm(acc1parts, deg2d, b1, W2)
    acc2parts = _agg16(wh2, src3, dst3, zeros16)
    z = _final(acc2parts, deg2d, b2)
    adj_pred = _decoder(z)
    return (z, adj_pred)

# --- scband reference (transcript-rebuilt; emitter-appended) ---
"""Pipeline reference for scband-graph-autoencoder-43671227466076 (READ-ONLY COPY).

The authoritative reference and input builder live on the scoring server;
editing this copy changes nothing except your own understanding.
"""

import jax, jax.numpy as jnp
import numpy as np

N_NODES = 10000
N_EDGES = 320000
IN_DIM = 128
HID_DIM = 32
LAT_DIM = 16


def gcn_conv(x, edge_index, W, b, num_nodes):
    # torch_geometric GCNConv: add self-loops, symmetric normalization, linear, scatter-add, bias
    loop = jnp.arange(num_nodes, dtype=edge_index.dtype)
    src = jnp.concatenate([edge_index[0], loop])
    dst = jnp.concatenate([edge_index[1], loop])
    h = x @ W
    deg = jnp.zeros((num_nodes,), dtype=x.dtype).at[dst].add(1.0)
    deg_inv_sqrt = jnp.where(deg > 0, deg ** -0.5, 0.0)
    norm = deg_inv_sqrt[src] * deg_inv_sqrt[dst]
    msgs = h[src] * norm[:, None]
    out = jnp.zeros((num_nodes, h.shape[1]), dtype=x.dtype).at[dst].add(msgs)
    return out + b


def setup_inputs(seed: int = 0) -> dict:
    key = jax.random.key(seed)
    k1, k2, k3, k4, k5, k6 = jax.random.split(key, 6)
    x = jax.random.normal(k1, (N_NODES, IN_DIM), dtype=jnp.float32)
    edge_index = jax.random.randint(k2, (2, N_EDGES), 0, N_NODES, dtype=jnp.int64)
    # glorot-style init for GCN weights
    W1 = jax.random.normal(k3, (IN_DIM, HID_DIM), dtype=jnp.float32) * (1.0 / np.sqrt(IN_DIM))
    b1 = jnp.zeros((HID_DIM,), dtype=jnp.float32)
    W2 = jax.random.normal(k4, (HID_DIM, LAT_DIM), dtype=jnp.float32) * (1.0 / np.sqrt(HID_DIM))
    b2 = jnp.zeros((LAT_DIM,), dtype=jnp.float32)
    return {"x": x, "edge_index": edge_index, "W1": W1, "b1": b1, "W2": W2, "b2": b2}


def reference(x, edge_index, W1, b1, W2, b2):
    num_nodes = x.shape[0]
    # Encoder (eval mode: dropout is identity)
    h = gcn_conv(x, edge_index, W1, b1, num_nodes)
    h = jax.nn.relu(h)
    z = gcn_conv(h, edge_index, W2, b2, num_nodes)
    # InnerProductDecoder
    adj_pred = jax.nn.sigmoid(z @ z.T)
    return (z, adj_pred)

if __name__ == "__main__":
    import jax
    _d = setup_inputs()
    print(jax.jit(kernel)(*tuple(_d.values())))

</pallas_src>

<mosaic_0001>
#map = affine_map<(d0, d1) -> (0, 0)>
#map1 = affine_map<(d0, d1) -> (0, 0, 0)>
module attributes {stable_mosaic.version = 14 : i64} {
  func.func @agg(%arg0: i32, %arg1: i32, %arg2: memref<10000x16xf32, #tpu.memory_space<hbm>>, %arg3: memref<32x80x125xi32, #tpu.memory_space<hbm>>, %arg4: memref<32x80x125xi32, #tpu.memory_space<hbm>>, %arg5: memref<10000x16xf32, #tpu.memory_space<hbm>>, %arg6: memref<2x10240x16xf32, #tpu.memory_space<hbm>>, %arg7: memref<80x125xi32, #tpu.memory_space<vmem>>, %arg8: memref<80x125xi32, #tpu.memory_space<vmem>>, %arg9: memref<125x16xf32, #tpu.memory_space<vmem>>, %arg10: memref<125x16xf32, #tpu.memory_space<vmem>>, %arg11: memref<125x16xf32, #tpu.memory_space<vmem>>, %arg12: memref<125x16xf32, #tpu.memory_space<vmem>>, %arg13: memref<10240x16xf32, #tpu.memory_space<vmem_shared>>, %arg14: memref<10240x16xf32, #tpu.memory_space<vmem_shared>>, %arg15: memref<4x!tpu.dma_semaphore, #tpu.memory_space<semaphore_mem>>, %arg16: memref<4x!tpu.dma_semaphore, #tpu.memory_space<semaphore_mem>>) attributes {dimension_semantics = [#tpu.dimension_semantics<core_parallel>, #tpu.dimension_semantics<subcore_parallel>], iteration_bounds = array<i64: 2, 16>, scalar_prefetch = 0 : i64, scratch_operands = 10 : i64, tpu.core_type = #tpu.core_type<sc_vector_subcore>, window_params = [{transform_indices = #map}, {transform_indices = #map1}, {transform_indices = #map1}, {transform_indices = #map}, {transform_indices = #map1}]} {
    %mul3A = arith.constant 16 : i32
    %mul3A_0 = arith.muli %arg0, %mul3A : i32
    %add3A = arith.addi %mul3A_0, %arg1 : i32
    "tpu.region"() ({
      %run_scoped3A = tpu.sem_alloc : memref<!tpu.dma_semaphore, #tpu.memory_space<semaphore_mem>>
      %dma_start3A_56 = arith.constant 0 : i32
      %dma_start3A_57 = arith.constant 0 : i32
      %dma_start3A_58 = tpu.memref_slice %arg3[%add3A, %dma_start3A_56, %dma_start3A_57] : memref<32x80x125xi32, #tpu.memory_space<hbm>> -> memref<1x80x125xi32, #tpu.memory_space<hbm>>
      %dma_start3A_59 = tpu.memref_squeeze %dma_start3A_58 : memref<1x80x125xi32, #tpu.memory_space<hbm>> -> memref<80x125xi32, #tpu.memory_space<hbm>>
      %dma_start3A_60 = arith.constant 0 : i32
      %dma_start3A_61 = arith.constant 0 : i32
      %dma_start3A_62 = tpu.memref_slice %arg3[%add3A, %dma_start3A_60, %dma_start3A_61] : memref<32x80x125xi32, #tpu.memory_space<hbm>> -> memref<1x80x125xi32, #tpu.memory_space<hbm>>
      %dma_start3A_63 = tpu.memref_squeeze %dma_start3A_62 : memref<1x80x125xi32, #tpu.memory_space<hbm>> -> memref<80x125xi32, #tpu.memory_space<hbm>>
      tpu.enqueue_dma source(%dma_start3A_63 : memref<80x125xi32, #tpu.memory_space<hbm>>) target(%arg7 : memref<80x125xi32, #tpu.memory_space<vmem>>) target_semaphore(%run_scoped3A : memref<!tpu.dma_semaphore, #tpu.memory_space<semaphore_mem>>)
      %dma_wait3A_64 = arith.constant 0 : i32
      %dma_wait3A_65 = arith.constant 0 : i32
      %dma_wait3A_66 = tpu.memref_slice %arg3[%add3A, %dma_wait3A_64, %dma_wait3A_65] : memref<32x80x125xi32, #tpu.memory_space<hbm>> -> memref<1x80x125xi32, #tpu.memory_space<hbm>>
      %dma_wait3A_67 = tpu.memref_squeeze %dma_wait3A_66 : memref<1x80x125xi32, #tpu.memory_space<hbm>> -> memref<80x125xi32, #tpu.memory_space<hbm>>
      %dma_wait3A_68 = arith.constant 0 : i32
      %dma_wait3A_69 = arith.constant 0 : i32
      %dma_wait3A_70 = tpu.memref_slice %arg3[%add3A, %dma_wait3A_68, %dma_wait3A_69] : memref<32x80x125xi32, #tpu.memory_space<hbm>> -> memref<1x80x125xi32, #tpu.memory_space<hbm>>
      %dma_wait3A_71 = tpu.memref_squeeze %dma_wait3A_70 : memref<1x80x125xi32, #tpu.memory_space<hbm>> -> memref<80x125xi32, #tpu.memory_space<hbm>>
      tpu.wait_dma2 semaphore(%run_scoped3A : memref<!tpu.dma_semaphore, #tpu.memory_space<semaphore_mem>>) src(%dma_wait3A_71 : memref<80x125xi32, #tpu.memory_space<hbm>>) dst(%arg7 : memref<80x125xi32, #tpu.memory_space<vmem>>)
      tpu.yield
    }) : () -> ()
    "tpu.region"() ({
      %run_scoped3A = tpu.sem_alloc : memref<!tpu.dma_semaphore, #tpu.memory_space<semaphore_mem>>
      %dma_start3A_56 = arith.constant 0 : i32
      %dma_start3A_57 = arith.constant 0 : i32
      %dma_start3A_58 = tpu.memref_slice %arg4[%add3A, %dma_start3A_56, %dma_start3A_57] : memref<32x80x125xi32, #tpu.memory_space<hbm>> -> memref<1x80x125xi32, #tpu.memory_space<hbm>>
      %dma_start3A_59 = tpu.memref_squeeze %dma_start3A_58 : memref<1x80x125xi32, #tpu.memory_space<hbm>> -> memref<80x125xi32, #tpu.memory_space<hbm>>
      %dma_start3A_60 = arith.constant 0 : i32
      %dma_start3A_61 = arith.constant 0 : i32
      %dma_start3A_62 = tpu.memref_slice %arg4[%add3A, %dma_start3A_60, %dma_start3A_61] : memref<32x80x125xi32, #tpu.memory_space<hbm>> -> memref<1x80x125xi32, #tpu.memory_space<hbm>>
      %dma_start3A_63 = tpu.memref_squeeze %dma_start3A_62 : memref<1x80x125xi32, #tpu.memory_space<hbm>> -> memref<80x125xi32, #tpu.memory_space<hbm>>
      tpu.enqueue_dma source(%dma_start3A_63 : memref<80x125xi32, #tpu.memory_space<hbm>>) target(%arg8 : memref<80x125xi32, #tpu.memory_space<vmem>>) target_semaphore(%run_scoped3A : memref<!tpu.dma_semaphore, #tpu.memory_space<semaphore_mem>>)
      %dma_wait3A_64 = arith.constant 0 : i32
      %dma_wait3A_65 = arith.constant 0 : i32
      %dma_wait3A_66 = tpu.memref_slice %arg4[%add3A, %dma_wait3A_64, %dma_wait3A_65] : memref<32x80x125xi32, #tpu.memory_space<hbm>> -> memref<1x80x125xi32, #tpu.memory_space<hbm>>
      %dma_wait3A_67 = tpu.memref_squeeze %dma_wait3A_66 : memref<1x80x125xi32, #tpu.memory_space<hbm>> -> memref<80x125xi32, #tpu.memory_space<hbm>>
      %dma_wait3A_68 = arith.constant 0 : i32
      %dma_wait3A_69 = arith.constant 0 : i32
      %dma_wait3A_70 = tpu.memref_slice %arg4[%add3A, %dma_wait3A_68, %dma_wait3A_69] : memref<32x80x125xi32, #tpu.memory_space<hbm>> -> memref<1x80x125xi32, #tpu.memory_space<hbm>>
      %dma_wait3A_71 = tpu.memref_squeeze %dma_wait3A_70 : memref<1x80x125xi32, #tpu.memory_space<hbm>> -> memref<80x125xi32, #tpu.memory_space<hbm>>
      tpu.wait_dma2 semaphore(%run_scoped3A : memref<!tpu.dma_semaphore, #tpu.memory_space<semaphore_mem>>) src(%dma_wait3A_71 : memref<80x125xi32, #tpu.memory_space<hbm>>) dst(%arg8 : memref<80x125xi32, #tpu.memory_space<vmem>>)
      tpu.yield
    }) : () -> ()
    %eq3A = arith.constant 0 : i32
    %eq3A_1 = arith.cmpi eq, %arg1, %eq3A : i32
    %convert_element_type3A = arith.extui %eq3A_1 : i1 to i32
    %cond3A = arith.constant 0 : i32
    %cond3A_2 = arith.cmpi ne, %convert_element_type3A, %cond3A : i32
    scf.if %cond3A_2 {
      %eq3A_56 = arith.constant 0 : i32
      %eq3A_57 = arith.cmpi eq, %arg0, %eq3A_56 : i32
      %convert_element_type3A_58 = arith.extui %eq3A_57 : i1 to i32
      %cond3A_59 = arith.constant 0 : i32
      %cond3A_60 = arith.cmpi ne, %convert_element_type3A_58, %cond3A_59 : i32
      scf.if %cond3A_60 {
        "tpu.region"() ({
          %run_scoped3A = tpu.sem_alloc : memref<!tpu.dma_semaphore, #tpu.memory_space<semaphore_mem>>
          %dma_start3A_65 = arith.constant 0 : i32
          %dma_start3A_66 = arith.constant 0 : i32
          %dma_start3A_67 = tpu.memref_slice %arg13[%dma_start3A_65, %dma_start3A_66] : memref<10240x16xf32, #tpu.memory_space<vmem_shared>> -> memref<10000x16xf32, #tpu.memory_space<vmem_shared>>
          %dma_start3A_68 = arith.constant 0 : i32
          %dma_start3A_69 = arith.constant 0 : i32
          %dma_start3A_70 = tpu.memref_slice %arg2[%dma_start3A_68, %dma_start3A_69] : memref<10000x16xf32, #tpu.memory_space<hbm>> -> memref<10000x16xf32, #tpu.memory_space<hbm>>
          tpu.enqueue_dma source(%dma_start3A_70 : memref<10000x16xf32, #tpu.memory_space<hbm>>) target(%dma_start3A_67 : memref<10000x16xf32, #tpu.memory_space<vmem_shared>>) target_semaphore(%run_scoped3A : memref<!tpu.dma_semaphore, #tpu.memory_space<semaphore_mem>>)
          %dma_wait3A_71 = arith.constant 0 : i32
          %dma_wait3A_72 = arith.constant 0 : i32
          %dma_wait3A_73 = tpu.memref_slice %arg13[%dma_wait3A_71, %dma_wait3A_72] : memref<10240x16xf32, #tpu.memory_space<vmem_shared>> -> memref<10000x16xf32, #tpu.memory_space<vmem_shared>>
          %dma_wait3A_74 = arith.constant 0 : i32
          %dma_wait3A_75 = arith.constant 0 : i32
          %dma_wait3A_76 = tpu.memref_slice %arg2[%dma_wait3A_74, %dma_wait3A_75] : memref<10000x16xf32, #tpu.memory_space<hbm>> -> memref<10000x16xf32, #tpu.memory_space<hbm>>
          tpu.wait_dma2 semaphore(%run_scoped3A : memref<!tpu.dma_semaphore, #tpu.memory_space<semaphore_mem>>) src(%dma_wait3A_76 : memref<10000x16xf32, #tpu.memory_space<hbm>>) dst(%dma_wait3A_73 : memref<10000x16xf32, #tpu.memory_space<vmem_shared>>)
          tpu.yield
        }) : () -> ()
      } else {
      }
      %ne3A = arith.constant 0 : i32
      %ne3A_61 = arith.cmpi ne, %arg0, %ne3A : i32
      %convert_element_type3A_62 = arith.extui %ne3A_61 : i1 to i32
      %cond3A_63 = arith.constant 0 : i32
      %cond3A_64 = arith.cmpi ne, %convert_element_type3A_62, %cond3A_63 : i32
      scf.if %cond3A_64 {
        "tpu.region"() ({
          %run_scoped3A = tpu.sem_alloc : memref<!tpu.dma_semaphore, #tpu.memory_space<semaphore_mem>>
          %dma_start3A_65 = arith.constant 0 : i32
          %dma_start3A_66 = arith.constant 0 : i32
          %dma_start3A_67 = tpu.memref_slice %arg13[%dma_start3A_65, %dma_start3A_66] : memref<10240x16xf32, #tpu.memory_space<vmem_shared>> -> memref<10000x16xf32, #tpu.memory_space<vmem_shared>>
          %dma_start3A_68 = arith.constant 0 : i32
          %dma_start3A_69 = arith.constant 0 : i32
          %dma_start3A_70 = tpu.memref_slice %arg5[%dma_start3A_68, %dma_start3A_69] : memref<10000x16xf32, #tpu.memory_space<hbm>> -> memref<10000x16xf32, #tpu.memory_space<hbm>>
          tpu.enqueue_dma source(%dma_start3A_70 : memref<10000x16xf32, #tpu.memory_space<hbm>>) target(%dma_start3A_67 : memref<10000x16xf32, #tpu.memory_space<vmem_shared>>) target_semaphore(%run_scoped3A : memref<!tpu.dma_semaphore, #tpu.memory_space<semaphore_mem>>)
          %dma_wait3A_71 = arith.constant 0 : i32
          %dma_wait3A_72 = arith.constant 0 : i32
          %dma_wait3A_73 = tpu.memref_slice %arg13[%dma_wait3A_71, %dma_wait3A_72] : memref<10240x16xf32, #tpu.memory_space<vmem_shared>> -> memref<10000x16xf32, #tpu.memory_space<vmem_shared>>
          %dma_wait3A_74 = arith.constant 0 : i32
          %dma_wait3A_75 = arith.constant 0 : i32
          %dma_wait3A_76 = tpu.memref_slice %arg5[%dma_wait3A_74, %dma_wait3A_75] : memref<10000x16xf32, #tpu.memory_space<hbm>> -> memref<10000x16xf32, #tpu.memory_space<hbm>>
          tpu.wait_dma2 semaphore(%run_scoped3A : memref<!tpu.dma_semaphore, #tpu.memory_space<semaphore_mem>>) src(%dma_wait3A_76 : memref<10000x16xf32, #tpu.memory_space<hbm>>) dst(%dma_wait3A_73 : memref<10000x16xf32, #tpu.memory_space<vmem_shared>>)
          tpu.yield
        }) : () -> ()
      } else {
      }
      "tpu.region"() ({
        %run_scoped3A = tpu.sem_alloc : memref<!tpu.dma_semaphore, #tpu.memory_space<semaphore_mem>>
        %dma_start3A_65 = arith.constant 10000 : i32
        %dma_start3A_66 = arith.constant 0 : i32
        %dma_start3A_67 = tpu.memref_slice %arg13[%dma_start3A_65, %dma_start3A_66] : memref<10240x16xf32, #tpu.memory_space<vmem_shared>> -> memref<240x16xf32, #tpu.memory_space<vmem_shared>>
        %dma_start3A_68 = arith.constant 0 : i32
        %dma_start3A_69 = arith.constant 0 : i32
        %dma_start3A_70 = tpu.memref_slice %arg5[%dma_start3A_68, %dma_start3A_69] : memref<10000x16xf32, #tpu.memory_space<hbm>> -> memref<240x16xf32, #tpu.memory_space<hbm>>
        tpu.enqueue_dma source(%dma_start3A_70 : memref<240x16xf32, #tpu.memory_space<hbm>>) target(%dma_start3A_67 : memref<240x16xf32, #tpu.memory_space<vmem_shared>>) target_semaphore(%run_scoped3A : memref<!tpu.dma_semaphore, #tpu.memory_space<semaphore_mem>>)
        %dma_wait3A_71 = arith.constant 10000 : i32
        %dma_wait3A_72 = arith.constant 0 : i32
        %dma_wait3A_73 = tpu.memref_slice %arg13[%dma_wait3A_71, %dma_wait3A_72] : memref<10240x16xf32, #tpu.memory_space<vmem_shared>> -> memref<240x16xf32, #tpu.memory_space<vmem_shared>>
        %dma_wait3A_74 = arith.constant 0 : i32
        %dma_wait3A_75 = arith.constant 0 : i32
        %dma_wait3A_76 = tpu.memref_slice %arg5[%dma_wait3A_74, %dma_wait3A_75] : memref<10000x16xf32, #tpu.memory_space<hbm>> -> memref<240x16xf32, #tpu.memory_space<hbm>>
        tpu.wait_dma2 semaphore(%run_scoped3A : memref<!tpu.dma_semaphore, #tpu.memory_space<semaphore_mem>>) src(%dma_wait3A_76 : memref<240x16xf32, #tpu.memory_space<hbm>>) dst(%dma_wait3A_73 : memref<240x16xf32, #tpu.memory_space<vmem_shared>>)
        tpu.yield
      }) : () -> ()
    } else {
    }
    %eq3A_3 = arith.constant 1 : i32
    %eq3A_4 = arith.cmpi eq, %arg1, %eq3A_3 : i32
    %convert_element_type3A_5 = arith.extui %eq3A_4 : i1 to i32
    %cond3A_6 = arith.constant 0 : i32
    %cond3A_7 = arith.cmpi ne, %convert_element_type3A_5, %cond3A_6 : i32
    scf.if %cond3A_7 {
      "tpu.region"() ({
        %run_scoped3A = tpu.sem_alloc : memref<!tpu.dma_semaphore, #tpu.memory_space<semaphore_mem>>
        %dma_start3A_56 = arith.constant 0 : i32
        %dma_start3A_57 = arith.constant 0 : i32
        %dma_start3A_58 = tpu.memref_slice %arg14[%dma_start3A_56, %dma_start3A_57] : memref<10240x16xf32, #tpu.memory_space<vmem_shared>> -> memref<10000x16xf32, #tpu.memory_space<vmem_shared>>
        %dma_start3A_59 = arith.constant 0 : i32
        %dma_start3A_60 = arith.constant 0 : i32
        %dma_start3A_61 = tpu.memref_slice %arg2[%dma_start3A_59, %dma_start3A_60] : memref<10000x16xf32, #tpu.memory_space<hbm>> -> memref<10000x16xf32, #tpu.memory_space<hbm>>
        tpu.enqueue_dma source(%dma_start3A_61 : memref<10000x16xf32, #tpu.memory_space<hbm>>) target(%dma_start3A_58 : memref<10000x16xf32, #tpu.memory_space<vmem_shared>>) target_semaphore(%run_scoped3A : memref<!tpu.dma_semaphore, #tpu.memory_space<semaphore_mem>>)
        %dma_wait3A_62 = arith.constant 0 : i32
        %dma_wait3A_63 = arith.constant 0 : i32
        %dma_wait3A_64 = tpu.memref_slice %arg14[%dma_wait3A_62, %dma_wait3A_63] : memref<10240x16xf32, #tpu.memory_space<vmem_shared>> -> memref<10000x16xf32, #tpu.memory_space<vmem_shared>>
        %dma_wait3A_65 = arith.constant 0 : i32
        %dma_wait3A_66 = arith.constant 0 : i32
        %dma_wait3A_67 = tpu.memref_slice %arg2[%dma_wait3A_65, %dma_wait3A_66] : memref<10000x16xf32, #tpu.memory_space<hbm>> -> memref<10000x16xf32, #tpu.memory_space<hbm>>
        tpu.wait_dma2 semaphore(%run_scoped3A : memref<!tpu.dma_semaphore, #tpu.memory_space<semaphore_mem>>) src(%dma_wait3A_67 : memref<10000x16xf32, #tpu.memory_space<hbm>>) dst(%dma_wait3A_64 : memref<10000x16xf32, #tpu.memory_space<vmem_shared>>)
        tpu.yield
      }) : () -> ()
    } else {
    }
    %barrier3A = arith.constant 0 : index
    tpu.barrier barrier_id(%barrier3A)
    %dma_start3A = arith.constant 0 : i32
    %dma_start3A_8 = arith.constant 0 : i32
    %dma_start3A_9 = arith.constant 0 : i32
    %dma_start3A_10 = tpu.memref_slice %arg7[%dma_start3A, %dma_start3A_9] : memref<80x125xi32, #tpu.memory_space<vmem>> -> memref<1x125xi32, #tpu.memory_space<vmem>>
    %dma_start3A_11 = tpu.memref_squeeze %dma_start3A_10 : memref<1x125xi32, #tpu.memory_space<vmem>> -> memref<125xi32, #tpu.memory_space<vmem>>
    %dma_start3A_12 = arith.constant 0 : i32
    %dma_start3A_13 = arith.constant 0 : i32
    %dma_start3A_14 = tpu.memref_slice %arg14[%dma_start3A_12, %dma_start3A_13] : memref<10240x16xf32, #tpu.memory_space<vmem_shared>> -> memref<10240x16xf32, #tpu.memory_space<vmem_shared>>
    %dma_start3A_15 = tpu.memref_slice %arg15[%dma_start3A_8] : memref<4x!tpu.dma_semaphore, #tpu.memory_space<semaphore_mem>> -> memref<1x!tpu.dma_semaphore, #tpu.memory_space<semaphore_mem>>
    %dma_start3A_16 = tpu.memref_squeeze %dma_start3A_15 : memref<1x!tpu.dma_semaphore, #tpu.memory_space<semaphore_mem>> -> memref<!tpu.dma_semaphore, #tpu.memory_space<semaphore_mem>>
    tpu.enqueue_indirect_dma source(%dma_start3A_14 : memref<10240x16xf32, #tpu.memory_space<vmem_shared>>) target(%arg9 : memref<125x16xf32, #tpu.memory_space<vmem>>) offsets(%dma_start3A_11 : memref<125xi32, #tpu.memory_space<vmem>>) semaphore(%dma_start3A_16 : memref<!tpu.dma_semaphore, #tpu.memory_space<semaphore_mem>>)
    %dma_start3A_17 = arith.constant 1 : i32
    %dma_start3A_18 = arith.constant 1 : i32
    %dma_start3A_19 = arith.constant 0 : i32
    %dma_start3A_20 = tpu.memref_slice %arg7[%dma_start3A_17, %dma_start3A_19] : memref<80x125xi32, #tpu.memory_space<vmem>> -> memref<1x125xi32, #tpu.memory_space<vmem>>
    %dma_start3A_21 = tpu.memref_squeeze %dma_start3A_20 : memref<1x125xi32, #tpu.memory_space<vmem>> -> memref<125xi32, #tpu.memory_space<vmem>>
    %dma_start3A_22 = arith.constant 0 : i32
    %dma_start3A_23 = arith.constant 0 : i32
    %dma_start3A_24 = tpu.memref_slice %arg14[%dma_start3A_22, %dma_start3A_23] : memref<10240x16xf32, #tpu.memory_space<vmem_shared>> -> memref<10240x16xf32, #tpu.memory_space<vmem_shared>>
    %dma_start3A_25 = tpu.memref_slice %arg15[%dma_start3A_18] : memref<4x!tpu.dma_semaphore, #tpu.memory_space<semaphore_mem>> -> memref<1x!tpu.dma_semaphore, #tpu.memory_space<semaphore_mem>>
    %dma_start3A_26 = tpu.memref_squeeze %dma_start3A_25 : memref<1x!tpu.dma_semaphore, #tpu.memory_space<semaphore_mem>> -> memref<!tpu.dma_semaphore, #tpu.memory_space<semaphore_mem>>
    tpu.enqueue_indirect_dma source(%dma_start3A_24 : memref<10240x16xf32, #tpu.memory_space<vmem_shared>>) target(%arg10 : memref<125x16xf32, #tpu.memory_space<vmem>>) offsets(%dma_start3A_21 : memref<125xi32, #tpu.memory_space<vmem>>) semaphore(%dma_start3A_26 : memref<!tpu.dma_semaphore, #tpu.memory_space<semaphore_mem>>)
    %scan3A = arith.constant 0 : i32
    %scan3A_27 = arith.constant 0 : i32
    %scan3A_28 = arith.constant 20 : i32
    %scan3A_29 = arith.addi %scan3A_27, %scan3A_28 : i32
    %scan3A_30 = arith.constant 1 : i32
    scf.for %scan3A_56 = %scan3A_27 to %scan3A_29 step %scan3A_30  : i32 {
      %mul3A_57 = arith.constant 4 : i32
      %mul3A_58 = arith.muli %mul3A_57, %scan3A_56 : i32
      %add3A_59 = arith.constant 0 : i32
      %add3A_60 = arith.addi %mul3A_58, %add3A_59 : i32
      %ge3A = arith.constant 2 : i32
      %ge3A_61 = arith.cmpi sge, %add3A_60, %ge3A : i32
      %convert_element_type3A_62 = arith.extui %ge3A_61 : i1 to i32
      %cond3A_63 = arith.constant 0 : i32
      %cond3A_64 = arith.cmpi ne, %convert_element_type3A_62, %cond3A_63 : i32
      scf.if %cond3A_64 {
        %dma_wait3A_191 = arith.constant 0 : i32
        %dma_wait3A_192 = arith.constant 2 : i32
        %dma_wait3A_193 = arith.constant 0 : i32
        %dma_wait3A_194 = tpu.memref_slice %arg8[%dma_wait3A_191, %dma_wait3A_193] : memref<80x125xi32, #tpu.memory_space<vmem>> -> memref<1x125xi32, #tpu.memory_space<vmem>>
        %dma_wait3A_195 = tpu.memref_squeeze %dma_wait3A_194 : memref<1x125xi32, #tpu.memory_space<vmem>> -> memref<125xi32, #tpu.memory_space<vmem>>
        %dma_wait3A_196 = arith.constant 0 : i32
        %dma_wait3A_197 = arith.constant 0 : i32
        %dma_wait3A_198 = tpu.memref_slice %arg13[%dma_wait3A_196, %dma_wait3A_197] : memref<10240x16xf32, #tpu.memory_space<vmem_shared>> -> memref<10240x16xf32, #tpu.memory_space<vmem_shared>>
        %dma_wait3A_199 = tpu.memref_slice %arg16[%dma_wait3A_192] : memref<4x!tpu.dma_semaphore, #tpu.memory_space<semaphore_mem>> -> memref<1x!tpu.dma_semaphore, #tpu.memory_space<semaphore_mem>>
        %dma_wait3A_200 = tpu.memref_squeeze %dma_wait3A_199 : memref<1x!tpu.dma_semaphore, #tpu.memory_space<semaphore_mem>> -> memref<!tpu.dma_semaphore, #tpu.memory_space<semaphore_mem>>
        tpu.wait_indirect_dma semaphore(%dma_wait3A_200 : memref<!tpu.dma_semaphore, #tpu.memory_space<semaphore_mem>>) src(%arg11 : memref<125x16xf32, #tpu.memory_space<vmem>>) dst(%dma_wait3A_198 : memref<10240x16xf32, #tpu.memory_space<vmem_shared>>)
      } else {
      }
      %add3A_65 = arith.constant 2 : i32
      %add3A_66 = arith.addi %add3A_60, %add3A_65 : i32
      %lt3A = arith.constant 80 : i32
      %lt3A_67 = arith.cmpi slt, %add3A_66, %lt3A : i32
      %convert_element_type3A_68 = arith.extui %lt3A_67 : i1 to i32
      %cond3A_69 = arith.constant 0 : i32
      %cond3A_70 = arith.cmpi ne, %convert_element_type3A_68, %cond3A_69 : i32
      scf.if %cond3A_70 {
        %add3A_191 = arith.constant 2 : i32
        %add3A_192 = arith.addi %add3A_60, %add3A_191 : i32
        %dma_start3A_193 = arith.constant 2 : i32
        %dma_start3A_194 = arith.constant 0 : i32
        %dma_start3A_195 = tpu.memref_slice %arg7[%add3A_192, %dma_start3A_194] : memref<80x125xi32, #tpu.memory_space<vmem>> -> memref<1x125xi32, #tpu.memory_space<vmem>>
        %dma_start3A_196 = tpu.memref_squeeze %dma_start3A_195 : memref<1x125xi32, #tpu.memory_space<vmem>> -> memref<125xi32, #tpu.memory_space<vmem>>
        %dma_start3A_197 = arith.constant 0 : i32
        %dma_start3A_198 = arith.constant 0 : i32
        %dma_start3A_199 = tpu.memref_slice %arg14[%dma_start3A_197, %dma_start3A_198] : memref<10240x16xf32, #tpu.memory_space<vmem_shared>> -> memref<10240x16xf32, #tpu.memory_space<vmem_shared>>
        %dma_start3A_200 = tpu.memref_slice %arg15[%dma_start3A_193] : memref<4x!tpu.dma_semaphore, #tpu.memory_space<semaphore_mem>> -> memref<1x!tpu.dma_semaphore, #tpu.memory_space<semaphore_mem>>
        %dma_start3A_201 = tpu.memref_squeeze %dma_start3A_200 : memref<1x!tpu.dma_semaphore, #tpu.memory_space<semaphore_mem>> -> memref<!tpu.dma_semaphore, #tpu.memory_space<semaphore_mem>>
        tpu.enqueue_indirect_dma source(%dma_start3A_199 : memref<10240x16xf32, #tpu.memory_space<vmem_shared>>) target(%arg11 : memref<125x16xf32, #tpu.memory_space<vmem>>) offsets(%dma_start3A_196 : memref<125xi32, #tpu.memory_space<vmem>>) semaphore(%dma_start3A_201 : memref<!tpu.dma_semaphore, #tpu.memory_space<semaphore_mem>>)
      } else {
      }
      %dma_wait3A_71 = arith.constant 0 : i32
      %dma_wait3A_72 = arith.constant 0 : i32
      %dma_wait3A_73 = tpu.memref_slice %arg7[%add3A_60, %dma_wait3A_72] : memref<80x125xi32, #tpu.memory_space<vmem>> -> memref<1x125xi32, #tpu.memory_space<vmem>>
      %dma_wait3A_74 = tpu.memref_squeeze %dma_wait3A_73 : memref<1x125xi32, #tpu.memory_space<vmem>> -> memref<125xi32, #tpu.memory_space<vmem>>
      %dma_wait3A_75 = arith.constant 0 : i32
      %dma_wait3A_76 = arith.constant 0 : i32
      %dma_wait3A_77 = tpu.memref_slice %arg14[%dma_wait3A_75, %dma_wait3A_76] : memref<10240x16xf32, #tpu.memory_space<vmem_shared>> -> memref<10240x16xf32, #tpu.memory_space<vmem_shared>>
      %dma_wait3A_78 = tpu.memref_slice %arg15[%dma_wait3A_71] : memref<4x!tpu.dma_semaphore, #tpu.memory_space<semaphore_mem>> -> memref<1x!tpu.dma_semaphore, #tpu.memory_space<semaphore_mem>>
      %dma_wait3A_79 = tpu.memref_squeeze %dma_wait3A_78 : memref<1x!tpu.dma_semaphore, #tpu.memory_space<semaphore_mem>> -> memref<!tpu.dma_semaphore, #tpu.memory_space<semaphore_mem>>
      tpu.wait_indirect_dma semaphore(%dma_wait3A_79 : memref<!tpu.dma_semaphore, #tpu.memory_space<semaphore_mem>>) src(%dma_wait3A_77 : memref<10240x16xf32, #tpu.memory_space<vmem_shared>>) dst(%arg9 : memref<125x16xf32, #tpu.memory_space<vmem>>)
      %dma_start3A_80 = arith.constant 0 : i32
      %dma_start3A_81 = arith.constant 0 : i32
      %dma_start3A_82 = tpu.memref_slice %arg8[%add3A_60, %dma_start3A_81] : memref<80x125xi32, #tpu.memory_space<vmem>> -> memref<1x125xi32, #tpu.memory_space<vmem>>
      %dma_start3A_83 = tpu.memref_squeeze %dma_start3A_82 : memref<1x125xi32, #tpu.memory_space<vmem>> -> memref<125xi32, #tpu.memory_space<vmem>>
      %dma_start3A_84 = arith.constant 0 : i32
      %dma_start3A_85 = arith.constant 0 : i32
      %dma_start3A_86 = tpu.memref_slice %arg13[%dma_start3A_84, %dma_start3A_85] : memref<10240x16xf32, #tpu.memory_space<vmem_shared>> -> memref<10240x16xf32, #tpu.memory_space<vmem_shared>>
      %dma_start3A_87 = tpu.memref_slice %arg16[%dma_start3A_80] : memref<4x!tpu.dma_semaphore, #tpu.memory_space<semaphore_mem>> -> memref<1x!tpu.dma_semaphore, #tpu.memory_space<semaphore_mem>>
      %dma_start3A_88 = tpu.memref_squeeze %dma_start3A_87 : memref<1x!tpu.dma_semaphore, #tpu.memory_space<semaphore_mem>> -> memref<!tpu.dma_semaphore, #tpu.memory_space<semaphore_mem>>
      tpu.enqueue_indirect_dma source(%arg9 : memref<125x16xf32, #tpu.memory_space<vmem>>) target(%dma_start3A_86 : memref<10240x16xf32, #tpu.memory_space<vmem_shared>>) offsets(%dma_start3A_83 : memref<125xi32, #tpu.memory_space<vmem>>) semaphore(%dma_start3A_88 : memref<!tpu.dma_semaphore, #tpu.memory_space<semaphore_mem>>) {add = true}
      %mul3A_89 = arith.constant 4 : i32
      %mul3A_90 = arith.muli %mul3A_89, %scan3A_56 : i32
      %add3A_91 = arith.constant 1 : i32
      %add3A_92 = arith.addi %mul3A_90, %add3A_91 : i32
      %ge3A_93 = arith.constant 2 : i32
      %ge3A_94 = arith.cmpi sge, %add3A_92, %ge3A_93 : i32
      %convert_element_type3A_95 = arith.extui %ge3A_94 : i1 to i32
      %cond3A_96 = arith.constant 0 : i32
      %cond3A_97 = arith.cmpi ne, %convert_element_type3A_95, %cond3A_96 : i32
      scf.if %cond3A_97 {
        %dma_wait3A_191 = arith.constant 0 : i32
        %dma_wait3A_192 = arith.constant 3 : i32
        %dma_wait3A_193 = arith.constant 0 : i32
        %dma_wait3A_194 = tpu.memref_slice %arg8[%dma_wait3A_191, %dma_wait3A_193] : memref<80x125xi32, #tpu.memory_space<vmem>> -> memref<1x125xi32, #tpu.memory_space<vmem>>
        %dma_wait3A_195 = tpu.memref_squeeze %dma_wait3A_194 : memref<1x125xi32, #tpu.memory_space<vmem>> -> memref<125xi32, #tpu.memory_space<vmem>>
        %dma_wait3A_196 = arith.constant 0 : i32
        %dma_wait3A_197 = arith.constant 0 : i32
        %dma_wait3A_198 = tpu.memref_slice %arg13[%dma_wait3A_196, %dma_wait3A_197] : memref<10240x16xf32, #tpu.memory_space<vmem_shared>> -> memref<10240x16xf32, #tpu.memory_space<vmem_shared>>
        %dma_wait3A_199 = tpu.memref_slice %arg16[%dma_wait3A_192] : memref<4x!tpu.dma_semaphore, #tpu.memory_space<semaphore_mem>> -> memref<1x!tpu.dma_semaphore, #tpu.memory_space<semaphore_mem>>
        %dma_wait3A_200 = tpu.memref_squeeze %dma_wait3A_199 : memref<1x!tpu.dma_semaphore, #tpu.memory_space<semaphore_mem>> -> memref<!tpu.dma_semaphore, #tpu.memory_space<semaphore_mem>>
        tpu.wait_indirect_dma semaphore(%dma_wait3A_200 : memref<!tpu.dma_semaphore, #tpu.memory_space<semaphore_mem>>) src(%arg12 : memref<125x16xf32, #tpu.memory_space<vmem>>) dst(%dma_wait3A_198 : memref<10240x16xf32, #tpu.memory_space<vmem_shared>>)
      } else {
      }
      %add3A_98 = arith.constant 2 : i32
      %add3A_99 = arith.addi %add3A_92, %add3A_98 : i32
      %lt3A_100 = arith.constant 80 : i32
      %lt3A_101 = arith.cmpi slt, %add3A_99, %lt3A_100 : i32
      %convert_element_type3A_102 = arith.extui %lt3A_101 : i1 to i32
      %cond3A_103 = arith.constant 0 : i32
      %cond3A_104 = arith.cmpi ne, %convert_element_type3A_102, %cond3A_103 : i32
      scf.if %cond3A_104 {
        %add3A_191 = arith.constant 2 : i32
        %add3A_192 = arith.addi %add3A_92, %add3A_191 : i32
        %dma_start3A_193 = arith.constant 3 : i32
        %dma_start3A_194 = arith.constant 0 : i32
        %dma_start3A_195 = tpu.memref_slice %arg7[%add3A_192, %dma_start3A_194] : memref<80x125xi32, #tpu.memory_space<vmem>> -> memref<1x125xi32, #tpu.memory_space<vmem>>
        %dma_start3A_196 = tpu.memref_squeeze %dma_start3A_195 : memref<1x125xi32, #tpu.memory_space<vmem>> -> memref<125xi32, #tpu.memory_space<vmem>>
        %dma_start3A_197 = arith.constant 0 : i32
        %dma_start3A_198 = arith.constant 0 : i32
        %dma_start3A_199 = tpu.memref_slice %arg14[%dma_start3A_197, %dma_start3A_198] : memref<10240x16xf32, #tpu.memory_space<vmem_shared>> -> memref<10240x16xf32, #tpu.memory_space<vmem_shared>>
        %dma_start3A_200 = tpu.memref_slice %arg15[%dma_start3A_193] : memref<4x!tpu.dma_semaphore, #tpu.memory_space<semaphore_mem>> -> memref<1x!tpu.dma_semaphore, #tpu.memory_space<semaphore_mem>>
        %dma_start3A_201 = tpu.memref_squeeze %dma_start3A_200 : memref<1x!tpu.dma_semaphore, #tpu.memory_space<semaphore_mem>> -> memref<!tpu.dma_semaphore, #tpu.memory_space<semaphore_mem>>
        tpu.enqueue_indirect_dma source(%dma_start3A_199 : memref<10240x16xf32, #tpu.memory_space<vmem_shared>>) target(%arg12 : memref<125x16xf32, #tpu.memory_space<vmem>>) offsets(%dma_start3A_196 : memref<125xi32, #tpu.memory_space<vmem>>) semaphore(%dma_start3A_201 : memref<!tpu.dma_semaphore, #tpu.memory_space<semaphore_mem>>)
      } else {
      }
      %dma_wait3A_105 = arith.constant 1 : i32
      %dma_wait3A_106 = arith.constant 0 : i32
      %dma_wait3A_107 = tpu.memref_slice %arg7[%add3A_92, %dma_wait3A_106] : memref<80x125xi32, #tpu.memory_space<vmem>> -> memref<1x125xi32, #tpu.memory_space<vmem>>
      %dma_wait3A_108 = tpu.memref_squeeze %dma_wait3A_107 : memref<1x125xi32, #tpu.memory_space<vmem>> -> memref<125xi32, #tpu.memory_space<vmem>>
      %dma_wait3A_109 = arith.constant 0 : i32
      %dma_wait3A_110 = arith.constant 0 : i32
      %dma_wait3A_111 = tpu.memref_slice %arg14[%dma_wait3A_109, %dma_wait3A_110] : memref<10240x16xf32, #tpu.memory_space<vmem_shared>> -> memref<10240x16xf32, #tpu.memory_space<vmem_shared>>
      %dma_wait3A_112 = tpu.memref_slice %arg15[%dma_wait3A_105] : memref<4x!tpu.dma_semaphore, #tpu.memory_space<semaphore_mem>> -> memref<1x!tpu.dma_semaphore, #tpu.memory_space<semaphore_mem>>
      %dma_wait3A_113 = tpu.memref_squeeze %dma_wait3A_112 : memref<1x!tpu.dma_semaphore, #tpu.memory_space<semaphore_mem>> -> memref<!tpu.dma_semaphore, #tpu.memory_space<semaphore_mem>>
      tpu.wait_indirect_dma semaphore(%dma_wait3A_113 : memref<!tpu.dma_semaphore, #tpu.memory_space<semaphore_mem>>) src(%dma_wait3A_111 : memref<10240x16xf32, #tpu.memory_space<vmem_shared>>) dst(%arg10 : memref<125x16xf32, #tpu.memory_space<vmem>>)
      %dma_start3A_114 = arith.constant 1 : i32
      %dma_start3A_115 = arith.constant 0 : i32
      %dma_start3A_116 = tpu.memref_slice %arg8[%add3A_92, %dma_start3A_115] : memref<80x125xi32, #tpu.memory_space<vmem>> -> memref<1x125xi32, #tpu.memory_space<vmem>>
      %dma_start3A_117 = tpu.memref_squeeze %dma_start3A_116 : memref<1x125xi32, #tpu.memory_space<vmem>> -> memref<125xi32, #tpu.memory_space<vmem>>
      %dma_start3A_118 = arith.constant 0 : i32
      %dma_start3A_119 = arith.constant 0 : i32
      %dma_start3A_120 = tpu.memref_slice %arg13[%dma_start3A_118, %dma_start3A_119] : memref<10240x16xf32, #tpu.memory_space<vmem_shared>> -> memref<10240x16xf32, #tpu.memory_space<vmem_shared>>
      %dma_start3A_121 = tpu.memref_slice %arg16[%dma_start3A_114] : memref<4x!tpu.dma_semaphore, #tpu.memory_space<semaphore_mem>> -> memref<1x!tpu.dma_semaphore, #tpu.memory_space<semaphore_mem>>
      %dma_start3A_122 = tpu.memref_squeeze %dma_start3A_121 : memref<1x!tpu.dma_semaphore, #tpu.memory_space<semaphore_mem>> -> memref<!tpu.dma_semaphore, #tpu.memory_space<semaphore_mem>>
      tpu.enqueue_indirect_dma source(%arg10 : memref<125x16xf32, #tpu.memory_space<vmem>>) target(%dma_start3A_120 : memref<10240x16xf32, #tpu.memory_space<vmem_shared>>) offsets(%dma_start3A_117 : memref<125xi32, #tpu.memory_space<vmem>>) semaphore(%dma_start3A_122 : memref<!tpu.dma_semaphore, #tpu.memory_space<semaphore_mem>>) {add = true}
      %mul3A_123 = arith.constant 4 : i32
      %mul3A_124 = arith.muli %mul3A_123, %scan3A_56 : i32
      %add3A_125 = arith.constant 2 : i32
      %add3A_126 = arith.addi %mul3A_124, %add3A_125 : i32
      %ge3A_127 = arith.constant 2 : i32
      %ge3A_128 = arith.cmpi sge, %add3A_126, %ge3A_127 : i32
      %convert_element_type3A_129 = arith.extui %ge3A_128 : i1 to i32
      %cond3A_130 = arith.constant 0 : i32
      %cond3A_131 = arith.cmpi ne, %convert_element_type3A_129, %cond3A_130 : i32
      scf.if %cond3A_131 {
        %dma_wait3A_191 = arith.constant 0 : i32
        %dma_wait3A_192 = arith.constant 0 : i32
        %dma_wait3A_193 = arith.constant 0 : i32
        %dma_wait3A_194 = tpu.memref_slice %arg8[%dma_wait3A_191, %dma_wait3A_193] : memref<80x125xi32, #tpu.memory_space<vmem>> -> memref<1x125xi32, #tpu.memory_space<vmem>>
        %dma_wait3A_195 = tpu.memref_squeeze %dma_wait3A_194 : memref<1x125xi32, #tpu.memory_space<vmem>> -> memref<125xi32, #tpu.memory_space<vmem>>
        %dma_wait3A_196 = arith.constant 0 : i32
        %dma_wait3A_197 = arith.constant 0 : i32
        %dma_wait3A_198 = tpu.memref_slice %arg13[%dma_wait3A_196, %dma_wait3A_197] : memref<10240x16xf32, #tpu.memory_space<vmem_shared>> -> memref<10240x16xf32, #tpu.memory_space<vmem_shared>>
        %dma_wait3A_199 = tpu.memref_slice %arg16[%dma_wait3A_192] : memref<4x!tpu.dma_semaphore, #tpu.memory_space<semaphore_mem>> -> memref<1x!tpu.dma_semaphore, #tpu.memory_space<semaphore_mem>>
        %dma_wait3A_200 = tpu.memref_squeeze %dma_wait3A_199 : memref<1x!tpu.dma_semaphore, #tpu.memory_space<semaphore_mem>> -> memref<!tpu.dma_semaphore, #tpu.memory_space<semaphore_mem>>
        tpu.wait_indirect_dma semaphore(%dma_wait3A_200 : memref<!tpu.dma_semaphore, #tpu.memory_space<semaphore_mem>>) src(%arg9 : memref<125x16xf32, #tpu.memory_space<vmem>>) dst(%dma_wait3A_198 : memref<10240x16xf32, #tpu.memory_space<vmem_shared>>)
      } else {
      }
      %add3A_132 = arith.constant 2 : i32
      %add3A_133 = arith.addi %add3A_126, %add3A_132 : i32
      %lt3A_134 = arith.constant 80 : i32
      %lt3A_135 = arith.cmpi slt, %add3A_133, %lt3A_134 : i32
      %convert_element_type3A_136 = arith.extui %lt3A_135 : i1 to i32
      %cond3A_137 = arith.constant 0 : i32
      %cond3A_138 = arith.cmpi ne, %convert_element_type3A_136, %cond3A_137 : i32
      scf.if %cond3A_138 {
        %add3A_191 = arith.constant 2 : i32
        %add3A_192 = arith.addi %add3A_126, %add3A_191 : i32
        %dma_start3A_193 = arith.constant 0 : i32
        %dma_start3A_194 = arith.constant 0 : i32
        %dma_start3A_195 = tpu.memref_slice %arg7[%add3A_192, %dma_start3A_194] : memref<80x125xi32, #tpu.memory_space<vmem>> -> memref<1x125xi32, #tpu.memory_space<vmem>>
        %dma_start3A_196 = tpu.memref_squeeze %dma_start3A_195 : memref<1x125xi32, #tpu.memory_space<vmem>> -> memref<125xi32, #tpu.memory_space<vmem>>
        %dma_start3A_197 = arith.constant 0 : i32
        %dma_start3A_198 = arith.constant 0 : i32
        %dma_start3A_199 = tpu.memref_slice %arg14[%dma_start3A_197, %dma_start3A_198] : memref<10240x16xf32, #tpu.memory_space<vmem_shared>> -> memref<10240x16xf32, #tpu.memory_space<vmem_shared>>
        %dma_start3A_200 = tpu.memref_slice %arg15[%dma_start3A_193] : memref<4x!tpu.dma_semaphore, #tpu.memory_space<semaphore_mem>> -> memref<1x!tpu.dma_semaphore, #tpu.memory_space<semaphore_mem>>
        %dma_start3A_201 = tpu.memref_squeeze %dma_start3A_200 : memref<1x!tpu.dma_semaphore, #tpu.memory_space<semaphore_mem>> -> memref<!tpu.dma_semaphore, #tpu.memory_space<semaphore_mem>>
        tpu.enqueue_indirect_dma source(%dma_start3A_199 : memref<10240x16xf32, #tpu.memory_space<vmem_shared>>) target(%arg9 : memref<125x16xf32, #tpu.memory_space<vmem>>) offsets(%dma_start3A_196 : memref<125xi32, #tpu.memory_space<vmem>>) semaphore(%dma_start3A_201 : memref<!tpu.dma_semaphore, #tpu.memory_space<semaphore_mem>>)
      } else {
      }
      %dma_wait3A_139 = arith.constant 2 : i32
      %dma_wait3A_140 = arith.constant 0 : i32
      %dma_wait3A_141 = tpu.memref_slice %arg7[%add3A_126, %dma_wait3A_140] : memref<80x125xi32, #tpu.memory_space<vmem>> -> memref<1x125xi32, #tpu.memory_space<vmem>>
      %dma_wait3A_142 = tpu.memref_squeeze %dma_wait3A_141 : memref<1x125xi32, #tpu.memory_space<vmem>> -> memref<125xi32, #tpu.memory_space<vmem>>
      %dma_wait3A_143 = arith.constant 0 : i32
      %dma_wait3A_144 = arith.constant 0 : i32
      %dma_wait3A_145 = tpu.memref_slice %arg14[%dma_wait3A_143, %dma_wait3A_144] : memref<10240x16xf32, #tpu.memory_space<vmem_shared>> -> memref<10240x16xf32, #tpu.memory_space<vmem_shared>>
      %dma_wait3A_146 = tpu.memref_slice %arg15[%dma_wait3A_139] : memref<4x!tpu.dma_semaphore, #tpu.memory_space<semaphore_mem>> -> memref<1x!tpu.dma_semaphore, #tpu.memory_space<semaphore_mem>>
      %dma_wait3A_147 = tpu.memref_squeeze %dma_wait3A_146 : memref<1x!tpu.dma_semaphore, #tpu.memory_space<semaphore_mem>> -> memref<!tpu.dma_semaphore, #tpu.memory_space<semaphore_mem>>
      tpu.wait_indirect_dma semaphore(%dma_wait3A_147 : memref<!tpu.dma_semaphore, #tpu.memory_space<semaphore_mem>>) src(%dma_wait3A_145 : memref<10240x16xf32, #tpu.memory_space<vmem_shared>>) dst(%arg11 : memref<125x16xf32, #tpu.memory_space<vmem>>)
      %dma_start3A_148 = arith.constant 2 : i32
      %dma_start3A_149 = arith.constant 0 : i32
      %dma_start3A_150 = tpu.memref_slice %arg8[%add3A_126, %dma_start3A_149] : memref<80x125xi32, #tpu.memory_space<vmem>> -> memref<1x125xi32, #tpu.memory_space<vmem>>
      %dma_start3A_151 = tpu.memref_squeeze %dma_start3A_150 : memref<1x125xi32, #tpu.memory_space<vmem>> -> memref<125xi32, #tpu.memory_space<vmem>>
      %dma_start3A_152 = arith.constant 0 : i32
      %dma_start3A_153 = arith.constant 0 : i32
      %dma_start3A_154 = tpu.memref_slice %arg13[%dma_start3A_152, %dma_start3A_153] : memref<10240x16xf32, #tpu.memory_space<vmem_shared>> -> memref<10240x16xf32, #tpu.memory_space<vmem_shared>>
      %dma_start3A_155 = tpu.memref_slice %arg16[%dma_start3A_148] : memref<4x!tpu.dma_semaphore, #tpu.memory_space<semaphore_mem>> -> memref<1x!tpu.dma_semaphore, #tpu.memory_space<semaphore_mem>>
      %dma_start3A_156 = tpu.memref_squeeze %dma_start3A_155 : memref<1x!tpu.dma_semaphore, #tpu.memory_space<semaphore_mem>> -> memref<!tpu.dma_semaphore, #tpu.memory_space<semaphore_mem>>
      tpu.enqueue_indirect_dma source(%arg11 : memref<125x16xf32, #tpu.memory_space<vmem>>) target(%dma_start3A_154 : memref<10240x16xf32, #tpu.memory_space<vmem_shared>>) offsets(%dma_start3A_151 : memref<125xi32, #tpu.memory_space<vmem>>) semaphore(%dma_start3A_156 : memref<!tpu.dma_semaphore, #tpu.memory_space<semaphore_mem>>) {add = true}
      %mul3A_157 = arith.constant 4 : i32
      %mul3A_158 = arith.muli %mul3A_157, %scan3A_56 : i32
      %add3A_159 = arith.constant 3 : i32
      %add3A_160 = arith.addi %mul3A_158, %add3A_159 : i32
      %ge3A_161 = arith.constant 2 : i32
      %ge3A_162 = arith.cmpi sge, %add3A_160, %ge3A_161 : i32
      %convert_element_type3A_163 = arith.extui %ge3A_162 : i1 to i32
      %cond3A_164 = arith.constant 0 : i32
      %cond3A_165 = arith.cmpi ne, %convert_element_type3A_163, %cond3A_164 : i32
      scf.if %cond3A_165 {
        %dma_wait3A_191 = arith.constant 0 : i32
        %dma_wait3A_192 = arith.constant 1 : i32
        %dma_wait3A_193 = arith.constant 0 : i32
        %dma_wait3A_194 = tpu.memref_slice %arg8[%dma_wait3A_191, %dma_wait3A_193] : memref<80x125xi32, #tpu.memory_space<vmem>> -> memref<1x125xi32, #tpu.memory_space<vmem>>
        %dma_wait3A_195 = tpu.memref_squeeze %dma_wait3A_194 : memref<1x125xi32, #tpu.memory_space<vmem>> -> memref<125xi32, #tpu.memory_space<vmem>>
        %dma_wait3A_196 = arith.constant 0 : i32
        %dma_wait3A_197 = arith.constant 0 : i32
        %dma_wait3A_198 = tpu.memref_slice %arg13[%dma_wait3A_196, %dma_wait3A_197] : memref<10240x16xf32, #tpu.memory_space<vmem_shared>> -> memref<10240x16xf32, #tpu.memory_space<vmem_shared>>
        %dma_wait3A_199 = tpu.memref_slice %arg16[%dma_wait3A_192] : memref<4x!tpu.dma_semaphore, #tpu.memory_space<semaphore_mem>> -> memref<1x!tpu.dma_semaphore, #tpu.memory_space<semaphore_mem>>
        %dma_wait3A_200 = tpu.memref_squeeze %dma_wait3A_199 : memref<1x!tpu.dma_semaphore, #tpu.memory_space<semaphore_mem>> -> memref<!tpu.dma_semaphore, #tpu.memory_space<semaphore_mem>>
        tpu.wait_indirect_dma semaphore(%dma_wait3A_200 : memref<!tpu.dma_semaphore, #tpu.memory_space<semaphore_mem>>) src(%arg10 : memref<125x16xf32, #tpu.memory_space<vmem>>) dst(%dma_wait3A_198 : memref<10240x16xf32, #tpu.memory_space<vmem_shared>>)
      } else {
      }
      %add3A_166 = arith.constant 2 : i32
      %add3A_167 = arith.addi %add3A_160, %add3A_166 : i32
      %lt3A_168 = arith.constant 80 : i32
      %lt3A_169 = arith.cmpi slt, %add3A_167, %lt3A_168 : i32
      %convert_element_type3A_170 = arith.extui %lt3A_169 : i1 to i32
      %cond3A_171 = arith.constant 0 : i32
      %cond3A_172 = arith.cmpi ne, %convert_element_type3A_170, %cond3A_171 : i32
      scf.if %cond3A_172 {
        %add3A_191 = arith.constant 2 : i32
        %add3A_192 = arith.addi %add3A_160, %add3A_191 : i32
        %dma_start3A_193 = arith.constant 1 : i32
        %dma_start3A_194 = arith.constant 0 : i32
        %dma_start3A_195 = tpu.memref_slice %arg7[%add3A_192, %dma_start3A_194] : memref<80x125xi32, #tpu.memory_space<vmem>> -> memref<1x125xi32, #tpu.memory_space<vmem>>
        %dma_start3A_196 = tpu.memref_squeeze %dma_start3A_195 : memref<1x125xi32, #tpu.memory_space<vmem>> -> memref<125xi32, #tpu.memory_space<vmem>>
        %dma_start3A_197 = arith.constant 0 : i32
        %dma_start3A_198 = arith.constant 0 : i32
        %dma_start3A_199 = tpu.memref_slice %arg14[%dma_start3A_197, %dma_start3A_198] : memref<10240x16xf32, #tpu.memory_space<vmem_shared>> -> memref<10240x16xf32, #tpu.memory_space<vmem_shared>>
        %dma_start3A_200 = tpu.memref_slice %arg15[%dma_start3A_193] : memref<4x!tpu.dma_semaphore, #tpu.memory_space<semaphore_mem>> -> memref<1x!tpu.dma_semaphore, #tpu.memory_space<semaphore_mem>>
        %dma_start3A_201 = tpu.memref_squeeze %dma_start3A_200 : memref<1x!tpu.dma_semaphore, #tpu.memory_space<semaphore_mem>> -> memref<!tpu.dma_semaphore, #tpu.memory_space<semaphore_mem>>
        tpu.enqueue_indirect_dma source(%dma_start3A_199 : memref<10240x16xf32, #tpu.memory_space<vmem_shared>>) target(%arg10 : memref<125x16xf32, #tpu.memory_space<vmem>>) offsets(%dma_start3A_196 : memref<125xi32, #tpu.memory_space<vmem>>) semaphore(%dma_start3A_201 : memref<!tpu.dma_semaphore, #tpu.memory_space<semaphore_mem>>)
      } else {
      }
      %dma_wait3A_173 = arith.constant 3 : i32
      %dma_wait3A_174 = arith.constant 0 : i32
      %dma_wait3A_175 = tpu.memref_slice %arg7[%add3A_160, %dma_wait3A_174] : memref<80x125xi32, #tpu.memory_space<vmem>> -> memref<1x125xi32, #tpu.memory_space<vmem>>
      %dma_wait3A_176 = tpu.memref_squeeze %dma_wait3A_175 : memref<1x125xi32, #tpu.memory_space<vmem>> -> memref<125xi32, #tpu.memory_space<vmem>>
      %dma_wait3A_177 = arith.constant 0 : i32
      %dma_wait3A_178 = arith.constant 0 : i32
      %dma_wait3A_179 = tpu.memref_slice %arg14[%dma_wait3A_177, %dma_wait3A_178] : memref<10240x16xf32, #tpu.memory_space<vmem_shared>> -> memref<10240x16xf32, #tpu.memory_space<vmem_shared>>
      %dma_wait3A_180 = tpu.memref_slice %arg15[%dma_wait3A_173] : memref<4x!tpu.dma_semaphore, #tpu.memory_space<semaphore_mem>> -> memref<1x!tpu.dma_semaphore, #tpu.memory_space<semaphore_mem>>
      %dma_wait3A_181 = tpu.memref_squeeze %dma_wait3A_180 : memref<1x!tpu.dma_semaphore, #tpu.memory_space<semaphore_mem>> -> memref<!tpu.dma_semaphore, #tpu.memory_space<semaphore_mem>>
      tpu.wait_indirect_dma semaphore(%dma_wait3A_181 : memref<!tpu.dma_semaphore, #tpu.memory_space<semaphore_mem>>) src(%dma_wait3A_179 : memref<10240x16xf32, #tpu.memory_space<vmem_shared>>) dst(%arg12 : memref<125x16xf32, #tpu.memory_space<vmem>>)
      %dma_start3A_182 = arith.constant 3 : i32
      %dma_start3A_183 = arith.constant 0 : i32
      %dma_start3A_184 = tpu.memref_slice %arg8[%add3A_160, %dma_start3A_183] : memref<80x125xi32, #tpu.memory_space<vmem>> -> memref<1x125xi32, #tpu.memory_space<vmem>>
      %dma_start3A_185 = tpu.memref_squeeze %dma_start3A_184 : memref<1x125xi32, #tpu.memory_space<vmem>> -> memref<125xi32, #tpu.memory_space<vmem>>
      %dma_start3A_186 = arith.constant 0 : i32
      %dma_start3A_187 = arith.constant 0 : i32
      %dma_start3A_188 = tpu.memref_slice %arg13[%dma_start3A_186, %dma_start3A_187] : memref<10240x16xf32, #tpu.memory_space<vmem_shared>> -> memref<10240x16xf32, #tpu.memory_space<vmem_shared>>
      %dma_start3A_189 = tpu.memref_slice %arg16[%dma_start3A_182] : memref<4x!tpu.dma_semaphore, #tpu.memory_space<semaphore_mem>> -> memref<1x!tpu.dma_semaphore, #tpu.memory_space<semaphore_mem>>
      %dma_start3A_190 = tpu.memref_squeeze %dma_start3A_189 : memref<1x!tpu.dma_semaphore, #tpu.memory_space<semaphore_mem>> -> memref<!tpu.dma_semaphore, #tpu.memory_space<semaphore_mem>>
      tpu.enqueue_indirect_dma source(%arg12 : memref<125x16xf32, #tpu.memory_space<vmem>>) target(%dma_start3A_188 : memref<10240x16xf32, #tpu.memory_space<vmem_shared>>) offsets(%dma_start3A_185 : memref<125xi32, #tpu.memory_space<vmem>>) semaphore(%dma_start3A_190 : memref<!tpu.dma_semaphore, #tpu.memory_space<semaphore_mem>>) {add = true}
    }
    %scan3A_31 = arith.constant 20 : i32
    %dma_wait3A = arith.constant 0 : i32
    %dma_wait3A_32 = arith.constant 2 : i32
    %dma_wait3A_33 = arith.constant 0 : i32
    %dma_wait3A_34 = tpu.memref_slice %arg8[%dma_wait3A, %dma_wait3A_33] : memref<80x125xi32, #tpu.memory_space<vmem>> -> memref<1x125xi32, #tpu.memory_space<vmem>>
    %dma_wait3A_35 = tpu.memref_squeeze %dma_wait3A_34 : memref<1x125xi32, #tpu.memory_space<vmem>> -> memref<125xi32, #tpu.memory_space<vmem>>
    %dma_wait3A_36 = arith.constant 0 : i32
    %dma_wait3A_37 = arith.constant 0 : i32
    %dma_wait3A_38 = tpu.memref_slice %arg13[%dma_wait3A_36, %dma_wait3A_37] : memref<10240x16xf32, #tpu.memory_space<vmem_shared>> -> memref<10240x16xf32, #tpu.memory_space<vmem_shared>>
    %dma_wait3A_39 = tpu.memref_slice %arg16[%dma_wait3A_32] : memref<4x!tpu.dma_semaphore, #tpu.memory_space<semaphore_mem>> -> memref<1x!tpu.dma_semaphore, #tpu.memory_space<semaphore_mem>>
    %dma_wait3A_40 = tpu.memref_squeeze %dma_wait3A_39 : memref<1x!tpu.dma_semaphore, #tpu.memory_space<semaphore_mem>> -> memref<!tpu.dma_semaphore, #tpu.memory_space<semaphore_mem>>
    tpu.wait_indirect_dma semaphore(%dma_wait3A_40 : memref<!tpu.dma_semaphore, #tpu.memory_space<semaphore_mem>>) src(%arg11 : memref<125x16xf32, #tpu.memory_space<vmem>>) dst(%dma_wait3A_38 : memref<10240x16xf32, #tpu.memory_space<vmem_shared>>)
    %dma_wait3A_41 = arith.constant 0 : i32
    %dma_wait3A_42 = arith.constant 3 : i32
    %dma_wait3A_43 = arith.constant 0 : i32
    %dma_wait3A_44 = tpu.memref_slice %arg8[%dma_wait3A_41, %dma_wait3A_43] : memref<80x125xi32, #tpu.memory_space<vmem>> -> memref<1x125xi32, #tpu.memory_space<vmem>>
    %dma_wait3A_45 = tpu.memref_squeeze %dma_wait3A_44 : memref<1x125xi32, #tpu.memory_space<vmem>> -> memref<125xi32, #tpu.memory_space<vmem>>
    %dma_wait3A_46 = arith.constant 0 : i32
    %dma_wait3A_47 = arith.constant 0 : i32
    %dma_wait3A_48 = tpu.memref_slice %arg13[%dma_wait3A_46, %dma_wait3A_47] : memref<10240x16xf32, #tpu.memory_space<vmem_shared>> -> memref<10240x16xf32, #tpu.memory_space<vmem_shared>>
    %dma_wait3A_49 = tpu.memref_slice %arg16[%dma_wait3A_42] : memref<4x!tpu.dma_semaphore, #tpu.memory_space<semaphore_mem>> -> memref<1x!tpu.dma_semaphore, #tpu.memory_space<semaphore_mem>>
    %dma_wait3A_50 = tpu.memref_squeeze %dma_wait3A_49 : memref<1x!tpu.dma_semaphore, #tpu.memory_space<semaphore_mem>> -> memref<!tpu.dma_semaphore, #tpu.memory_space<semaphore_mem>>
    tpu.wait_indirect_dma semaphore(%dma_wait3A_50 : memref<!tpu.dma_semaphore, #tpu.memory_space<semaphore_mem>>) src(%arg12 : memref<125x16xf32, #tpu.memory_space<vmem>>) dst(%dma_wait3A_48 : memref<10240x16xf32, #tpu.memory_space<vmem_shared>>)
    %barrier3A_51 = arith.constant 0 : index
    tpu.barrier barrier_id(%barrier3A_51)
    %mul3A_52 = arith.constant 640 : i32
    %mul3A_53 = arith.muli %arg1, %mul3A_52 : i32
    %mul3A_54 = arith.constant 640 : i32
    %mul3A_55 = arith.muli %arg1, %mul3A_54 : i32
    "tpu.region"() ({
      %run_scoped3A = tpu.sem_alloc : memref<!tpu.dma_semaphore, #tpu.memory_space<semaphore_mem>>
      %dma_start3A_56 = arith.constant 0 : i32
      %dma_start3A_57 = tpu.memref_slice %arg6[%arg0, %mul3A_55, %dma_start3A_56] : memref<2x10240x16xf32, #tpu.memory_space<hbm>> -> memref<1x640x16xf32, #tpu.memory_space<hbm>>
      %dma_start3A_58 = tpu.memref_squeeze %dma_start3A_57 : memref<1x640x16xf32, #tpu.memory_space<hbm>> -> memref<640x16xf32, #tpu.memory_space<hbm>>
      %dma_start3A_59 = arith.constant 0 : i32
      %dma_start3A_60 = tpu.memref_slice %arg13[%mul3A_53, %dma_start3A_59] : memref<10240x16xf32, #tpu.memory_space<vmem_shared>> -> memref<640x16xf32, #tpu.memory_space<vmem_shared>>
      tpu.enqueue_dma source(%dma_start3A_60 : memref<640x16xf32, #tpu.memory_space<vmem_shared>>) target(%dma_start3A_58 : memref<640x16xf32, #tpu.memory_space<hbm>>) target_semaphore(%run_scoped3A : memref<!tpu.dma_semaphore, #tpu.memory_space<semaphore_mem>>)
      %dma_wait3A_61 = arith.constant 0 : i32
      %dma_wait3A_62 = tpu.memref_slice %arg6[%arg0, %mul3A_55, %dma_wait3A_61] : memref<2x10240x16xf32, #tpu.memory_space<hbm>> -> memref<1x640x16xf32, #tpu.memory_space<hbm>>
      %dma_wait3A_63 = tpu.memref_squeeze %dma_wait3A_62 : memref<1x640x16xf32, #tpu.memory_space<hbm>> -> memref<640x16xf32, #tpu.memory_space<hbm>>
      %dma_wait3A_64 = arith.constant 0 : i32
      %dma_wait3A_65 = tpu.memref_slice %arg13[%mul3A_53, %dma_wait3A_64] : memref<10240x16xf32, #tpu.memory_space<vmem_shared>> -> memref<640x16xf32, #tpu.memory_space<vmem_shared>>
      tpu.wait_dma2 semaphore(%run_scoped3A : memref<!tpu.dma_semaphore, #tpu.memory_space<semaphore_mem>>) src(%dma_wait3A_65 : memref<640x16xf32, #tpu.memory_space<vmem_shared>>) dst(%dma_wait3A_63 : memref<640x16xf32, #tpu.memory_space<hbm>>)
      tpu.yield
    }) : () -> ()
    return
  }
}

#map = affine_map<(d0, d1) -> (0, 0, 0)>
#map1 = affine_map<(d0, d1) -> (0, 0)>
module attributes {stable_mosaic.version = 14 : i64} {
  func.func @_degree_sc(%arg0: i32, %arg1: i32, %arg2: memref<32x80x125xi32, #tpu.memory_space<hbm>>, %arg3: memref<125x16xf32, #tpu.memory_space<hbm>>, %arg4: memref<10000x16xf32, #tpu.memory_space<hbm>>, %arg5: memref<2x10240x16xf32, #tpu.memory_space<hbm>>, %arg6: memref<80x125xi32, #tpu.memory_space<vmem>>, %arg7: memref<125x16xf32, #tpu.memory_space<vmem>>, %arg8: memref<10240x16xf32, #tpu.memory_space<vmem_shared>>, %arg9: memref<4x!tpu.dma_semaphore, #tpu.memory_space<semaphore_mem>>) attributes {dimension_semantics = [#tpu.dimension_semantics<core_parallel>, #tpu.dimension_semantics<subcore_parallel>], iteration_bounds = array<i64: 2, 16>, scalar_prefetch = 0 : i64, scratch_operands = 4 : i64, tpu.core_type = #tpu.core_type<sc_vector_subcore>, window_params = [{transform_indices = #map}, {transform_indices = #map1}, {transform_indices = #map1}, {transform_indices = #map}]} {
    %mul3A = arith.constant 16 : i32
    %mul3A_0 = arith.muli %arg0, %mul3A : i32
    %add3A = arith.addi %mul3A_0, %arg1 : i32
    "tpu.region"() ({
      %run_scoped3A = tpu.sem_alloc : memref<!tpu.dma_semaphore, #tpu.memory_space<semaphore_mem>>
      %dma_start3A = arith.constant 0 : i32
      %dma_start3A_52 = arith.constant 0 : i32
      %dma_start3A_53 = tpu.memref_slice %arg2[%add3A, %dma_start3A, %dma_start3A_52] : memref<32x80x125xi32, #tpu.memory_space<hbm>> -> memref<1x80x125xi32, #tpu.memory_space<hbm>>
      %dma_start3A_54 = tpu.memref_squeeze %dma_start3A_53 : memref<1x80x125xi32, #tpu.memory_space<hbm>> -> memref<80x125xi32, #tpu.memory_space<hbm>>
      %dma_start3A_55 = arith.constant 0 : i32
      %dma_start3A_56 = arith.constant 0 : i32
      %dma_start3A_57 = tpu.memref_slice %arg2[%add3A, %dma_start3A_55, %dma_start3A_56] : memref<32x80x125xi32, #tpu.memory_space<hbm>> -> memref<1x80x125xi32, #tpu.memory_space<hbm>>
      %dma_start3A_58 = tpu.memref_squeeze %dma_start3A_57 : memref<1x80x125xi32, #tpu.memory_space<hbm>> -> memref<80x125xi32, #tpu.memory_space<hbm>>
      tpu.enqueue_dma source(%dma_start3A_58 : memref<80x125xi32, #tpu.memory_space<hbm>>) target(%arg6 : memref<80x125xi32, #tpu.memory_space<vmem>>) target_semaphore(%run_scoped3A : memref<!tpu.dma_semaphore, #tpu.memory_space<semaphore_mem>>)
      %dma_wait3A_59 = arith.constant 0 : i32
      %dma_wait3A_60 = arith.constant 0 : i32
      %dma_wait3A_61 = tpu.memref_slice %arg2[%add3A, %dma_wait3A_59, %dma_wait3A_60] : memref<32x80x125xi32, #tpu.memory_space<hbm>> -> memref<1x80x125xi32, #tpu.memory_space<hbm>>
      %dma_wait3A_62 = tpu.memref_squeeze %dma_wait3A_61 : memref<1x80x125xi32, #tpu.memory_space<hbm>> -> memref<80x125xi32, #tpu.memory_space<hbm>>
      %dma_wait3A_63 = arith.constant 0 : i32
      %dma_wait3A_64 = arith.constant 0 : i32
      %dma_wait3A_65 = tpu.memref_slice %arg2[%add3A, %dma_wait3A_63, %dma_wait3A_64] : memref<32x80x125xi32, #tpu.memory_space<hbm>> -> memref<1x80x125xi32, #tpu.memory_space<hbm>>
      %dma_wait3A_66 = tpu.memref_squeeze %dma_wait3A_65 : memref<1x80x125xi32, #tpu.memory_space<hbm>> -> memref<80x125xi32, #tpu.memory_space<hbm>>
      tpu.wait_dma2 semaphore(%run_scoped3A : memref<!tpu.dma_semaphore, #tpu.memory_space<semaphore_mem>>) src(%dma_wait3A_66 : memref<80x125xi32, #tpu.memory_space<hbm>>) dst(%arg6 : memref<80x125xi32, #tpu.memory_space<vmem>>)
      tpu.yield
    }) : () -> ()
    "tpu.region"() ({
      %run_scoped3A = tpu.sem_alloc : memref<!tpu.dma_semaphore, #tpu.memory_space<semaphore_mem>>
      tpu.enqueue_dma source(%arg3 : memref<125x16xf32, #tpu.memory_space<hbm>>) target(%arg7 : memref<125x16xf32, #tpu.memory_space<vmem>>) target_semaphore(%run_scoped3A : memref<!tpu.dma_semaphore, #tpu.memory_space<semaphore_mem>>)
      tpu.wait_dma2 semaphore(%run_scoped3A : memref<!tpu.dma_semaphore, #tpu.memory_space<semaphore_mem>>) src(%arg3 : memref<125x16xf32, #tpu.memory_space<hbm>>) dst(%arg7 : memref<125x16xf32, #tpu.memory_space<vmem>>)
      tpu.yield
    }) : () -> ()
    %eq3A = arith.constant 0 : i32
    %eq3A_1 = arith.cmpi eq, %arg1, %eq3A : i32
    %convert_element_type3A = arith.extui %eq3A_1 : i1 to i32
    %cond3A = arith.constant 0 : i32
    %cond3A_2 = arith.cmpi ne, %convert_element_type3A, %cond3A : i32
    scf.if %cond3A_2 {
      "tpu.region"() ({
        %run_scoped3A = tpu.sem_alloc : memref<!tpu.dma_semaphore, #tpu.memory_space<semaphore_mem>>
        %dma_start3A = arith.constant 0 : i32
        %dma_start3A_52 = arith.constant 0 : i32
        %dma_start3A_53 = tpu.memref_slice %arg8[%dma_start3A, %dma_start3A_52] : memref<10240x16xf32, #tpu.memory_space<vmem_shared>> -> memref<10000x16xf32, #tpu.memory_space<vmem_shared>>
        %dma_start3A_54 = arith.constant 0 : i32
        %dma_start3A_55 = arith.constant 0 : i32
        %dma_start3A_56 = tpu.memref_slice %arg4[%dma_start3A_54, %dma_start3A_55] : memref<10000x16xf32, #tpu.memory_space<hbm>> -> memref<10000x16xf32, #tpu.memory_space<hbm>>
        tpu.enqueue_dma source(%dma_start3A_56 : memref<10000x16xf32, #tpu.memory_space<hbm>>) target(%dma_start3A_53 : memref<10000x16xf32, #tpu.memory_space<vmem_shared>>) target_semaphore(%run_scoped3A : memref<!tpu.dma_semaphore, #tpu.memory_space<semaphore_mem>>)
        %dma_wait3A_57 = arith.constant 0 : i32
        %dma_wait3A_58 = arith.constant 0 : i32
        %dma_wait3A_59 = tpu.memref_slice %arg8[%dma_wait3A_57, %dma_wait3A_58] : memref<10240x16xf32, #tpu.memory_space<vmem_shared>> -> memref<10000x16xf32, #tpu.memory_space<vmem_shared>>
        %dma_wait3A_60 = arith.constant 0 : i32
        %dma_wait3A_61 = arith.constant 0 : i32
        %dma_wait3A_62 = tpu.memref_slice %arg4[%dma_wait3A_60, %dma_wait3A_61] : memref<10000x16xf32, #tpu.memory_space<hbm>> -> memref<10000x16xf32, #tpu.memory_space<hbm>>
        tpu.wait_dma2 semaphore(%run_scoped3A : memref<!tpu.dma_semaphore, #tpu.memory_space<semaphore_mem>>) src(%dma_wait3A_62 : memref<10000x16xf32, #tpu.memory_space<hbm>>) dst(%dma_wait3A_59 : memref<10000x16xf32, #tpu.memory_space<vmem_shared>>)
        tpu.yield
      }) : () -> ()
      "tpu.region"() ({
        %run_scoped3A = tpu.sem_alloc : memref<!tpu.dma_semaphore, #tpu.memory_space<semaphore_mem>>
        %dma_start3A = arith.constant 10000 : i32
        %dma_start3A_52 = arith.constant 0 : i32
        %dma_start3A_53 = tpu.memref_slice %arg8[%dma_start3A, %dma_start3A_52] : memref<10240x16xf32, #tpu.memory_space<vmem_shared>> -> memref<240x16xf32, #tpu.memory_space<vmem_shared>>
        %dma_start3A_54 = arith.constant 0 : i32
        %dma_start3A_55 = arith.constant 0 : i32
        %dma_start3A_56 = tpu.memref_slice %arg4[%dma_start3A_54, %dma_start3A_55] : memref<10000x16xf32, #tpu.memory_space<hbm>> -> memref<240x16xf32, #tpu.memory_space<hbm>>
        tpu.enqueue_dma source(%dma_start3A_56 : memref<240x16xf32, #tpu.memory_space<hbm>>) target(%dma_start3A_53 : memref<240x16xf32, #tpu.memory_space<vmem_shared>>) target_semaphore(%run_scoped3A : memref<!tpu.dma_semaphore, #tpu.memory_space<semaphore_mem>>)
        %dma_wait3A_57 = arith.constant 10000 : i32
        %dma_wait3A_58 = arith.constant 0 : i32
        %dma_wait3A_59 = tpu.memref_slice %arg8[%dma_wait3A_57, %dma_wait3A_58] : memref<10240x16xf32, #tpu.memory_space<vmem_shared>> -> memref<240x16xf32, #tpu.memory_space<vmem_shared>>
        %dma_wait3A_60 = arith.constant 0 : i32
        %dma_wait3A_61 = arith.constant 0 : i32
        %dma_wait3A_62 = tpu.memref_slice %arg4[%dma_wait3A_60, %dma_wait3A_61] : memref<10000x16xf32, #tpu.memory_space<hbm>> -> memref<240x16xf32, #tpu.memory_space<hbm>>
        tpu.wait_dma2 semaphore(%run_scoped3A : memref<!tpu.dma_semaphore, #tpu.memory_space<semaphore_mem>>) src(%dma_wait3A_62 : memref<240x16xf32, #tpu.memory_space<hbm>>) dst(%dma_wait3A_59 : memref<240x16xf32, #tpu.memory_space<vmem_shared>>)
        tpu.yield
      }) : () -> ()
    } else {
    }
    %barrier3A = arith.constant 0 : index
    tpu.barrier barrier_id(%barrier3A)
    %scan3A = arith.constant 0 : i32
    %scan3A_3 = arith.constant 0 : i32
    %scan3A_4 = arith.constant 20 : i32
    %scan3A_5 = arith.addi %scan3A_3, %scan3A_4 : i32
    %scan3A_6 = arith.constant 1 : i32
    scf.for %scan3A_52 = %scan3A_3 to %scan3A_5 step %scan3A_6  : i32 {
      %mul3A_53 = arith.constant 4 : i32
      %mul3A_54 = arith.muli %mul3A_53, %scan3A_52 : i32
      %add3A_55 = arith.constant 0 : i32
      %add3A_56 = arith.addi %mul3A_54, %add3A_55 : i32
      %ge3A = arith.constant 4 : i32
      %ge3A_57 = arith.cmpi sge, %add3A_56, %ge3A : i32
      %convert_element_type3A_58 = arith.extui %ge3A_57 : i1 to i32
      %cond3A_59 = arith.constant 0 : i32
      %cond3A_60 = arith.cmpi ne, %convert_element_type3A_58, %cond3A_59 : i32
      scf.if %cond3A_60 {
        %dma_wait3A_123 = arith.constant 0 : i32
        %dma_wait3A_124 = arith.constant 0 : i32
        %dma_wait3A_125 = arith.constant 0 : i32
        %dma_wait3A_126 = tpu.memref_slice %arg6[%dma_wait3A_123, %dma_wait3A_125] : memref<80x125xi32, #tpu.memory_space<vmem>> -> memref<1x125xi32, #tpu.memory_space<vmem>>
        %dma_wait3A_127 = tpu.memref_squeeze %dma_wait3A_126 : memref<1x125xi32, #tpu.memory_space<vmem>> -> memref<125xi32, #tpu.memory_space<vmem>>
        %dma_wait3A_128 = arith.constant 0 : i32
        %dma_wait3A_129 = arith.constant 0 : i32
        %dma_wait3A_130 = tpu.memref_slice %arg8[%dma_wait3A_128, %dma_wait3A_129] : memref<10240x16xf32, #tpu.memory_space<vmem_shared>> -> memref<10240x16xf32, #tpu.memory_space<vmem_shared>>
        %dma_wait3A_131 = tpu.memref_slice %arg9[%dma_wait3A_124] : memref<4x!tpu.dma_semaphore, #tpu.memory_space<semaphore_mem>> -> memref<1x!tpu.dma_semaphore, #tpu.memory_space<semaphore_mem>>
        %dma_wait3A_132 = tpu.memref_squeeze %dma_wait3A_131 : memref<1x!tpu.dma_semaphore, #tpu.memory_space<semaphore_mem>> -> memref<!tpu.dma_semaphore, #tpu.memory_space<semaphore_mem>>
        tpu.wait_indirect_dma semaphore(%dma_wait3A_132 : memref<!tpu.dma_semaphore, #tpu.memory_space<semaphore_mem>>) src(%arg7 : memref<125x16xf32, #tpu.memory_space<vmem>>) dst(%dma_wait3A_130 : memref<10240x16xf32, #tpu.memory_space<vmem_shared>>)
      } else {
      }
      %dma_start3A = arith.constant 0 : i32
      %dma_start3A_61 = arith.constant 0 : i32
      %dma_start3A_62 = tpu.memref_slice %arg6[%add3A_56, %dma_start3A_61] : memref<80x125xi32, #tpu.memory_space<vmem>> -> memref<1x125xi32, #tpu.memory_space<vmem>>
      %dma_start3A_63 = tpu.memref_squeeze %dma_start3A_62 : memref<1x125xi32, #tpu.memory_space<vmem>> -> memref<125xi32, #tpu.memory_space<vmem>>
      %dma_start3A_64 = arith.constant 0 : i32
      %dma_start3A_65 = arith.constant 0 : i32
      %dma_start3A_66 = tpu.memref_slice %arg8[%dma_start3A_64, %dma_start3A_65] : memref<10240x16xf32, #tpu.memory_space<vmem_shared>> -> memref<10240x16xf32, #tpu.memory_space<vmem_shared>>
      %dma_start3A_67 = tpu.memref_slice %arg9[%dma_start3A] : memref<4x!tpu.dma_semaphore, #tpu.memory_space<semaphore_mem>> -> memref<1x!tpu.dma_semaphore, #tpu.memory_space<semaphore_mem>>
      %dma_start3A_68 = tpu.memref_squeeze %dma_start3A_67 : memref<1x!tpu.dma_semaphore, #tpu.memory_space<semaphore_mem>> -> memref<!tpu.dma_semaphore, #tpu.memory_space<semaphore_mem>>
      tpu.enqueue_indirect_dma source(%arg7 : memref<125x16xf32, #tpu.memory_space<vmem>>) target(%dma_start3A_66 : memref<10240x16xf32, #tpu.memory_space<vmem_shared>>) offsets(%dma_start3A_63 : memref<125xi32, #tpu.memory_space<vmem>>) semaphore(%dma_start3A_68 : memref<!tpu.dma_semaphore, #tpu.memory_space<semaphore_mem>>) {add = true}
      %mul3A_69 = arith.constant 4 : i32
      %mul3A_70 = arith.muli %mul3A_69, %scan3A_52 : i32
      %add3A_71 = arith.constant 1 : i32
      %add3A_72 = arith.addi %mul3A_70, %add3A_71 : i32
      %ge3A_73 = arith.constant 4 : i32
      %ge3A_74 = arith.cmpi sge, %add3A_72, %ge3A_73 : i32
      %convert_element_type3A_75 = arith.extui %ge3A_74 : i1 to i32
      %cond3A_76 = arith.constant 0 : i32
      %cond3A_77 = arith.cmpi ne, %convert_element_type3A_75, %cond3A_76 : i32
      scf.if %cond3A_77 {
        %dma_wait3A_123 = arith.constant 0 : i32
        %dma_wait3A_124 = arith.constant 1 : i32
        %dma_wait3A_125 = arith.constant 0 : i32
        %dma_wait3A_126 = tpu.memref_slice %arg6[%dma_wait3A_123, %dma_wait3A_125] : memref<80x125xi32, #tpu.memory_space<vmem>> -> memref<1x125xi32, #tpu.memory_space<vmem>>
        %dma_wait3A_127 = tpu.memref_squeeze %dma_wait3A_126 : memref<1x125xi32, #tpu.memory_space<vmem>> -> memref<125xi32, #tpu.memory_space<vmem>>
        %dma_wait3A_128 = arith.constant 0 : i32
        %dma_wait3A_129 = arith.constant 0 : i32
        %dma_wait3A_130 = tpu.memref_slice %arg8[%dma_wait3A_128, %dma_wait3A_129] : memref<10240x16xf32, #tpu.memory_space<vmem_shared>> -> memref<10240x16xf32, #tpu.memory_space<vmem_shared>>
        %dma_wait3A_131 = tpu.memref_slice %arg9[%dma_wait3A_124] : memref<4x!tpu.dma_semaphore, #tpu.memory_space<semaphore_mem>> -> memref<1x!tpu.dma_semaphore, #tpu.memory_space<semaphore_mem>>
        %dma_wait3A_132 = tpu.memref_squeeze %dma_wait3A_131 : memref<1x!tpu.dma_semaphore, #tpu.memory_space<semaphore_mem>> -> memref<!tpu.dma_semaphore, #tpu.memory_space<semaphore_mem>>
        tpu.wait_indirect_dma semaphore(%dma_wait3A_132 : memref<!tpu.dma_semaphore, #tpu.memory_space<semaphore_mem>>) src(%arg7 : memref<125x16xf32, #tpu.memory_space<vmem>>) dst(%dma_wait3A_130 : memref<10240x16xf32, #tpu.memory_space<vmem_shared>>)
      } else {
      }
      %dma_start3A_78 = arith.constant 1 : i32
      %dma_start3A_79 = arith.constant 0 : i32
      %dma_start3A_80 = tpu.memref_slice %arg6[%add3A_72, %dma_start3A_79] : memref<80x125xi32, #tpu.memory_space<vmem>> -> memref<1x125xi32, #tpu.memory_space<vmem>>
      %dma_start3A_81 = tpu.memref_squeeze %dma_start3A_80 : memref<1x125xi32, #tpu.memory_space<vmem>> -> memref<125xi32, #tpu.memory_space<vmem>>
      %dma_start3A_82 = arith.constant 0 : i32
      %dma_start3A_83 = arith.constant 0 : i32
      %dma_start3A_84 = tpu.memref_slice %arg8[%dma_start3A_82, %dma_start3A_83] : memref<10240x16xf32, #tpu.memory_space<vmem_shared>> -> memref<10240x16xf32, #tpu.memory_space<vmem_shared>>
      %dma_start3A_85 = tpu.memref_slice %arg9[%dma_start3A_78] : memref<4x!tpu.dma_semaphore, #tpu.memory_space<semaphore_mem>> -> memref<1x!tpu.dma_semaphore, #tpu.memory_space<semaphore_mem>>
      %dma_start3A_86 = tpu.memref_squeeze %dma_start3A_85 : memref<1x!tpu.dma_semaphore, #tpu.memory_space<semaphore_mem>> -> memref<!tpu.dma_semaphore, #tpu.memory_space<semaphore_mem>>
      tpu.enqueue_indirect_dma source(%arg7 : memref<125x16xf32, #tpu.memory_space<vmem>>) target(%dma_start3A_84 : memref<10240x16xf32, #tpu.memory_space<vmem_shared>>) offsets(%dma_start3A_81 : memref<125xi32, #tpu.memory_space<vmem>>) semaphore(%dma_start3A_86 : memref<!tpu.dma_semaphore, #tpu.memory_space<semaphore_mem>>) {add = true}
      %mul3A_87 = arith.constant 4 : i32
      %mul3A_88 = arith.muli %mul3A_87, %scan3A_52 : i32
      %add3A_89 = arith.constant 2 : i32
      %add3A_90 = arith.addi %mul3A_88, %add3A_89 : i32
      %ge3A_91 = arith.constant 4 : i32
      %ge3A_92 = arith.cmpi sge, %add3A_90, %ge3A_91 : i32
      %convert_element_type3A_93 = arith.extui %ge3A_92 : i1 to i32
      %cond3A_94 = arith.constant 0 : i32
      %cond3A_95 = arith.cmpi ne, %convert_element_type3A_93, %cond3A_94 : i32
      scf.if %cond3A_95 {
        %dma_wait3A_123 = arith.constant 0 : i32
        %dma_wait3A_124 = arith.constant 2 : i32
        %dma_wait3A_125 = arith.constant 0 : i32
        %dma_wait3A_126 = tpu.memref_slice %arg6[%dma_wait3A_123, %dma_wait3A_125] : memref<80x125xi32, #tpu.memory_space<vmem>> -> memref<1x125xi32, #tpu.memory_space<vmem>>
        %dma_wait3A_127 = tpu.memref_squeeze %dma_wait3A_126 : memref<1x125xi32, #tpu.memory_space<vmem>> -> memref<125xi32, #tpu.memory_space<vmem>>
        %dma_wait3A_128 = arith.constant 0 : i32
        %dma_wait3A_129 = arith.constant 0 : i32
        %dma_wait3A_130 = tpu.memref_slice %arg8[%dma_wait3A_128, %dma_wait3A_129] : memref<10240x16xf32, #tpu.memory_space<vmem_shared>> -> memref<10240x16xf32, #tpu.memory_space<vmem_shared>>
        %dma_wait3A_131 = tpu.memref_slice %arg9[%dma_wait3A_124] : memref<4x!tpu.dma_semaphore, #tpu.memory_space<semaphore_mem>> -> memref<1x!tpu.dma_semaphore, #tpu.memory_space<semaphore_mem>>
        %dma_wait3A_132 = tpu.memref_squeeze %dma_wait3A_131 : memref<1x!tpu.dma_semaphore, #tpu.memory_space<semaphore_mem>> -> memref<!tpu.dma_semaphore, #tpu.memory_space<semaphore_mem>>
        tpu.wait_indirect_dma semaphore(%dma_wait3A_132 : memref<!tpu.dma_semaphore, #tpu.memory_space<semaphore_mem>>) src(%arg7 : memref<125x16xf32, #tpu.memory_space<vmem>>) dst(%dma_wait3A_130 : memref<10240x16xf32, #tpu.memory_space<vmem_shared>>)
      } else {
      }
      %dma_start3A_96 = arith.constant 2 : i32
      %dma_start3A_97 = arith.constant 0 : i32
      %dma_start3A_98 = tpu.memref_slice %arg6[%add3A_90, %dma_start3A_97] : memref<80x125xi32, #tpu.memory_space<vmem>> -> memref<1x125xi32, #tpu.memory_space<vmem>>
      %dma_start3A_99 = tpu.memref_squeeze %dma_start3A_98 : memref<1x125xi32, #tpu.memory_space<vmem>> -> memref<125xi32, #tpu.memory_space<vmem>>
      %dma_start3A_100 = arith.constant 0 : i32
      %dma_start3A_101 = arith.constant 0 : i32
      %dma_start3A_102 = tpu.memref_slice %arg8[%dma_start3A_100, %dma_start3A_101] : memref<10240x16xf32, #tpu.memory_space<vmem_shared>> -> memref<10240x16xf32, #tpu.memory_space<vmem_shared>>
      %dma_start3A_103 = tpu.memref_slice %arg9[%dma_start3A_96] : memref<4x!tpu.dma_semaphore, #tpu.memory_space<semaphore_mem>> -> memref<1x!tpu.dma_semaphore, #tpu.memory_space<semaphore_mem>>
      %dma_start3A_104 = tpu.memref_squeeze %dma_start3A_103 : memref<1x!tpu.dma_semaphore, #tpu.memory_space<semaphore_mem>> -> memref<!tpu.dma_semaphore, #tpu.memory_space<semaphore_mem>>
      tpu.enqueue_indirect_dma source(%arg7 : memref<125x16xf32, #tpu.memory_space<vmem>>) target(%dma_start3A_102 : memref<10240x16xf32, #tpu.memory_space<vmem_shared>>) offsets(%dma_start3A_99 : memref<125xi32, #tpu.memory_space<vmem>>) semaphore(%dma_start3A_104 : memref<!tpu.dma_semaphore, #tpu.memory_space<semaphore_mem>>) {add = true}
      %mul3A_105 = arith.constant 4 : i32
      %mul3A_106 = arith.muli %mul3A_105, %scan3A_52 : i32
      %add3A_107 = arith.constant 3 : i32
      %add3A_108 = arith.addi %mul3A_106, %add3A_107 : i32
      %ge3A_109 = arith.constant 4 : i32
      %ge3A_110 = arith.cmpi sge, %add3A_108, %ge3A_109 : i32
      %convert_element_type3A_111 = arith.extui %ge3A_110 : i1 to i32
      %cond3A_112 = arith.constant 0 : i32
      %cond3A_113 = arith.cmpi ne, %convert_element_type3A_111, %cond3A_112 : i32
      scf.if %cond3A_113 {
        %dma_wait3A_123 = arith.constant 0 : i32
        %dma_wait3A_124 = arith.constant 3 : i32
        %dma_wait3A_125 = arith.constant 0 : i32
        %dma_wait3A_126 = tpu.memref_slice %arg6[%dma_wait3A_123, %dma_wait3A_125] : memref<80x125xi32, #tpu.memory_space<vmem>> -> memref<1x125xi32, #tpu.memory_space<vmem>>
        %dma_wait3A_127 = tpu.memref_squeeze %dma_wait3A_126 : memref<1x125xi32, #tpu.memory_space<vmem>> -> memref<125xi32, #tpu.memory_space<vmem>>
        %dma_wait3A_128 = arith.constant 0 : i32
        %dma_wait3A_129 = arith.constant 0 : i32
        %dma_wait3A_130 = tpu.memref_slice %arg8[%dma_wait3A_128, %dma_wait3A_129] : memref<10240x16xf32, #tpu.memory_space<vmem_shared>> -> memref<10240x16xf32, #tpu.memory_space<vmem_shared>>
        %dma_wait3A_131 = tpu.memref_slice %arg9[%dma_wait3A_124] : memref<4x!tpu.dma_semaphore, #tpu.memory_space<semaphore_mem>> -> memref<1x!tpu.dma_semaphore, #tpu.memory_space<semaphore_mem>>
        %dma_wait3A_132 = tpu.memref_squeeze %dma_wait3A_131 : memref<1x!tpu.dma_semaphore, #tpu.memory_space<semaphore_mem>> -> memref<!tpu.dma_semaphore, #tpu.memory_space<semaphore_mem>>
        tpu.wait_indirect_dma semaphore(%dma_wait3A_132 : memref<!tpu.dma_semaphore, #tpu.memory_space<semaphore_mem>>) src(%arg7 : memref<125x16xf32, #tpu.memory_space<vmem>>) dst(%dma_wait3A_130 : memref<10240x16xf32, #tpu.memory_space<vmem_shared>>)
      } else {
      }
      %dma_start3A_114 = arith.constant 3 : i32
      %dma_start3A_115 = arith.constant 0 : i32
      %dma_start3A_116 = tpu.memref_slice %arg6[%add3A_108, %dma_start3A_115] : memref<80x125xi32, #tpu.memory_space<vmem>> -> memref<1x125xi32, #tpu.memory_space<vmem>>
      %dma_start3A_117 = tpu.memref_squeeze %dma_start3A_116 : memref<1x125xi32, #tpu.memory_space<vmem>> -> memref<125xi32, #tpu.memory_space<vmem>>
      %dma_start3A_118 = arith.constant 0 : i32
      %dma_start3A_119 = arith.constant 0 : i32
      %dma_start3A_120 = tpu.memref_slice %arg8[%dma_start3A_118, %dma_start3A_119] : memref<10240x16xf32, #tpu.memory_space<vmem_shared>> -> memref<10240x16xf32, #tpu.memory_space<vmem_shared>>
      %dma_start3A_121 = tpu.memref_slice %arg9[%dma_start3A_114] : memref<4x!tpu.dma_semaphore, #tpu.memory_space<semaphore_mem>> -> memref<1x!tpu.dma_semaphore, #tpu.memory_space<semaphore_mem>>
      %dma_start3A_122 = tpu.memref_squeeze %dma_start3A_121 : memref<1x!tpu.dma_semaphore, #tpu.memory_space<semaphore_mem>> -> memref<!tpu.dma_semaphore, #tpu.memory_space<semaphore_mem>>
      tpu.enqueue_indirect_dma source(%arg7 : memref<125x16xf32, #tpu.memory_space<vmem>>) target(%dma_start3A_120 : memref<10240x16xf32, #tpu.memory_space<vmem_shared>>) offsets(%dma_start3A_117 : memref<125xi32, #tpu.memory_space<vmem>>) semaphore(%dma_start3A_122 : memref<!tpu.dma_semaphore, #tpu.memory_space<semaphore_mem>>) {add = true}
    }
    %scan3A_7 = arith.constant 20 : i32
    %dma_wait3A = arith.constant 0 : i32
    %dma_wait3A_8 = arith.constant 0 : i32
    %dma_wait3A_9 = arith.constant 0 : i32
    %dma_wait3A_10 = tpu.memref_slice %arg6[%dma_wait3A, %dma_wait3A_9] : memref<80x125xi32, #tpu.memory_space<vmem>> -> memref<1x125xi32, #tpu.memory_space<vmem>>
    %dma_wait3A_11 = tpu.memref_squeeze %dma_wait3A_10 : memref<1x125xi32, #tpu.memory_space<vmem>> -> memref<125xi32, #tpu.memory_space<vmem>>
    %dma_wait3A_12 = arith.constant 0 : i32
    %dma_wait3A_13 = arith.constant 0 : i32
    %dma_wait3A_14 = tpu.memref_slice %arg8[%dma_wait3A_12, %dma_wait3A_13] : memref<10240x16xf32, #tpu.memory_space<vmem_shared>> -> memref<10240x16xf32, #tpu.memory_space<vmem_shared>>
    %dma_wait3A_15 = tpu.memref_slice %arg9[%dma_wait3A_8] : memref<4x!tpu.dma_semaphore, #tpu.memory_space<semaphore_mem>> -> memref<1x!tpu.dma_semaphore, #tpu.memory_space<semaphore_mem>>
    %dma_wait3A_16 = tpu.memref_squeeze %dma_wait3A_15 : memref<1x!tpu.dma_semaphore, #tpu.memory_space<semaphore_mem>> -> memref<!tpu.dma_semaphore, #tpu.memory_space<semaphore_mem>>
    tpu.wait_indirect_dma semaphore(%dma_wait3A_16 : memref<!tpu.dma_semaphore, #tpu.memory_space<semaphore_mem>>) src(%arg7 : memref<125x16xf32, #tpu.memory_space<vmem>>) dst(%dma_wait3A_14 : memref<10240x16xf32, #tpu.memory_space<vmem_shared>>)
    %dma_wait3A_17 = arith.constant 0 : i32
    %dma_wait3A_18 = arith.constant 1 : i32
    %dma_wait3A_19 = arith.constant 0 : i32
    %dma_wait3A_20 = tpu.memref_slice %arg6[%dma_wait3A_17, %dma_wait3A_19] : memref<80x125xi32, #tpu.memory_space<vmem>> -> memref<1x125xi32, #tpu.memory_space<vmem>>
    %dma_wait3A_21 = tpu.memref_squeeze %dma_wait3A_20 : memref<1x125xi32, #tpu.memory_space<vmem>> -> memref<125xi32, #tpu.memory_space<vmem>>
    %dma_wait3A_22 = arith.constant 0 : i32
    %dma_wait3A_23 = arith.constant 0 : i32
    %dma_wait3A_24 = tpu.memref_slice %arg8[%dma_wait3A_22, %dma_wait3A_23] : memref<10240x16xf32, #tpu.memory_space<vmem_shared>> -> memref<10240x16xf32, #tpu.memory_space<vmem_shared>>
    %dma_wait3A_25 = tpu.memref_slice %arg9[%dma_wait3A_18] : memref<4x!tpu.dma_semaphore, #tpu.memory_space<semaphore_mem>> -> memref<1x!tpu.dma_semaphore, #tpu.memory_space<semaphore_mem>>
    %dma_wait3A_26 = tpu.memref_squeeze %dma_wait3A_25 : memref<1x!tpu.dma_semaphore, #tpu.memory_space<semaphore_mem>> -> memref<!tpu.dma_semaphore, #tpu.memory_space<semaphore_mem>>
    tpu.wait_indirect_dma semaphore(%dma_wait3A_26 : memref<!tpu.dma_semaphore, #tpu.memory_space<semaphore_mem>>) src(%arg7 : memref<125x16xf32, #tpu.memory_space<vmem>>) dst(%dma_wait3A_24 : memref<10240x16xf32, #tpu.memory_space<vmem_shared>>)
    %dma_wait3A_27 = arith.constant 0 : i32
    %dma_wait3A_28 = arith.constant 2 : i32
    %dma_wait3A_29 = arith.constant 0 : i32
    %dma_wait3A_30 = tpu.memref_slice %arg6[%dma_wait3A_27, %dma_wait3A_29] : memref<80x125xi32, #tpu.memory_space<vmem>> -> memref<1x125xi32, #tpu.memory_space<vmem>>
    %dma_wait3A_31 = tpu.memref_squeeze %dma_wait3A_30 : memref<1x125xi32, #tpu.memory_space<vmem>> -> memref<125xi32, #tpu.memory_space<vmem>>
    %dma_wait3A_32 = arith.constant 0 : i32
    %dma_wait3A_33 = arith.constant 0 : i32
    %dma_wait3A_34 = tpu.memref_slice %arg8[%dma_wait3A_32, %dma_wait3A_33] : memref<10240x16xf32, #tpu.memory_space<vmem_shared>> -> memref<10240x16xf32, #tpu.memory_space<vmem_shared>>
    %dma_wait3A_35 = tpu.memref_slice %arg9[%dma_wait3A_28] : memref<4x!tpu.dma_semaphore, #tpu.memory_space<semaphore_mem>> -> memref<1x!tpu.dma_semaphore, #tpu.memory_space<semaphore_mem>>
    %dma_wait3A_36 = tpu.memref_squeeze %dma_wait3A_35 : memref<1x!tpu.dma_semaphore, #tpu.memory_space<semaphore_mem>> -> memref<!tpu.dma_semaphore, #tpu.memory_space<semaphore_mem>>
    tpu.wait_indirect_dma semaphore(%dma_wait3A_36 : memref<!tpu.dma_semaphore, #tpu.memory_space<semaphore_mem>>) src(%arg7 : memref<125x16xf32, #tpu.memory_space<vmem>>) dst(%dma_wait3A_34 : memref<10240x16xf32, #tpu.memory_space<vmem_shared>>)
    %dma_wait3A_37 = arith.constant 0 : i32
    %dma_wait3A_38 = arith.constant 3 : i32
    %dma_wait3A_39 = arith.constant 0 : i32
    %dma_wait3A_40 = tpu.memref_slice %arg6[%dma_wait3A_37, %dma_wait3A_39] : memref<80x125xi32, #tpu.memory_space<vmem>> -> memref<1x125xi32, #tpu.memory_space<vmem>>
    %dma_wait3A_41 = tpu.memref_squeeze %dma_wait3A_40 : memref<1x125xi32, #tpu.memory_space<vmem>> -> memref<125xi32, #tpu.memory_space<vmem>>
    %dma_wait3A_42 = arith.constant 0 : i32
    %dma_wait3A_43 = arith.constant 0 : i32
    %dma_wait3A_44 = tpu.memref_slice %arg8[%dma_wait3A_42, %dma_wait3A_43] : memref<10240x16xf32, #tpu.memory_space<vmem_shared>> -> memref<10240x16xf32, #tpu.memory_space<vmem_shared>>
    %dma_wait3A_45 = tpu.memref_slice %arg9[%dma_wait3A_38] : memref<4x!tpu.dma_semaphore, #tpu.memory_space<semaphore_mem>> -> memref<1x!tpu.dma_semaphore, #tpu.memory_space<semaphore_mem>>
    %dma_wait3A_46 = tpu.memref_squeeze %dma_wait3A_45 : memref<1x!tpu.dma_semaphore, #tpu.memory_space<semaphore_mem>> -> memref<!tpu.dma_semaphore, #tpu.memory_space<semaphore_mem>>
    tpu.wait_indirect_dma semaphore(%dma_wait3A_46 : memref<!tpu.dma_semaphore, #tpu.memory_space<semaphore_mem>>) src(%arg7 : memref<125x16xf32, #tpu.memory_space<vmem>>) dst(%dma_wait3A_44 : memref<10240x16xf32, #tpu.memory_space<vmem_shared>>)
    %barrier3A_47 = arith.constant 0 : index
    tpu.barrier barrier_id(%barrier3A_47)
    %mul3A_48 = arith.constant 640 : i32
    %mul3A_49 = arith.muli %arg1, %mul3A_48 : i32
    %mul3A_50 = arith.constant 640 : i32
    %mul3A_51 = arith.muli %arg1, %mul3A_50 : i32
    "tpu.region"() ({
      %run_scoped3A = tpu.sem_alloc : memref<!tpu.dma_semaphore, #tpu.memory_space<semaphore_mem>>
      %dma_start3A = arith.constant 0 : i32
      %dma_start3A_52 = tpu.memref_slice %arg5[%arg0, %mul3A_51, %dma_start3A] : memref<2x10240x16xf32, #tpu.memory_space<hbm>> -> memref<1x640x16xf32, #tpu.memory_space<hbm>>
      %dma_start3A_53 = tpu.memref_squeeze %dma_start3A_52 : memref<1x640x16xf32, #tpu.memory_space<hbm>> -> memref<640x16xf32, #tpu.memory_space<hbm>>
      %dma_start3A_54 = arith.constant 0 : i32
      %dma_start3A_55 = tpu.memref_slice %arg8[%mul3A_49, %dma_start3A_54] : memref<10240x16xf32, #tpu.memory_space<vmem_shared>> -> memref<640x16xf32, #tpu.memory_space<vmem_shared>>
      tpu.enqueue_dma source(%dma_start3A_55 : memref<640x16xf32, #tpu.memory_space<vmem_shared>>) target(%dma_start3A_53 : memref<640x16xf32, #tpu.memory_space<hbm>>) target_semaphore(%run_scoped3A : memref<!tpu.dma_semaphore, #tpu.memory_space<semaphore_mem>>)
      %dma_wait3A_56 = arith.constant 0 : i32
      %dma_wait3A_57 = tpu.memref_slice %arg5[%arg0, %mul3A_51, %dma_wait3A_56] : memref<2x10240x16xf32, #tpu.memory_space<hbm>> -> memref<1x640x16xf32, #tpu.memory_space<hbm>>
      %dma_wait3A_58 = tpu.memref_squeeze %dma_wait3A_57 : memref<1x640x16xf32, #tpu.memory_space<hbm>> -> memref<640x16xf32, #tpu.memory_space<hbm>>
      %dma_wait3A_59 = arith.constant 0 : i32
      %dma_wait3A_60 = tpu.memref_slice %arg8[%mul3A_49, %dma_wait3A_59] : memref<10240x16xf32, #tpu.memory_space<vmem_shared>> -> memref<640x16xf32, #tpu.memory_space<vmem_shared>>
      tpu.wait_dma2 semaphore(%run_scoped3A : memref<!tpu.dma_semaphore, #tpu.memory_space<semaphore_mem>>) src(%dma_wait3A_60 : memref<640x16xf32, #tpu.memory_space<vmem_shared>>) dst(%dma_wait3A_58 : memref<640x16xf32, #tpu.memory_space<hbm>>)
      tpu.yield
    }) : () -> ()
    return
  }
}

#map = affine_map<(d0, d1) -> (0, 0)>
#map1 = affine_map<(d0, d1) -> (0, 0, 0)>
module attributes {stable_mosaic.version = 14 : i64} {
  func.func @agg(%arg0: i32, %arg1: i32, %arg2: memref<10000x32xf32, #tpu.memory_space<hbm>>, %arg3: memref<32x80x125xi32, #tpu.memory_space<hbm>>, %arg4: memref<32x80x125xi32, #tpu.memory_space<hbm>>, %arg5: memref<10000x32xf32, #tpu.memory_space<hbm>>, %arg6: memref<2x10240x32xf32, #tpu.memory_space<hbm>>, %arg7: memref<80x125xi32, #tpu.memory_space<vmem>>, %arg8: memref<80x125xi32, #tpu.memory_space<vmem>>, %arg9: memref<125x32xf32, #tpu.memory_space<vmem>>, %arg10: memref<125x32xf32, #tpu.memory_space<vmem>>, %arg11: memref<125x32xf32, #tpu.memory_space<vmem>>, %arg12: memref<125x32xf32, #tpu.memory_space<vmem>>, %arg13: memref<10240x32xf32, #tpu.memory_space<vmem_shared>>, %arg14: memref<10240x32xf32, #tpu.memory_space<vmem_shared>>, %arg15: memref<4x!tpu.dma_semaphore, #tpu.memory_space<semaphore_mem>>, %arg16: memref<4x!tpu.dma_semaphore, #tpu.memory_space<semaphore_mem>>) attributes {dimension_semantics = [#tpu.dimension_semantics<core_parallel>, #tpu.dimension_semantics<subcore_parallel>], iteration_bounds = array<i64: 2, 16>, scalar_prefetch = 0 : i64, scratch_operands = 10 : i64, tpu.core_type = #tpu.core_type<sc_vector_subcore>, window_params = [{transform_indices = #map}, {transform_indices = #map1}, {transform_indices = #map1}, {transform_indices = #map}, {transform_indices = #map1}]} {
    %mul3A = arith.constant 16 : i32
    %mul3A_0 = arith.muli %arg0, %mul3A : i32
    %add3A = arith.addi %mul3A_0, %arg1 : i32
    "tpu.region"() ({
      %run_scoped3A = tpu.sem_alloc : memref<!tpu.dma_semaphore, #tpu.memory_space<semaphore_mem>>
      %dma_start3A_56 = arith.constant 0 : i32
      %dma_start3A_57 = arith.constant 0 : i32
      %dma_start3A_58 = tpu.memref_slice %arg3[%add3A, %dma_start3A_56, %dma_start3A_57] : memref<32x80x125xi32, #tpu.memory_space<hbm>> -> memref<1x80x125xi32, #tpu.memory_space<hbm>>
      %dma_start3A_59 = tpu.memref_squeeze %dma_start3A_58 : memref<1x80x125xi32, #tpu.memory_space<hbm>> -> memref<80x125xi32, #tpu.memory_space<hbm>>
      %dma_start3A_60 = arith.constant 0 : i32
      %dma_start3A_61 = arith.constant 0 : i32
      %dma_start3A_62 = tpu.memref_slice %arg3[%add3A, %dma_start3A_60, %dma_start3A_61] : memref<32x80x125xi32, #tpu.memory_space<hbm>> -> memref<1x80x125xi32, #tpu.memory_space<hbm>>
      %dma_start3A_63 = tpu.memref_squeeze %dma_start3A_62 : memref<1x80x125xi32, #tpu.memory_space<hbm>> -> memref<80x125xi32, #tpu.memory_space<hbm>>
      tpu.enqueue_dma source(%dma_start3A_63 : memref<80x125xi32, #tpu.memory_space<hbm>>) target(%arg7 : memref<80x125xi32, #tpu.memory_space<vmem>>) target_semaphore(%run_scoped3A : memref<!tpu.dma_semaphore, #tpu.memory_space<semaphore_mem>>)
      %dma_wait3A_64 = arith.constant 0 : i32
      %dma_wait3A_65 = arith.constant 0 : i32
      %dma_wait3A_66 = tpu.memref_slice %arg3[%add3A, %dma_wait3A_64, %dma_wait3A_65] : memref<32x80x125xi32, #tpu.memory_space<hbm>> -> memref<1x80x125xi32, #tpu.memory_space<hbm>>
      %dma_wait3A_67 = tpu.memref_squeeze %dma_wait3A_66 : memref<1x80x125xi32, #tpu.memory_space<hbm>> -> memref<80x125xi32, #tpu.memory_space<hbm>>
      %dma_wait3A_68 = arith.constant 0 : i32
      %dma_wait3A_69 = arith.constant 0 : i32
      %dma_wait3A_70 = tpu.memref_slice %arg3[%add3A, %dma_wait3A_68, %dma_wait3A_69] : memref<32x80x125xi32, #tpu.memory_space<hbm>> -> memref<1x80x125xi32, #tpu.memory_space<hbm>>
      %dma_wait3A_71 = tpu.memref_squeeze %dma_wait3A_70 : memref<1x80x125xi32, #tpu.memory_space<hbm>> -> memref<80x125xi32, #tpu.memory_space<hbm>>
      tpu.wait_dma2 semaphore(%run_scoped3A : memref<!tpu.dma_semaphore, #tpu.memory_space<semaphore_mem>>) src(%dma_wait3A_71 : memref<80x125xi32, #tpu.memory_space<hbm>>) dst(%arg7 : memref<80x125xi32, #tpu.memory_space<vmem>>)
      tpu.yield
    }) : () -> ()
    "tpu.region"() ({
      %run_scoped3A = tpu.sem_alloc : memref<!tpu.dma_semaphore, #tpu.memory_space<semaphore_mem>>
      %dma_start3A_56 = arith.constant 0 : i32
      %dma_start3A_57 = arith.constant 0 : i32
      %dma_start3A_58 = tpu.memref_slice %arg4[%add3A, %dma_start3A_56, %dma_start3A_57] : memref<32x80x125xi32, #tpu.memory_space<hbm>> -> memref<1x80x125xi32, #tpu.memory_space<hbm>>
      %dma_start3A_59 = tpu.memref_squeeze %dma_start3A_58 : memref<1x80x125xi32, #tpu.memory_space<hbm>> -> memref<80x125xi32, #tpu.memory_space<hbm>>
      %dma_start3A_60 = arith.constant 0 : i32
      %dma_start3A_61 = arith.constant 0 : i32
      %dma_start3A_62 = tpu.memref_slice %arg4[%add3A, %dma_start3A_60, %dma_start3A_61] : memref<32x80x125xi32, #tpu.memory_space<hbm>> -> memref<1x80x125xi32, #tpu.memory_space<hbm>>
      %dma_start3A_63 = tpu.memref_squeeze %dma_start3A_62 : memref<1x80x125xi32, #tpu.memory_space<hbm>> -> memref<80x125xi32, #tpu.memory_space<hbm>>
      tpu.enqueue_dma source(%dma_start3A_63 : memref<80x125xi32, #tpu.memory_space<hbm>>) target(%arg8 : memref<80x125xi32, #tpu.memory_space<vmem>>) target_semaphore(%run_scoped3A : memref<!tpu.dma_semaphore, #tpu.memory_space<semaphore_mem>>)
      %dma_wait3A_64 = arith.constant 0 : i32
      %dma_wait3A_65 = arith.constant 0 : i32
      %dma_wait3A_66 = tpu.memref_slice %arg4[%add3A, %dma_wait3A_64, %dma_wait3A_65] : memref<32x80x125xi32, #tpu.memory_space<hbm>> -> memref<1x80x125xi32, #tpu.memory_space<hbm>>
      %dma_wait3A_67 = tpu.memref_squeeze %dma_wait3A_66 : memref<1x80x125xi32, #tpu.memory_space<hbm>> -> memref<80x125xi32, #tpu.memory_space<hbm>>
      %dma_wait3A_68 = arith.constant 0 : i32
      %dma_wait3A_69 = arith.constant 0 : i32
      %dma_wait3A_70 = tpu.memref_slice %arg4[%add3A, %dma_wait3A_68, %dma_wait3A_69] : memref<32x80x125xi32, #tpu.memory_space<hbm>> -> memref<1x80x125xi32, #tpu.memory_space<hbm>>
      %dma_wait3A_71 = tpu.memref_squeeze %dma_wait3A_70 : memref<1x80x125xi32, #tpu.memory_space<hbm>> -> memref<80x125xi32, #tpu.memory_space<hbm>>
      tpu.wait_dma2 semaphore(%run_scoped3A : memref<!tpu.dma_semaphore, #tpu.memory_space<semaphore_mem>>) src(%dma_wait3A_71 : memref<80x125xi32, #tpu.memory_space<hbm>>) dst(%arg8 : memref<80x125xi32, #tpu.memory_space<vmem>>)
      tpu.yield
    }) : () -> ()
    %eq3A = arith.constant 0 : i32
    %eq3A_1 = arith.cmpi eq, %arg1, %eq3A : i32
    %convert_element_type3A = arith.extui %eq3A_1 : i1 to i32
    %cond3A = arith.constant 0 : i32
    %cond3A_2 = arith.cmpi ne, %convert_element_type3A, %cond3A : i32
    scf.if %cond3A_2 {
      %eq3A_56 = arith.constant 0 : i32
      %eq3A_57 = arith.cmpi eq, %arg0, %eq3A_56 : i32
      %convert_element_type3A_58 = arith.extui %eq3A_57 : i1 to i32
      %cond3A_59 = arith.constant 0 : i32
      %cond3A_60 = arith.cmpi ne, %convert_element_type3A_58, %cond3A_59 : i32
      scf.if %cond3A_60 {
        "tpu.region"() ({
          %run_scoped3A = tpu.sem_alloc : memref<!tpu.dma_semaphore, #tpu.memory_space<semaphore_mem>>
          %dma_start3A_65 = arith.constant 0 : i32
          %dma_start3A_66 = arith.constant 0 : i32
          %dma_start3A_67 = tpu.memref_slice %arg13[%dma_start3A_65, %dma_start3A_66] : memref<10240x32xf32, #tpu.memory_space<vmem_shared>> -> memref<10000x32xf32, #tpu.memory_space<vmem_shared>>
          %dma_start3A_68 = arith.constant 0 : i32
          %dma_start3A_69 = arith.constant 0 : i32
          %dma_start3A_70 = tpu.memref_slice %arg2[%dma_start3A_68, %dma_start3A_69] : memref<10000x32xf32, #tpu.memory_space<hbm>> -> memref<10000x32xf32, #tpu.memory_space<hbm>>
          tpu.enqueue_dma source(%dma_start3A_70 : memref<10000x32xf32, #tpu.memory_space<hbm>>) target(%dma_start3A_67 : memref<10000x32xf32, #tpu.memory_space<vmem_shared>>) target_semaphore(%run_scoped3A : memref<!tpu.dma_semaphore, #tpu.memory_space<semaphore_mem>>)
          %dma_wait3A_71 = arith.constant 0 : i32
          %dma_wait3A_72 = arith.constant 0 : i32
          %dma_wait3A_73 = tpu.memref_slice %arg13[%dma_wait3A_71, %dma_wait3A_72] : memref<10240x32xf32, #tpu.memory_space<vmem_shared>> -> memref<10000x32xf32, #tpu.memory_space<vmem_shared>>
          %dma_wait3A_74 = arith.constant 0 : i32
          %dma_wait3A_75 = arith.constant 0 : i32
          %dma_wait3A_76 = tpu.memref_slice %arg2[%dma_wait3A_74, %dma_wait3A_75] : memref<10000x32xf32, #tpu.memory_space<hbm>> -> memref<10000x32xf32, #tpu.memory_space<hbm>>
          tpu.wait_dma2 semaphore(%run_scoped3A : memref<!tpu.dma_semaphore, #tpu.memory_space<semaphore_mem>>) src(%dma_wait3A_76 : memref<10000x32xf32, #tpu.memory_space<hbm>>) dst(%dma_wait3A_73 : memref<10000x32xf32, #tpu.memory_space<vmem_shared>>)
          tpu.yield
        }) : () -> ()
      } else {
      }
      %ne3A = arith.constant 0 : i32
      %ne3A_61 = arith.cmpi ne, %arg0, %ne3A : i32
      %convert_element_type3A_62 = arith.extui %ne3A_61 : i1 to i32
      %cond3A_63 = arith.constant 0 : i32
      %cond3A_64 = arith.cmpi ne, %convert_element_type3A_62, %cond3A_63 : i32
      scf.if %cond3A_64 {
        "tpu.region"() ({
          %run_scoped3A = tpu.sem_alloc : memref<!tpu.dma_semaphore, #tpu.memory_space<semaphore_mem>>
          %dma_start3A_65 = arith.constant 0 : i32
          %dma_start3A_66 = arith.constant 0 : i32
          %dma_start3A_67 = tpu.memref_slice %arg13[%dma_start3A_65, %dma_start3A_66] : memref<10240x32xf32, #tpu.memory_space<vmem_shared>> -> memref<10000x32xf32, #tpu.memory_space<vmem_shared>>
          %dma_start3A_68 = arith.constant 0 : i32
          %dma_start3A_69 = arith.constant 0 : i32
          %dma_start3A_70 = tpu.memref_slice %arg5[%dma_start3A_68, %dma_start3A_69] : memref<10000x32xf32, #tpu.memory_space<hbm>> -> memref<10000x32xf32, #tpu.memory_space<hbm>>
          tpu.enqueue_dma source(%dma_start3A_70 : memref<10000x32xf32, #tpu.memory_space<hbm>>) target(%dma_start3A_67 : memref<10000x32xf32, #tpu.memory_space<vmem_shared>>) target_semaphore(%run_scoped3A : memref<!tpu.dma_semaphore, #tpu.memory_space<semaphore_mem>>)
          %dma_wait3A_71 = arith.constant 0 : i32
          %dma_wait3A_72 = arith.constant 0 : i32
          %dma_wait3A_73 = tpu.memref_slice %arg13[%dma_wait3A_71, %dma_wait3A_72] : memref<10240x32xf32, #tpu.memory_space<vmem_shared>> -> memref<10000x32xf32, #tpu.memory_space<vmem_shared>>
          %dma_wait3A_74 = arith.constant 0 : i32
          %dma_wait3A_75 = arith.constant 0 : i32
          %dma_wait3A_76 = tpu.memref_slice %arg5[%dma_wait3A_74, %dma_wait3A_75] : memref<10000x32xf32, #tpu.memory_space<hbm>> -> memref<10000x32xf32, #tpu.memory_space<hbm>>
          tpu.wait_dma2 semaphore(%run_scoped3A : memref<!tpu.dma_semaphore, #tpu.memory_space<semaphore_mem>>) src(%dma_wait3A_76 : memref<10000x32xf32, #tpu.memory_space<hbm>>) dst(%dma_wait3A_73 : memref<10000x32xf32, #tpu.memory_space<vmem_shared>>)
          tpu.yield
        }) : () -> ()
      } else {
      }
      "tpu.region"() ({
        %run_scoped3A = tpu.sem_alloc : memref<!tpu.dma_semaphore, #tpu.memory_space<semaphore_mem>>
        %dma_start3A_65 = arith.constant 10000 : i32
        %dma_start3A_66 = arith.constant 0 : i32
        %dma_start3A_67 = tpu.memref_slice %arg13[%dma_start3A_65, %dma_start3A_66] : memref<10240x32xf32, #tpu.memory_space<vmem_shared>> -> memref<240x32xf32, #tpu.memory_space<vmem_shared>>
        %dma_start3A_68 = arith.constant 0 : i32
        %dma_start3A_69 = arith.constant 0 : i32
        %dma_start3A_70 = tpu.memref_slice %arg5[%dma_start3A_68, %dma_start3A_69] : memref<10000x32xf32, #tpu.memory_space<hbm>> -> memref<240x32xf32, #tpu.memory_space<hbm>>
        tpu.enqueue_dma source(%dma_start3A_70 : memref<240x32xf32, #tpu.memory_space<hbm>>) target(%dma_start3A_67 : memref<240x32xf32, #tpu.memory_space<vmem_shared>>) target_semaphore(%run_scoped3A : memref<!tpu.dma_semaphore, #tpu.memory_space<semaphore_mem>>)
        %dma_wait3A_71 = arith.constant 10000 : i32
        %dma_wait3A_72 = arith.constant 0 : i32
        %dma_wait3A_73 = tpu.memref_slice %arg13[%dma_wait3A_71, %dma_wait3A_72] : memref<10240x32xf32, #tpu.memory_space<vmem_shared>> -> memref<240x32xf32, #tpu.memory_space<vmem_shared>>
        %dma_wait3A_74 = arith.constant 0 : i32
        %dma_wait3A_75 = arith.constant 0 : i32
        %dma_wait3A_76 = tpu.memref_slice %arg5[%dma_wait3A_74, %dma_wait3A_75] : memref<10000x32xf32, #tpu.memory_space<hbm>> -> memref<240x32xf32, #tpu.memory_space<hbm>>
        tpu.wait_dma2 semaphore(%run_scoped3A : memref<!tpu.dma_semaphore, #tpu.memory_space<semaphore_mem>>) src(%dma_wait3A_76 : memref<240x32xf32, #tpu.memory_space<hbm>>) dst(%dma_wait3A_73 : memref<240x32xf32, #tpu.memory_space<vmem_shared>>)
        tpu.yield
      }) : () -> ()
    } else {
    }
    %eq3A_3 = arith.constant 1 : i32
    %eq3A_4 = arith.cmpi eq, %arg1, %eq3A_3 : i32
    %convert_element_type3A_5 = arith.extui %eq3A_4 : i1 to i32
    %cond3A_6 = arith.constant 0 : i32
    %cond3A_7 = arith.cmpi ne, %convert_element_type3A_5, %cond3A_6 : i32
    scf.if %cond3A_7 {
      "tpu.region"() ({
        %run_scoped3A = tpu.sem_alloc : memref<!tpu.dma_semaphore, #tpu.memory_space<semaphore_mem>>
        %dma_start3A_56 = arith.constant 0 : i32
        %dma_start3A_57 = arith.constant 0 : i32
        %dma_start3A_58 = tpu.memref_slice %arg14[%dma_start3A_56, %dma_start3A_57] : memref<10240x32xf32, #tpu.memory_space<vmem_shared>> -> memref<10000x32xf32, #tpu.memory_space<vmem_shared>>
        %dma_start3A_59 = arith.constant 0 : i32
        %dma_start3A_60 = arith.constant 0 : i32
        %dma_start3A_61 = tpu.memref_slice %arg2[%dma_start3A_59, %dma_start3A_60] : memref<10000x32xf32, #tpu.memory_space<hbm>> -> memref<10000x32xf32, #tpu.memory_space<hbm>>
        tpu.enqueue_dma source(%dma_start3A_61 : memref<10000x32xf32, #tpu.memory_space<hbm>>) target(%dma_start3A_58 : memref<10000x32xf32, #tpu.memory_space<vmem_shared>>) target_semaphore(%run_scoped3A : memref<!tpu.dma_semaphore, #tpu.memory_space<semaphore_mem>>)
        %dma_wait3A_62 = arith.constant 0 : i32
        %dma_wait3A_63 = arith.constant 0 : i32
        %dma_wait3A_64 = tpu.memref_slice %arg14[%dma_wait3A_62, %dma_wait3A_63] : memref<10240x32xf32, #tpu.memory_space<vmem_shared>> -> memref<10000x32xf32, #tpu.memory_space<vmem_shared>>
        %dma_wait3A_65 = arith.constant 0 : i32
        %dma_wait3A_66 = arith.constant 0 : i32
        %dma_wait3A_67 = tpu.memref_slice %arg2[%dma_wait3A_65, %dma_wait3A_66] : memref<10000x32xf32, #tpu.memory_space<hbm>> -> memref<10000x32xf32, #tpu.memory_space<hbm>>
        tpu.wait_dma2 semaphore(%run_scoped3A : memref<!tpu.dma_semaphore, #tpu.memory_space<semaphore_mem>>) src(%dma_wait3A_67 : memref<10000x32xf32, #tpu.memory_space<hbm>>) dst(%dma_wait3A_64 : memref<10000x32xf32, #tpu.memory_space<vmem_shared>>)
        tpu.yield
      }) : () -> ()
    } else {
    }
    %barrier3A = arith.constant 0 : index
    tpu.barrier barrier_id(%barrier3A)
    %dma_start3A = arith.constant 0 : i32
    %dma_start3A_8 = arith.constant 0 : i32
    %dma_start3A_9 = arith.constant 0 : i32
    %dma_start3A_10 = tpu.memref_slice %arg7[%dma_start3A, %dma_start3A_9] : memref<80x125xi32, #tpu.memory_space<vmem>> -> memref<1x125xi32, #tpu.memory_space<vmem>>
    %dma_start3A_11 = tpu.memref_squeeze %dma_start3A_10 : memref<1x125xi32, #tpu.memory_space<vmem>> -> memref<125xi32, #tpu.memory_space<vmem>>
    %dma_start3A_12 = arith.constant 0 : i32
    %dma_start3A_13 = arith.constant 0 : i32
    %dma_start3A_14 = tpu.memref_slice %arg14[%dma_start3A_12, %dma_start3A_13] : memref<10240x32xf32, #tpu.memory_space<vmem_shared>> -> memref<10240x32xf32, #tpu.memory_space<vmem_shared>>
    %dma_start3A_15 = tpu.memref_slice %arg15[%dma_start3A_8] : memref<4x!tpu.dma_semaphore, #tpu.memory_space<semaphore_mem>> -> memref<1x!tpu.dma_semaphore, #tpu.memory_space<semaphore_mem>>
    %dma_start3A_16 = tpu.memref_squeeze %dma_start3A_15 : memref<1x!tpu.dma_semaphore, #tpu.memory_space<semaphore_mem>> -> memref<!tpu.dma_semaphore, #tpu.memory_space<semaphore_mem>>
    tpu.enqueue_indirect_dma source(%dma_start3A_14 : memref<10240x32xf32, #tpu.memory_space<vmem_shared>>) target(%arg9 : memref<125x32xf32, #tpu.memory_space<vmem>>) offsets(%dma_start3A_11 : memref<125xi32, #tpu.memory_space<vmem>>) semaphore(%dma_start3A_16 : memref<!tpu.dma_semaphore, #tpu.memory_space<semaphore_mem>>)
    %dma_start3A_17 = arith.constant 1 : i32
    %dma_start3A_18 = arith.constant 1 : i32
    %dma_start3A_19 = arith.constant 0 : i32
    %dma_start3A_20 = tpu.memref_slice %arg7[%dma_start3A_17, %dma_start3A_19] : memref<80x125xi32, #tpu.memory_space<vmem>> -> memref<1x125xi32, #tpu.memory_space<vmem>>
    %dma_start3A_21 = tpu.memref_squeeze %dma_start3A_20 : memref<1x125xi32, #tpu.memory_space<vmem>> -> memref<125xi32, #tpu.memory_space<vmem>>
    %dma_start3A_22 = arith.constant 0 : i32
    %dma_start3A_23 = arith.constant 0 : i32
    %dma_start3A_24 = tpu.memref_slice %arg14[%dma_start3A_22, %dma_start3A_23] : memref<10240x32xf32, #tpu.memory_space<vmem_shared>> -> memref<10240x32xf32, #tpu.memory_space<vmem_shared>>
    %dma_start3A_25 = tpu.memref_slice %arg15[%dma_start3A_18] : memref<4x!tpu.dma_semaphore, #tpu.memory_space<semaphore_mem>> -> memref<1x!tpu.dma_semaphore, #tpu.memory_space<semaphore_mem>>
    %dma_start3A_26 = tpu.memref_squeeze %dma_start3A_25 : memref<1x!tpu.dma_semaphore, #tpu.memory_space<semaphore_mem>> -> memref<!tpu.dma_semaphore, #tpu.memory_space<semaphore_mem>>
    tpu.enqueue_indirect_dma source(%dma_start3A_24 : memref<10240x32xf32, #tpu.memory_space<vmem_shared>>) target(%arg10 : memref<125x32xf32, #tpu.memory_space<vmem>>) offsets(%dma_start3A_21 : memref<125xi32, #tpu.memory_space<vmem>>) semaphore(%dma_start3A_26 : memref<!tpu.dma_semaphore, #tpu.memory_space<semaphore_mem>>)
    %scan3A = arith.constant 0 : i32
    %scan3A_27 = arith.constant 0 : i32
    %scan3A_28 = arith.constant 20 : i32
    %scan3A_29 = arith.addi %scan3A_27, %scan3A_28 : i32
    %scan3A_30 = arith.constant 1 : i32
    scf.for %scan3A_56 = %scan3A_27 to %scan3A_29 step %scan3A_30  : i32 {
      %mul3A_57 = arith.constant 4 : i32
      %mul3A_58 = arith.muli %mul3A_57, %scan3A_56 : i32
      %add3A_59 = arith.constant 0 : i32
      %add3A_60 = arith.addi %mul3A_58, %add3A_59 : i32
      %ge3A = arith.constant 2 : i32
      %ge3A_61 = arith.cmpi sge, %add3A_60, %ge3A : i32
      %convert_element_type3A_62 = arith.extui %ge3A_61 : i1 to i32
      %cond3A_63 = arith.constant 0 : i32
      %cond3A_64 = arith.cmpi ne, %convert_element_type3A_62, %cond3A_63 : i32
      scf.if %cond3A_64 {
        %dma_wait3A_191 = arith.constant 0 : i32
        %dma_wait3A_192 = arith.constant 2 : i32
        %dma_wait3A_193 = arith.constant 0 : i32
        %dma_wait3A_194 = tpu.memref_slice %arg8[%dma_wait3A_191, %dma_wait3A_193] : memref<80x125xi32, #tpu.memory_space<vmem>> -> memref<1x125xi32, #tpu.memory_space<vmem>>
        %dma_wait3A_195 = tpu.memref_squeeze %dma_wait3A_194 : memref<1x125xi32, #tpu.memory_space<vmem>> -> memref<125xi32, #tpu.memory_space<vmem>>
        %dma_wait3A_196 = arith.constant 0 : i32
        %dma_wait3A_197 = arith.constant 0 : i32
        %dma_wait3A_198 = tpu.memref_slice %arg13[%dma_wait3A_196, %dma_wait3A_197] : memref<10240x32xf32, #tpu.memory_space<vmem_shared>> -> memref<10240x32xf32, #tpu.memory_space<vmem_shared>>
        %dma_wait3A_199 = tpu.memref_slice %arg16[%dma_wait3A_192] : memref<4x!tpu.dma_semaphore, #tpu.memory_space<semaphore_mem>> -> memref<1x!tpu.dma_semaphore, #tpu.memory_space<semaphore_mem>>
        %dma_wait3A_200 = tpu.memref_squeeze %dma_wait3A_199 : memref<1x!tpu.dma_semaphore, #tpu.memory_space<semaphore_mem>> -> memref<!tpu.dma_semaphore, #tpu.memory_space<semaphore_mem>>
        tpu.wait_indirect_dma semaphore(%dma_wait3A_200 : memref<!tpu.dma_semaphore, #tpu.memory_space<semaphore_mem>>) src(%arg11 : memref<125x32xf32, #tpu.memory_space<vmem>>) dst(%dma_wait3A_198 : memref<10240x32xf32, #tpu.memory_space<vmem_shared>>)
      } else {
      }
      %add3A_65 = arith.constant 2 : i32
      %add3A_66 = arith.addi %add3A_60, %add3A_65 : i32
      %lt3A = arith.constant 80 : i32
      %lt3A_67 = arith.cmpi slt, %add3A_66, %lt3A : i32
      %convert_element_type3A_68 = arith.extui %lt3A_67 : i1 to i32
      %cond3A_69 = arith.constant 0 : i32
      %cond3A_70 = arith.cmpi ne, %convert_element_type3A_68, %cond3A_69 : i32
      scf.if %cond3A_70 {
        %add3A_191 = arith.constant 2 : i32
        %add3A_192 = arith.addi %add3A_60, %add3A_191 : i32
        %dma_start3A_193 = arith.constant 2 : i32
        %dma_start3A_194 = arith.constant 0 : i32
        %dma_start3A_195 = tpu.memref_slice %arg7[%add3A_192, %dma_start3A_194] : memref<80x125xi32, #tpu.memory_space<vmem>> -> memref<1x125xi32, #tpu.memory_space<vmem>>
        %dma_start3A_196 = tpu.memref_squeeze %dma_start3A_195 : memref<1x125xi32, #tpu.memory_space<vmem>> -> memref<125xi32, #tpu.memory_space<vmem>>
        %dma_start3A_197 = arith.constant 0 : i32
        %dma_start3A_198 = arith.constant 0 : i32
        %dma_start3A_199 = tpu.memref_slice %arg14[%dma_start3A_197, %dma_start3A_198] : memref<10240x32xf32, #tpu.memory_space<vmem_shared>> -> memref<10240x32xf32, #tpu.memory_space<vmem_shared>>
        %dma_start3A_200 = tpu.memref_slice %arg15[%dma_start3A_193] : memref<4x!tpu.dma_semaphore, #tpu.memory_space<semaphore_mem>> -> memref<1x!tpu.dma_semaphore, #tpu.memory_space<semaphore_mem>>
        %dma_start3A_201 = tpu.memref_squeeze %dma_start3A_200 : memref<1x!tpu.dma_semaphore, #tpu.memory_space<semaphore_mem>> -> memref<!tpu.dma_semaphore, #tpu.memory_space<semaphore_mem>>
        tpu.enqueue_indirect_dma source(%dma_start3A_199 : memref<10240x32xf32, #tpu.memory_space<vmem_shared>>) target(%arg11 : memref<125x32xf32, #tpu.memory_space<vmem>>) offsets(%dma_start3A_196 : memref<125xi32, #tpu.memory_space<vmem>>) semaphore(%dma_start3A_201 : memref<!tpu.dma_semaphore, #tpu.memory_space<semaphore_mem>>)
      } else {
      }
      %dma_wait3A_71 = arith.constant 0 : i32
      %dma_wait3A_72 = arith.constant 0 : i32
      %dma_wait3A_73 = tpu.memref_slice %arg7[%add3A_60, %dma_wait3A_72] : memref<80x125xi32, #tpu.memory_space<vmem>> -> memref<1x125xi32, #tpu.memory_space<vmem>>
      %dma_wait3A_74 = tpu.memref_squeeze %dma_wait3A_73 : memref<1x125xi32, #tpu.memory_space<vmem>> -> memref<125xi32, #tpu.memory_space<vmem>>
      %dma_wait3A_75 = arith.constant 0 : i32
      %dma_wait3A_76 = arith.constant 0 : i32
      %dma_wait3A_77 = tpu.memref_slice %arg14[%dma_wait3A_75, %dma_wait3A_76] : memref<10240x32xf32, #tpu.memory_space<vmem_shared>> -> memref<10240x32xf32, #tpu.memory_space<vmem_shared>>
      %dma_wait3A_78 = tpu.memref_slice %arg15[%dma_wait3A_71] : memref<4x!tpu.dma_semaphore, #tpu.memory_space<semaphore_mem>> -> memref<1x!tpu.dma_semaphore, #tpu.memory_space<semaphore_mem>>
      %dma_wait3A_79 = tpu.memref_squeeze %dma_wait3A_78 : memref<1x!tpu.dma_semaphore, #tpu.memory_space<semaphore_mem>> -> memref<!tpu.dma_semaphore, #tpu.memory_space<semaphore_mem>>
      tpu.wait_indirect_dma semaphore(%dma_wait3A_79 : memref<!tpu.dma_semaphore, #tpu.memory_space<semaphore_mem>>) src(%dma_wait3A_77 : memref<10240x32xf32, #tpu.memory_space<vmem_shared>>) dst(%arg9 : memref<125x32xf32, #tpu.memory_space<vmem>>)
      %dma_start3A_80 = arith.constant 0 : i32
      %dma_start3A_81 = arith.constant 0 : i32
      %dma_start3A_82 = tpu.memref_slice %arg8[%add3A_60, %dma_start3A_81] : memref<80x125xi32, #tpu.memory_space<vmem>> -> memref<1x125xi32, #tpu.memory_space<vmem>>
      %dma_start3A_83 = tpu.memref_squeeze %dma_start3A_82 : memref<1x125xi32, #tpu.memory_space<vmem>> -> memref<125xi32, #tpu.memory_space<vmem>>
      %dma_start3A_84 = arith.constant 0 : i32
      %dma_start3A_85 = arith.constant 0 : i32
      %dma_start3A_86 = tpu.memref_slice %arg13[%dma_start3A_84, %dma_start3A_85] : memref<10240x32xf32, #tpu.memory_space<vmem_shared>> -> memref<10240x32xf32, #tpu.memory_space<vmem_shared>>
      %dma_start3A_87 = tpu.memref_slice %arg16[%dma_start3A_80] : memref<4x!tpu.dma_semaphore, #tpu.memory_space<semaphore_mem>> -> memref<1x!tpu.dma_semaphore, #tpu.memory_space<semaphore_mem>>
      %dma_start3A_88 = tpu.memref_squeeze %dma_start3A_87 : memref<1x!tpu.dma_semaphore, #tpu.memory_space<semaphore_mem>> -> memref<!tpu.dma_semaphore, #tpu.memory_space<semaphore_mem>>
      tpu.enqueue_indirect_dma source(%arg9 : memref<125x32xf32, #tpu.memory_space<vmem>>) target(%dma_start3A_86 : memref<10240x32xf32, #tpu.memory_space<vmem_shared>>) offsets(%dma_start3A_83 : memref<125xi32, #tpu.memory_space<vmem>>) semaphore(%dma_start3A_88 : memref<!tpu.dma_semaphore, #tpu.memory_space<semaphore_mem>>) {add = true}
      %mul3A_89 = arith.constant 4 : i32
      %mul3A_90 = arith.muli %mul3A_89, %scan3A_56 : i32
      %add3A_91 = arith.constant 1 : i32
      %add3A_92 = arith.addi %mul3A_90, %add3A_91 : i32
      %ge3A_93 = arith.constant 2 : i32
      %ge3A_94 = arith.cmpi sge, %add3A_92, %ge3A_93 : i32
      %convert_element_type3A_95 = arith.extui %ge3A_94 : i1 to i32
      %cond3A_96 = arith.constant 0 : i32
      %cond3A_97 = arith.cmpi ne, %convert_element_type3A_95, %cond3A_96 : i32
      scf.if %cond3A_97 {
        %dma_wait3A_191 = arith.constant 0 : i32
        %dma_wait3A_192 = arith.constant 3 : i32
        %dma_wait3A_193 = arith.constant 0 : i32
        %dma_wait3A_194 = tpu.memref_slice %arg8[%dma_wait3A_191, %dma_wait3A_193] : memref<80x125xi32, #tpu.memory_space<vmem>> -> memref<1x125xi32, #tpu.memory_space<vmem>>
        %dma_wait3A_195 = tpu.memref_squeeze %dma_wait3A_194 : memref<1x125xi32, #tpu.memory_space<vmem>> -> memref<125xi32, #tpu.memory_space<vmem>>
        %dma_wait3A_196 = arith.constant 0 : i32
        %dma_wait3A_197 = arith.constant 0 : i32
        %dma_wait3A_198 = tpu.memref_slice %arg13[%dma_wait3A_196, %dma_wait3A_197] : memref<10240x32xf32, #tpu.memory_space<vmem_shared>> -> memref<10240x32xf32, #tpu.memory_space<vmem_shared>>
        %dma_wait3A_199 = tpu.memref_slice %arg16[%dma_wait3A_192] : memref<4x!tpu.dma_semaphore, #tpu.memory_space<semaphore_mem>> -> memref<1x!tpu.dma_semaphore, #tpu.memory_space<semaphore_mem>>
        %dma_wait3A_200 = tpu.memref_squeeze %dma_wait3A_199 : memref<1x!tpu.dma_semaphore, #tpu.memory_space<semaphore_mem>> -> memref<!tpu.dma_semaphore, #tpu.memory_space<semaphore_mem>>
        tpu.wait_indirect_dma semaphore(%dma_wait3A_200 : memref<!tpu.dma_semaphore, #tpu.memory_space<semaphore_mem>>) src(%arg12 : memref<125x32xf32, #tpu.memory_space<vmem>>) dst(%dma_wait3A_198 : memref<10240x32xf32, #tpu.memory_space<vmem_shared>>)
      } else {
      }
      %add3A_98 = arith.constant 2 : i32
      %add3A_99 = arith.addi %add3A_92, %add3A_98 : i32
      %lt3A_100 = arith.constant 80 : i32
      %lt3A_101 = arith.cmpi slt, %add3A_99, %lt3A_100 : i32
      %convert_element_type3A_102 = arith.extui %lt3A_101 : i1 to i32
      %cond3A_103 = arith.constant 0 : i32
      %cond3A_104 = arith.cmpi ne, %convert_element_type3A_102, %cond3A_103 : i32
      scf.if %cond3A_104 {
        %add3A_191 = arith.constant 2 : i32
        %add3A_192 = arith.addi %add3A_92, %add3A_191 : i32
        %dma_start3A_193 = arith.constant 3 : i32
        %dma_start3A_194 = arith.constant 0 : i32
        %dma_start3A_195 = tpu.memref_slice %arg7[%add3A_192, %dma_start3A_194] : memref<80x125xi32, #tpu.memory_space<vmem>> -> memref<1x125xi32, #tpu.memory_space<vmem>>
        %dma_start3A_196 = tpu.memref_squeeze %dma_start3A_195 : memref<1x125xi32, #tpu.memory_space<vmem>> -> memref<125xi32, #tpu.memory_space<vmem>>
        %dma_start3A_197 = arith.constant 0 : i32
        %dma_start3A_198 = arith.constant 0 : i32
        %dma_start3A_199 = tpu.memref_slice %arg14[%dma_start3A_197, %dma_start3A_198] : memref<10240x32xf32, #tpu.memory_space<vmem_shared>> -> memref<10240x32xf32, #tpu.memory_space<vmem_shared>>
        %dma_start3A_200 = tpu.memref_slice %arg15[%dma_start3A_193] : memref<4x!tpu.dma_semaphore, #tpu.memory_space<semaphore_mem>> -> memref<1x!tpu.dma_semaphore, #tpu.memory_space<semaphore_mem>>
        %dma_start3A_201 = tpu.memref_squeeze %dma_start3A_200 : memref<1x!tpu.dma_semaphore, #tpu.memory_space<semaphore_mem>> -> memref<!tpu.dma_semaphore, #tpu.memory_space<semaphore_mem>>
        tpu.enqueue_indirect_dma source(%dma_start3A_199 : memref<10240x32xf32, #tpu.memory_space<vmem_shared>>) target(%arg12 : memref<125x32xf32, #tpu.memory_space<vmem>>) offsets(%dma_start3A_196 : memref<125xi32, #tpu.memory_space<vmem>>) semaphore(%dma_start3A_201 : memref<!tpu.dma_semaphore, #tpu.memory_space<semaphore_mem>>)
      } else {
      }
      %dma_wait3A_105 = arith.constant 1 : i32
      %dma_wait3A_106 = arith.constant 0 : i32
      %dma_wait3A_107 = tpu.memref_slice %arg7[%add3A_92, %dma_wait3A_106] : memref<80x125xi32, #tpu.memory_space<vmem>> -> memref<1x125xi32, #tpu.memory_space<vmem>>
      %dma_wait3A_108 = tpu.memref_squeeze %dma_wait3A_107 : memref<1x125xi32, #tpu.memory_space<vmem>> -> memref<125xi32, #tpu.memory_space<vmem>>
      %dma_wait3A_109 = arith.constant 0 : i32
      %dma_wait3A_110 = arith.constant 0 : i32
      %dma_wait3A_111 = tpu.memref_slice %arg14[%dma_wait3A_109, %dma_wait3A_110] : memref<10240x32xf32, #tpu.memory_space<vmem_shared>> -> memref<10240x32xf32, #tpu.memory_space<vmem_shared>>
      %dma_wait3A_112 = tpu.memref_slice %arg15[%dma_wait3A_105] : memref<4x!tpu.dma_semaphore, #tpu.memory_space<semaphore_mem>> -> memref<1x!tpu.dma_semaphore, #tpu.memory_space<semaphore_mem>>
      %dma_wait3A_113 = tpu.memref_squeeze %dma_wait3A_112 : memref<1x!tpu.dma_semaphore, #tpu.memory_space<semaphore_mem>> -> memref<!tpu.dma_semaphore, #tpu.memory_space<semaphore_mem>>
      tpu.wait_indirect_dma semaphore(%dma_wait3A_113 : memref<!tpu.dma_semaphore, #tpu.memory_space<semaphore_mem>>) src(%dma_wait3A_111 : memref<10240x32xf32, #tpu.memory_space<vmem_shared>>) dst(%arg10 : memref<125x32xf32, #tpu.memory_space<vmem>>)
      %dma_start3A_114 = arith.constant 1 : i32
      %dma_start3A_115 = arith.constant 0 : i32
      %dma_start3A_116 = tpu.memref_slice %arg8[%add3A_92, %dma_start3A_115] : memref<80x125xi32, #tpu.memory_space<vmem>> -> memref<1x125xi32, #tpu.memory_space<vmem>>
      %dma_start3A_117 = tpu.memref_squeeze %dma_start3A_116 : memref<1x125xi32, #tpu.memory_space<vmem>> -> memref<125xi32, #tpu.memory_space<vmem>>
      %dma_start3A_118 = arith.constant 0 : i32
      %dma_start3A_119 = arith.constant 0 : i32
      %dma_start3A_120 = tpu.memref_slice %arg13[%dma_start3A_118, %dma_start3A_119] : memref<10240x32xf32, #tpu.memory_space<vmem_shared>> -> memref<10240x32xf32, #tpu.memory_space<vmem_shared>>
      %dma_start3A_121 = tpu.memref_slice %arg16[%dma_start3A_114] : memref<4x!tpu.dma_semaphore, #tpu.memory_space<semaphore_mem>> -> memref<1x!tpu.dma_semaphore, #tpu.memory_space<semaphore_mem>>
      %dma_start3A_122 = tpu.memref_squeeze %dma_start3A_121 : memref<1x!tpu.dma_semaphore, #tpu.memory_space<semaphore_mem>> -> memref<!tpu.dma_semaphore, #tpu.memory_space<semaphore_mem>>
      tpu.enqueue_indirect_dma source(%arg10 : memref<125x32xf32, #tpu.memory_space<vmem>>) target(%dma_start3A_120 : memref<10240x32xf32, #tpu.memory_space<vmem_shared>>) offsets(%dma_start3A_117 : memref<125xi32, #tpu.memory_space<vmem>>) semaphore(%dma_start3A_122 : memref<!tpu.dma_semaphore, #tpu.memory_space<semaphore_mem>>) {add = true}
      %mul3A_123 = arith.constant 4 : i32
      %mul3A_124 = arith.muli %mul3A_123, %scan3A_56 : i32
      %add3A_125 = arith.constant 2 : i32
      %add3A_126 = arith.addi %mul3A_124, %add3A_125 : i32
      %ge3A_127 = arith.constant 2 : i32
      %ge3A_128 = arith.cmpi sge, %add3A_126, %ge3A_127 : i32
      %convert_element_type3A_129 = arith.extui %ge3A_128 : i1 to i32
      %cond3A_130 = arith.constant 0 : i32
      %cond3A_131 = arith.cmpi ne, %convert_element_type3A_129, %cond3A_130 : i32
      scf.if %cond3A_131 {
        %dma_wait3A_191 = arith.constant 0 : i32
        %dma_wait3A_192 = arith.constant 0 : i32
        %dma_wait3A_193 = arith.constant 0 : i32
        %dma_wait3A_194 = tpu.memref_slice %arg8[%dma_wait3A_191, %dma_wait3A_193] : memref<80x125xi32, #tpu.memory_space<vmem>> -> memref<1x125xi32, #tpu.memory_space<vmem>>
        %dma_wait3A_195 = tpu.memref_squeeze %dma_wait3A_194 : memref<1x125xi32, #tpu.memory_space<vmem>> -> memref<125xi32, #tpu.memory_space<vmem>>
        %dma_wait3A_196 = arith.constant 0 : i32
        %dma_wait3A_197 = arith.constant 0 : i32
        %dma_wait3A_198 = tpu.memref_slice %arg13[%dma_wait3A_196, %dma_wait3A_197] : memref<10240x32xf32, #tpu.memory_space<vmem_shared>> -> memref<10240x32xf32, #tpu.memory_space<vmem_shared>>
        %dma_wait3A_199 = tpu.memref_slice %arg16[%dma_wait3A_192] : memref<4x!tpu.dma_semaphore, #tpu.memory_space<semaphore_mem>> -> memref<1x!tpu.dma_semaphore, #tpu.memory_space<semaphore_mem>>
        %dma_wait3A_200 = tpu.memref_squeeze %dma_wait3A_199 : memref<1x!tpu.dma_semaphore, #tpu.memory_space<semaphore_mem>> -> memref<!tpu.dma_semaphore, #tpu.memory_space<semaphore_mem>>
        tpu.wait_indirect_dma semaphore(%dma_wait3A_200 : memref<!tpu.dma_semaphore, #tpu.memory_space<semaphore_mem>>) src(%arg9 : memref<125x32xf32, #tpu.memory_space<vmem>>) dst(%dma_wait3A_198 : memref<10240x32xf32, #tpu.memory_space<vmem_shared>>)
      } else {
      }
      %add3A_132 = arith.constant 2 : i32
      %add3A_133 = arith.addi %add3A_126, %add3A_132 : i32
      %lt3A_134 = arith.constant 80 : i32
      %lt3A_135 = arith.cmpi slt, %add3A_133, %lt3A_134 : i32
      %convert_element_type3A_136 = arith.extui %lt3A_135 : i1 to i32
      %cond3A_137 = arith.constant 0 : i32
      %cond3A_138 = arith.cmpi ne, %convert_element_type3A_136, %cond3A_137 : i32
      scf.if %cond3A_138 {
        %add3A_191 = arith.constant 2 : i32
        %add3A_192 = arith.addi %add3A_126, %add3A_191 : i32
        %dma_start3A_193 = arith.constant 0 : i32
        %dma_start3A_194 = arith.constant 0 : i32
        %dma_start3A_195 = tpu.memref_slice %arg7[%add3A_192, %dma_start3A_194] : memref<80x125xi32, #tpu.memory_space<vmem>> -> memref<1x125xi32, #tpu.memory_space<vmem>>
        %dma_start3A_196 = tpu.memref_squeeze %dma_start3A_195 : memref<1x125xi32, #tpu.memory_space<vmem>> -> memref<125xi32, #tpu.memory_space<vmem>>
        %dma_start3A_197 = arith.constant 0 : i32
        %dma_start3A_198 = arith.constant 0 : i32
        %dma_start3A_199 = tpu.memref_slice %arg14[%dma_start3A_197, %dma_start3A_198] : memref<10240x32xf32, #tpu.memory_space<vmem_shared>> -> memref<10240x32xf32, #tpu.memory_space<vmem_shared>>
        %dma_start3A_200 = tpu.memref_slice %arg15[%dma_start3A_193] : memref<4x!tpu.dma_semaphore, #tpu.memory_space<semaphore_mem>> -> memref<1x!tpu.dma_semaphore, #tpu.memory_space<semaphore_mem>>
        %dma_start3A_201 = tpu.memref_squeeze %dma_start3A_200 : memref<1x!tpu.dma_semaphore, #tpu.memory_space<semaphore_mem>> -> memref<!tpu.dma_semaphore, #tpu.memory_space<semaphore_mem>>
        tpu.enqueue_indirect_dma source(%dma_start3A_199 : memref<10240x32xf32, #tpu.memory_space<vmem_shared>>) target(%arg9 : memref<125x32xf32, #tpu.memory_space<vmem>>) offsets(%dma_start3A_196 : memref<125xi32, #tpu.memory_space<vmem>>) semaphore(%dma_start3A_201 : memref<!tpu.dma_semaphore, #tpu.memory_space<semaphore_mem>>)
      } else {
      }
      %dma_wait3A_139 = arith.constant 2 : i32
      %dma_wait3A_140 = arith.constant 0 : i32
      %dma_wait3A_141 = tpu.memref_slice %arg7[%add3A_126, %dma_wait3A_140] : memref<80x125xi32, #tpu.memory_space<vmem>> -> memref<1x125xi32, #tpu.memory_space<vmem>>
      %dma_wait3A_142 = tpu.memref_squeeze %dma_wait3A_141 : memref<1x125xi32, #tpu.memory_space<vmem>> -> memref<125xi32, #tpu.memory_space<vmem>>
      %dma_wait3A_143 = arith.constant 0 : i32
      %dma_wait3A_144 = arith.constant 0 : i32
      %dma_wait3A_145 = tpu.memref_slice %arg14[%dma_wait3A_143, %dma_wait3A_144] : memref<10240x32xf32, #tpu.memory_space<vmem_shared>> -> memref<10240x32xf32, #tpu.memory_space<vmem_shared>>
      %dma_wait3A_146 = tpu.memref_slice %arg15[%dma_wait3A_139] : memref<4x!tpu.dma_semaphore, #tpu.memory_space<semaphore_mem>> -> memref<1x!tpu.dma_semaphore, #tpu.memory_space<semaphore_mem>>
      %dma_wait3A_147 = tpu.memref_squeeze %dma_wait3A_146 : memref<1x!tpu.dma_semaphore, #tpu.memory_space<semaphore_mem>> -> memref<!tpu.dma_semaphore, #tpu.memory_space<semaphore_mem>>
      tpu.wait_indirect_dma semaphore(%dma_wait3A_147 : memref<!tpu.dma_semaphore, #tpu.memory_space<semaphore_mem>>) src(%dma_wait3A_145 : memref<10240x32xf32, #tpu.memory_space<vmem_shared>>) dst(%arg11 : memref<125x32xf32, #tpu.memory_space<vmem>>)
      %dma_start3A_148 = arith.constant 2 : i32
      %dma_start3A_149 = arith.constant 0 : i32
      %dma_start3A_150 = tpu.memref_slice %arg8[%add3A_126, %dma_start3A_149] : memref<80x125xi32, #tpu.memory_space<vmem>> -> memref<1x125xi32, #tpu.memory_space<vmem>>
      %dma_start3A_151 = tpu.memref_squeeze %dma_start3A_150 : memref<1x125xi32, #tpu.memory_space<vmem>> -> memref<125xi32, #tpu.memory_space<vmem>>
      %dma_start3A_152 = arith.constant 0 : i32
      %dma_start3A_153 = arith.constant 0 : i32
      %dma_start3A_154 = tpu.memref_slice %arg13[%dma_start3A_152, %dma_start3A_153] : memref<10240x32xf32, #tpu.memory_space<vmem_shared>> -> memref<10240x32xf32, #tpu.memory_space<vmem_shared>>
      %dma_start3A_155 = tpu.memref_slice %arg16[%dma_start3A_148] : memref<4x!tpu.dma_semaphore, #tpu.memory_space<semaphore_mem>> -> memref<1x!tpu.dma_semaphore, #tpu.memory_space<semaphore_mem>>
      %dma_start3A_156 = tpu.memref_squeeze %dma_start3A_155 : memref<1x!tpu.dma_semaphore, #tpu.memory_space<semaphore_mem>> -> memref<!tpu.dma_semaphore, #tpu.memory_space<semaphore_mem>>
      tpu.enqueue_indirect_dma source(%arg11 : memref<125x32xf32, #tpu.memory_space<vmem>>) target(%dma_start3A_154 : memref<10240x32xf32, #tpu.memory_space<vmem_shared>>) offsets(%dma_start3A_151 : memref<125xi32, #tpu.memory_space<vmem>>) semaphore(%dma_start3A_156 : memref<!tpu.dma_semaphore, #tpu.memory_space<semaphore_mem>>) {add = true}
      %mul3A_157 = arith.constant 4 : i32
      %mul3A_158 = arith.muli %mul3A_157, %scan3A_56 : i32
      %add3A_159 = arith.constant 3 : i32
      %add3A_160 = arith.addi %mul3A_158, %add3A_159 : i32
      %ge3A_161 = arith.constant 2 : i32
      %ge3A_162 = arith.cmpi sge, %add3A_160, %ge3A_161 : i32
      %convert_element_type3A_163 = arith.extui %ge3A_162 : i1 to i32
      %cond3A_164 = arith.constant 0 : i32
      %cond3A_165 = arith.cmpi ne, %convert_element_type3A_163, %cond3A_164 : i32
      scf.if %cond3A_165 {
        %dma_wait3A_191 = arith.constant 0 : i32
        %dma_wait3A_192 = arith.constant 1 : i32
        %dma_wait3A_193 = arith.constant 0 : i32
        %dma_wait3A_194 = tpu.memref_slice %arg8[%dma_wait3A_191, %dma_wait3A_193] : memref<80x125xi32, #tpu.memory_space<vmem>> -> memref<1x125xi32, #tpu.memory_space<vmem>>
        %dma_wait3A_195 = tpu.memref_squeeze %dma_wait3A_194 : memref<1x125xi32, #tpu.memory_space<vmem>> -> memref<125xi32, #tpu.memory_space<vmem>>
        %dma_wait3A_196 = arith.constant 0 : i32
        %dma_wait3A_197 = arith.constant 0 : i32
        %dma_wait3A_198 = tpu.memref_slice %arg13[%dma_wait3A_196, %dma_wait3A_197] : memref<10240x32xf32, #tpu.memory_space<vmem_shared>> -> memref<10240x32xf32, #tpu.memory_space<vmem_shared>>
        %dma_wait3A_199 = tpu.memref_slice %arg16[%dma_wait3A_192] : memref<4x!tpu.dma_semaphore, #tpu.memory_space<semaphore_mem>> -> memref<1x!tpu.dma_semaphore, #tpu.memory_space<semaphore_mem>>
        %dma_wait3A_200 = tpu.memref_squeeze %dma_wait3A_199 : memref<1x!tpu.dma_semaphore, #tpu.memory_space<semaphore_mem>> -> memref<!tpu.dma_semaphore, #tpu.memory_space<semaphore_mem>>
        tpu.wait_indirect_dma semaphore(%dma_wait3A_200 : memref<!tpu.dma_semaphore, #tpu.memory_space<semaphore_mem>>) src(%arg10 : memref<125x32xf32, #tpu.memory_space<vmem>>) dst(%dma_wait3A_198 : memref<10240x32xf32, #tpu.memory_space<vmem_shared>>)
      } else {
      }
      %add3A_166 = arith.constant 2 : i32
      %add3A_167 = arith.addi %add3A_160, %add3A_166 : i32
      %lt3A_168 = arith.constant 80 : i32
      %lt3A_169 = arith.cmpi slt, %add3A_167, %lt3A_168 : i32
      %convert_element_type3A_170 = arith.extui %lt3A_169 : i1 to i32
      %cond3A_171 = arith.constant 0 : i32
      %cond3A_172 = arith.cmpi ne, %convert_element_type3A_170, %cond3A_171 : i32
      scf.if %cond3A_172 {
        %add3A_191 = arith.constant 2 : i32
        %add3A_192 = arith.addi %add3A_160, %add3A_191 : i32
        %dma_start3A_193 = arith.constant 1 : i32
        %dma_start3A_194 = arith.constant 0 : i32
        %dma_start3A_195 = tpu.memref_slice %arg7[%add3A_192, %dma_start3A_194] : memref<80x125xi32, #tpu.memory_space<vmem>> -> memref<1x125xi32, #tpu.memory_space<vmem>>
        %dma_start3A_196 = tpu.memref_squeeze %dma_start3A_195 : memref<1x125xi32, #tpu.memory_space<vmem>> -> memref<125xi32, #tpu.memory_space<vmem>>
        %dma_start3A_197 = arith.constant 0 : i32
        %dma_start3A_198 = arith.constant 0 : i32
        %dma_start3A_199 = tpu.memref_slice %arg14[%dma_start3A_197, %dma_start3A_198] : memref<10240x32xf32, #tpu.memory_space<vmem_shared>> -> memref<10240x32xf32, #tpu.memory_space<vmem_shared>>
        %dma_start3A_200 = tpu.memref_slice %arg15[%dma_start3A_193] : memref<4x!tpu.dma_semaphore, #tpu.memory_space<semaphore_mem>> -> memref<1x!tpu.dma_semaphore, #tpu.memory_space<semaphore_mem>>
        %dma_start3A_201 = tpu.memref_squeeze %dma_start3A_200 : memref<1x!tpu.dma_semaphore, #tpu.memory_space<semaphore_mem>> -> memref<!tpu.dma_semaphore, #tpu.memory_space<semaphore_mem>>
        tpu.enqueue_indirect_dma source(%dma_start3A_199 : memref<10240x32xf32, #tpu.memory_space<vmem_shared>>) target(%arg10 : memref<125x32xf32, #tpu.memory_space<vmem>>) offsets(%dma_start3A_196 : memref<125xi32, #tpu.memory_space<vmem>>) semaphore(%dma_start3A_201 : memref<!tpu.dma_semaphore, #tpu.memory_space<semaphore_mem>>)
      } else {
      }
      %dma_wait3A_173 = arith.constant 3 : i32
      %dma_wait3A_174 = arith.constant 0 : i32
      %dma_wait3A_175 = tpu.memref_slice %arg7[%add3A_160, %dma_wait3A_174] : memref<80x125xi32, #tpu.memory_space<vmem>> -> memref<1x125xi32, #tpu.memory_space<vmem>>
      %dma_wait3A_176 = tpu.memref_squeeze %dma_wait3A_175 : memref<1x125xi32, #tpu.memory_space<vmem>> -> memref<125xi32, #tpu.memory_space<vmem>>
      %dma_wait3A_177 = arith.constant 0 : i32
      %dma_wait3A_178 = arith.constant 0 : i32
      %dma_wait3A_179 = tpu.memref_slice %arg14[%dma_wait3A_177, %dma_wait3A_178] : memref<10240x32xf32, #tpu.memory_space<vmem_shared>> -> memref<10240x32xf32, #tpu.memory_space<vmem_shared>>
      %dma_wait3A_180 = tpu.memref_slice %arg15[%dma_wait3A_173] : memref<4x!tpu.dma_semaphore, #tpu.memory_space<semaphore_mem>> -> memref<1x!tpu.dma_semaphore, #tpu.memory_space<semaphore_mem>>
      %dma_wait3A_181 = tpu.memref_squeeze %dma_wait3A_180 : memref<1x!tpu.dma_semaphore, #tpu.memory_space<semaphore_mem>> -> memref<!tpu.dma_semaphore, #tpu.memory_space<semaphore_mem>>
      tpu.wait_indirect_dma semaphore(%dma_wait3A_181 : memref<!tpu.dma_semaphore, #tpu.memory_space<semaphore_mem>>) src(%dma_wait3A_179 : memref<10240x32xf32, #tpu.memory_space<vmem_shared>>) dst(%arg12 : memref<125x32xf32, #tpu.memory_space<vmem>>)
      %dma_start3A_182 = arith.constant 3 : i32
      %dma_start3A_183 = arith.constant 0 : i32
      %dma_start3A_184 = tpu.memref_slice %arg8[%add3A_160, %dma_start3A_183] : memref<80x125xi32, #tpu.memory_space<vmem>> -> memref<1x125xi32, #tpu.memory_space<vmem>>
      %dma_start3A_185 = tpu.memref_squeeze %dma_start3A_184 : memref<1x125xi32, #tpu.memory_space<vmem>> -> memref<125xi32, #tpu.memory_space<vmem>>
      %dma_start3A_186 = arith.constant 0 : i32
      %dma_start3A_187 = arith.constant 0 : i32
      %dma_start3A_188 = tpu.memref_slice %arg13[%dma_start3A_186, %dma_start3A_187] : memref<10240x32xf32, #tpu.memory_space<vmem_shared>> -> memref<10240x32xf32, #tpu.memory_space<vmem_shared>>
      %dma_start3A_189 = tpu.memref_slice %arg16[%dma_start3A_182] : memref<4x!tpu.dma_semaphore, #tpu.memory_space<semaphore_mem>> -> memref<1x!tpu.dma_semaphore, #tpu.memory_space<semaphore_mem>>
      %dma_start3A_190 = tpu.memref_squeeze %dma_start3A_189 : memref<1x!tpu.dma_semaphore, #tpu.memory_space<semaphore_mem>> -> memref<!tpu.dma_semaphore, #tpu.memory_space<semaphore_mem>>
      tpu.enqueue_indirect_dma source(%arg12 : memref<125x32xf32, #tpu.memory_space<vmem>>) target(%dma_start3A_188 : memref<10240x32xf32, #tpu.memory_space<vmem_shared>>) offsets(%dma_start3A_185 : memref<125xi32, #tpu.memory_space<vmem>>) semaphore(%dma_start3A_190 : memref<!tpu.dma_semaphore, #tpu.memory_space<semaphore_mem>>) {add = true}
    }
    %scan3A_31 = arith.constant 20 : i32
    %dma_wait3A = arith.constant 0 : i32
    %dma_wait3A_32 = arith.constant 2 : i32
    %dma_wait3A_33 = arith.constant 0 : i32
    %dma_wait3A_34 = tpu.memref_slice %arg8[%dma_wait3A, %dma_wait3A_33] : memref<80x125xi32, #tpu.memory_space<vmem>> -> memref<1x125xi32, #tpu.memory_space<vmem>>
    %dma_wait3A_35 = tpu.memref_squeeze %dma_wait3A_34 : memref<1x125xi32, #tpu.memory_space<vmem>> -> memref<125xi32, #tpu.memory_space<vmem>>
    %dma_wait3A_36 = arith.constant 0 : i32
    %dma_wait3A_37 = arith.constant 0 : i32
    %dma_wait3A_38 = tpu.memref_slice %arg13[%dma_wait3A_36, %dma_wait3A_37] : memref<10240x32xf32, #tpu.memory_space<vmem_shared>> -> memref<10240x32xf32, #tpu.memory_space<vmem_shared>>
    %dma_wait3A_39 = tpu.memref_slice %arg16[%dma_wait3A_32] : memref<4x!tpu.dma_semaphore, #tpu.memory_space<semaphore_mem>> -> memref<1x!tpu.dma_semaphore, #tpu.memory_space<semaphore_mem>>
    %dma_wait3A_40 = tpu.memref_squeeze %dma_wait3A_39 : memref<1x!tpu.dma_semaphore, #tpu.memory_space<semaphore_mem>> -> memref<!tpu.dma_semaphore, #tpu.memory_space<semaphore_mem>>
    tpu.wait_indirect_dma semaphore(%dma_wait3A_40 : memref<!tpu.dma_semaphore, #tpu.memory_space<semaphore_mem>>) src(%arg11 : memref<125x32xf32, #tpu.memory_space<vmem>>) dst(%dma_wait3A_38 : memref<10240x32xf32, #tpu.memory_space<vmem_shared>>)
    %dma_wait3A_41 = arith.constant 0 : i32
    %dma_wait3A_42 = arith.constant 3 : i32
    %dma_wait3A_43 = arith.constant 0 : i32
    %dma_wait3A_44 = tpu.memref_slice %arg8[%dma_wait3A_41, %dma_wait3A_43] : memref<80x125xi32, #tpu.memory_space<vmem>> -> memref<1x125xi32, #tpu.memory_space<vmem>>
    %dma_wait3A_45 = tpu.memref_squeeze %dma_wait3A_44 : memref<1x125xi32, #tpu.memory_space<vmem>> -> memref<125xi32, #tpu.memory_space<vmem>>
    %dma_wait3A_46 = arith.constant 0 : i32
    %dma_wait3A_47 = arith.constant 0 : i32
    %dma_wait3A_48 = tpu.memref_slice %arg13[%dma_wait3A_46, %dma_wait3A_47] : memref<10240x32xf32, #tpu.memory_space<vmem_shared>> -> memref<10240x32xf32, #tpu.memory_space<vmem_shared>>
    %dma_wait3A_49 = tpu.memref_slice %arg16[%dma_wait3A_42] : memref<4x!tpu.dma_semaphore, #tpu.memory_space<semaphore_mem>> -> memref<1x!tpu.dma_semaphore, #tpu.memory_space<semaphore_mem>>
    %dma_wait3A_50 = tpu.memref_squeeze %dma_wait3A_49 : memref<1x!tpu.dma_semaphore, #tpu.memory_space<semaphore_mem>> -> memref<!tpu.dma_semaphore, #tpu.memory_space<semaphore_mem>>
    tpu.wait_indirect_dma semaphore(%dma_wait3A_50 : memref<!tpu.dma_semaphore, #tpu.memory_space<semaphore_mem>>) src(%arg12 : memref<125x32xf32, #tpu.memory_space<vmem>>) dst(%dma_wait3A_48 : memref<10240x32xf32, #tpu.memory_space<vmem_shared>>)
    %barrier3A_51 = arith.constant 0 : index
    tpu.barrier barrier_id(%barrier3A_51)
    %mul3A_52 = arith.constant 640 : i32
    %mul3A_53 = arith.muli %arg1, %mul3A_52 : i32
    %mul3A_54 = arith.constant 640 : i32
    %mul3A_55 = arith.muli %arg1, %mul3A_54 : i32
    "tpu.region"() ({
      %run_scoped3A = tpu.sem_alloc : memref<!tpu.dma_semaphore, #tpu.memory_space<semaphore_mem>>
      %dma_start3A_56 = arith.constant 0 : i32
      %dma_start3A_57 = tpu.memref_slice %arg6[%arg0, %mul3A_55, %dma_start3A_56] : memref<2x10240x32xf32, #tpu.memory_space<hbm>> -> memref<1x640x32xf32, #tpu.memory_space<hbm>>
      %dma_start3A_58 = tpu.memref_squeeze %dma_start3A_57 : memref<1x640x32xf32, #tpu.memory_space<hbm>> -> memref<640x32xf32, #tpu.memory_space<hbm>>
      %dma_start3A_59 = arith.constant 0 : i32
      %dma_start3A_60 = tpu.memref_slice %arg13[%mul3A_53, %dma_start3A_59] : memref<10240x32xf32, #tpu.memory_space<vmem_shared>> -> memref<640x32xf32, #tpu.memory_space<vmem_shared>>
      tpu.enqueue_dma source(%dma_start3A_60 : memref<640x32xf32, #tpu.memory_space<vmem_shared>>) target(%dma_start3A_58 : memref<640x32xf32, #tpu.memory_space<hbm>>) target_semaphore(%run_scoped3A : memref<!tpu.dma_semaphore, #tpu.memory_space<semaphore_mem>>)
      %dma_wait3A_61 = arith.constant 0 : i32
      %dma_wait3A_62 = tpu.memref_slice %arg6[%arg0, %mul3A_55, %dma_wait3A_61] : memref<2x10240x32xf32, #tpu.memory_space<hbm>> -> memref<1x640x32xf32, #tpu.memory_space<hbm>>
      %dma_wait3A_63 = tpu.memref_squeeze %dma_wait3A_62 : memref<1x640x32xf32, #tpu.memory_space<hbm>> -> memref<640x32xf32, #tpu.memory_space<hbm>>
      %dma_wait3A_64 = arith.constant 0 : i32
      %dma_wait3A_65 = tpu.memref_slice %arg13[%mul3A_53, %dma_wait3A_64] : memref<10240x32xf32, #tpu.memory_space<vmem_shared>> -> memref<640x32xf32, #tpu.memory_space<vmem_shared>>
      tpu.wait_dma2 semaphore(%run_scoped3A : memref<!tpu.dma_semaphore, #tpu.memory_space<semaphore_mem>>) src(%dma_wait3A_65 : memref<640x32xf32, #tpu.memory_space<vmem_shared>>) dst(%dma_wait3A_63 : memref<640x32xf32, #tpu.memory_space<hbm>>)
      tpu.yield
    }) : () -> ()
    return
  }
}

module attributes {stable_mosaic.version = 14 : i64} {
  func.func @_mm_body(%arg0: i32, %arg1: memref<1000x128xf32, #tpu.memory_space<vmem>>, %arg2: memref<128x32xf32, #tpu.memory_space<vmem>>, %arg3: memref<1000x32xf32, #tpu.memory_space<vmem>>) attributes {dimension_semantics = [#tpu.dimension_semantics<arbitrary>], iteration_bounds = array<i64: 10>, scalar_prefetch = 0 : i64, scratch_operands = 0 : i64, tpu.core_type = #tpu.core_type<tc>, window_params = [{transform_indices = @transform_0, window_bounds = array<i64: 1000, 128>}, {pipeline_mode = #tpu.pipeline_mode<synchronous>, transform_indices = @transform_1, window_bounds = array<i64: 128, 32>}, {transform_indices = @transform_2, window_bounds = array<i64: 1000, 32>}]} {
    %get3A = arith.constant 0 : index
    %get3A_0 = arith.constant 0 : index
    %get3A_1 = vector.load %arg1[%get3A, %get3A_0] : memref<1000x128xf32, #tpu.memory_space<vmem>>, vector<1000x128xf32>
    %get3A_2 = arith.constant 0 : index
    %get3A_3 = arith.constant 0 : index
    %get3A_4 = vector.load %arg2[%get3A_2, %get3A_3] : memref<128x32xf32, #tpu.memory_space<vmem>>, vector<128x32xf32>
    %dot_general3A = arith.constant dense<0.000000e+00> : vector<1000x32xf32>
    %dot_general3A_5 = tpu.matmul %get3A_1, %get3A_4, %dot_general3A {dimension_numbers = #tpu.dot_dimension_numbers<[1], [0], [0], [1], [0, 0, 1, 1], [], []>, transpose_lhs_hint = false} : vector<1000x128xf32>, vector<128x32xf32>, vector<1000x32xf32> -> vector<1000x32xf32>
    %swap3A = arith.constant 0 : index
    %swap3A_6 = arith.constant 0 : index
    %swap3A_7 = vector.load %arg3[%swap3A, %swap3A_6] : memref<1000x32xf32, #tpu.memory_space<vmem>>, vector<1000x32xf32>
    tpu.vector_store %arg3[%swap3A, %swap3A_6], %dot_general3A_5 {strides = array<i32>} : memref<1000x32xf32, #tpu.memory_space<vmem>>, vector<1000x32xf32>,
    return
  }
  func.func @transform_0(%arg0: i32) -> (i32, i32) {
    %c0_i32 = arith.constant 0 : i32
    %c0_i32_0 = arith.constant 0 : i32
    return %arg0, %c0_i32 : i32, i32
  }
  func.func @transform_1(%arg0: i32) -> (i32, i32) {
    %c0_i32 = arith.constant 0 : i32
    %c0_i32_0 = arith.constant 0 : i32
    %c0_i32_1 = arith.constant 0 : i32
    return %c0_i32, %c0_i32_0 : i32, i32
  }
  func.func @transform_2(%arg0: i32) -> (i32, i32) {
    %c0_i32 = arith.constant 0 : i32
    %c0_i32_0 = arith.constant 0 : i32
    return %arg0, %c0_i32 : i32, i32
  }
}

module attributes {stable_mosaic.version = 14 : i64} {
  func.func @_scale_body(%arg0: i32, %arg1: memref<1000x32xf32, #tpu.memory_space<vmem>>, %arg2: memref<2x1000x16xf32, #tpu.memory_space<vmem>>, %arg3: memref<1000x32xf32, #tpu.memory_space<vmem>>, %arg4: memref<1000x1xf32, #tpu.memory_space<vmem>>) attributes {dimension_semantics = [#tpu.dimension_semantics<arbitrary>], iteration_bounds = array<i64: 10>, scalar_prefetch = 0 : i64, scratch_operands = 0 : i64, tpu.core_type = #tpu.core_type<tc>, window_params = [{transform_indices = @transform_0, window_bounds = array<i64: 1000, 32>}, {transform_indices = @transform_1, window_bounds = array<i64: 2, 1000, 16>}, {transform_indices = @transform_2, window_bounds = array<i64: 1000, 32>}, {transform_indices = @transform_3, window_bounds = array<i64: 1000, 1>}]} {
    %get3A = arith.constant 0 : index
    %get3A_0 = arith.constant 0 : index
    %get3A_1 = arith.constant 0 : index
    %get3A_2 = vector.load %arg2[%get3A, %get3A_0, %get3A_1] : memref<2x1000x16xf32, #tpu.memory_space<vmem>>, vector<2x1000x16xf32>
    %slice3A = vector.extract_strided_slice %get3A_2 {offsets = [0, 0, 0], sizes = [1, 1000, 1], strides = [1, 1, 1]} : vector<2x1000x16xf32> to vector<1x1000x1xf32>
    %squeeze3A = vector.shape_cast %slice3A : vector<1x1000x1xf32> to vector<1000x1xf32>
    %slice3A_3 = vector.extract_strided_slice %get3A_2 {offsets = [1, 0, 0], sizes = [1, 1000, 1], strides = [1, 1, 1]} : vector<2x1000x16xf32> to vector<1x1000x1xf32>
    %squeeze3A_4 = vector.shape_cast %slice3A_3 : vector<1x1000x1xf32> to vector<1000x1xf32>
    %add3A = arith.addf %squeeze3A, %squeeze3A_4 : vector<1000x1xf32>
    %add3A_5 = arith.constant 1.000000e+00 : f32
    %add3A_6 = vector.broadcast %add3A_5 : f32 to vector<1000x1xf32>
    %add3A_7 = arith.addf %add3A, %add3A_6 : vector<1000x1xf32>
    %swap3A = arith.constant 0 : index
    %swap3A_8 = arith.constant 0 : index
    %swap3A_9 = vector.load %arg4[%swap3A, %swap3A_8] : memref<1000x1xf32, #tpu.memory_space<vmem>>, vector<1000x1xf32>
    tpu.vector_store %arg4[%swap3A, %swap3A_8], %add3A_7 {strides = array<i32>} : memref<1000x1xf32, #tpu.memory_space<vmem>>, vector<1000x1xf32>,
    %get3A_10 = arith.constant 0 : index
    %get3A_11 = arith.constant 0 : index
    %get3A_12 = vector.load %arg1[%get3A_10, %get3A_11] : memref<1000x32xf32, #tpu.memory_space<vmem>>, vector<1000x32xf32>
    %rsqrt3A = math.rsqrt %add3A_7 : vector<1000x1xf32>
    %mul3A = vector.broadcast %rsqrt3A : vector<1000x1xf32> to vector<1000x32xf32>
    %mul3A_13 = arith.mulf %get3A_12, %mul3A : vector<1000x32xf32>
    %swap3A_14 = arith.constant 0 : index
    %swap3A_15 = arith.constant 0 : index
    %swap3A_16 = vector.load %arg3[%swap3A_14, %swap3A_15] : memref<1000x32xf32, #tpu.memory_space<vmem>>, vector<1000x32xf32>
    tpu.vector_store %arg3[%swap3A_14, %swap3A_15], %mul3A_13 {strides = array<i32>} : memref<1000x32xf32, #tpu.memory_space<vmem>>, vector<1000x32xf32>,
    return
  }
  func.func @transform_0(%arg0: i32) -> (i32, i32) {
    %c0_i32 = arith.constant 0 : i32
    %c0_i32_0 = arith.constant 0 : i32
    return %arg0, %c0_i32 : i32, i32
  }
  func.func @transform_1(%arg0: i32) -> (i32, i32, i32) {
    %c0_i32 = arith.constant 0 : i32
    %c0_i32_0 = arith.constant 0 : i32
    %c0_i32_1 = arith.constant 0 : i32
    return %c0_i32, %arg0, %c0_i32_0 : i32, i32, i32
  }
  func.func @transform_2(%arg0: i32) -> (i32, i32) {
    %c0_i32 = arith.constant 0 : i32
    %c0_i32_0 = arith.constant 0 : i32
    return %arg0, %c0_i32 : i32, i32
  }
  func.func @transform_3(%arg0: i32) -> (i32, i32) {
    %c0_i32 = arith.constant 0 : i32
    %c0_i32_0 = arith.constant 0 : i32
    return %arg0, %c0_i32 : i32, i32
  }
}

module attributes {stable_mosaic.version = 14 : i64} {
  func.func @_post_mm_body(%arg0: i32, %arg1: memref<2x1000x32xf32, #tpu.memory_space<vmem>>, %arg2: memref<1000x1xf32, #tpu.memory_space<vmem>>, %arg3: memref<1x32xf32, #tpu.memory_space<vmem>>, %arg4: memref<32x16xf32, #tpu.memory_space<vmem>>, %arg5: memref<1000x16xf32, #tpu.memory_space<vmem>>) attributes {dimension_semantics = [#tpu.dimension_semantics<arbitrary>], iteration_bounds = array<i64: 10>, scalar_prefetch = 0 : i64, scratch_operands = 0 : i64, tpu.core_type = #tpu.core_type<tc>, window_params = [{transform_indices = @transform_0, window_bounds = array<i64: 2, 1000, 32>}, {transform_indices = @transform_1, window_bounds = array<i64: 1000, 1>}, {pipeline_mode = #tpu.pipeline_mode<synchronous>, transform_indices = @transform_2, window_bounds = array<i64: 1, 32>}, {pipeline_mode = #tpu.pipeline_mode<synchronous>, transform_indices = @transform_3, window_bounds = array<i64: 32, 16>}, {transform_indices = @transform_4, window_bounds = array<i64: 1000, 16>}]} {
    %get3A = arith.constant 0 : index
    %get3A_0 = arith.constant 0 : index
    %get3A_1 = arith.constant 0 : index
    %get3A_2 = vector.load %arg1[%get3A, %get3A_0, %get3A_1] : memref<2x1000x32xf32, #tpu.memory_space<vmem>>, vector<2x1000x32xf32>
    %get3A_3 = arith.constant 0 : index
    %get3A_4 = arith.constant 0 : index
    %get3A_5 = vector.load %arg2[%get3A_3, %get3A_4] : memref<1000x1xf32, #tpu.memory_space<vmem>>, vector<1000x1xf32>
    %rsqrt3A = math.rsqrt %get3A_5 : vector<1000x1xf32>
    %slice3A = vector.extract_strided_slice %get3A_2 {offsets = [0, 0, 0], sizes = [1, 1000, 32], strides = [1, 1, 1]} : vector<2x1000x32xf32> to vector<1x1000x32xf32>
    %squeeze3A = vector.shape_cast %slice3A : vector<1x1000x32xf32> to vector<1000x32xf32>
    %slice3A_6 = vector.extract_strided_slice %get3A_2 {offsets = [1, 0, 0], sizes = [1, 1000, 32], strides = [1, 1, 1]} : vector<2x1000x32xf32> to vector<1x1000x32xf32>
    %squeeze3A_7 = vector.shape_cast %slice3A_6 : vector<1x1000x32xf32> to vector<1000x32xf32>
    %add3A = arith.addf %squeeze3A, %squeeze3A_7 : vector<1000x32xf32>
    %mul3A = vector.broadcast %rsqrt3A : vector<1000x1xf32> to vector<1000x32xf32>
    %mul3A_8 = arith.mulf %add3A, %mul3A : vector<1000x32xf32>
    %get3A_9 = arith.constant 0 : index
    %get3A_10 = arith.constant 0 : index
    %get3A_11 = vector.load %arg3[%get3A_9, %get3A_10] : memref<1x32xf32, #tpu.memory_space<vmem>>, vector<1x32xf32>
    %add3A_12 = vector.broadcast %get3A_11 : vector<1x32xf32> to vector<1000x32xf32>
    %add3A_13 = arith.addf %mul3A_8, %add3A_12 : vector<1000x32xf32>
    %max3A = arith.constant 0.000000e+00 : f32
    %max3A_14 = vector.broadcast %max3A : f32 to vector<1000x32xf32>
    %max3A_15 = arith.maximumf %add3A_13, %max3A_14 : vector<1000x32xf32>
    %get3A_16 = arith.constant 0 : index
    %get3A_17 = arith.constant 0 : index
    %get3A_18 = vector.load %arg4[%get3A_16, %get3A_17] : memref<32x16xf32, #tpu.memory_space<vmem>>, vector<32x16xf32>
    %dot_general3A = arith.constant dense<0.000000e+00> : vector<1000x16xf32>
    %dot_general3A_19 = tpu.matmul %max3A_15, %get3A_18, %dot_general3A {dimension_numbers = #tpu.dot_dimension_numbers<[1], [0], [0], [1], [0, 0, 1, 1], [], []>, transpose_lhs_hint = false} : vector<1000x32xf32>, vector<32x16xf32>, vector<1000x16xf32> -> vector<1000x16xf32>
    %mul3A_20 = vector.broadcast %rsqrt3A : vector<1000x1xf32> to vector<1000x16xf32>
    %mul3A_21 = arith.mulf %dot_general3A_19, %mul3A_20 : vector<1000x16xf32>
    %swap3A = arith.constant 0 : index
    %swap3A_22 = arith.constant 0 : index
    %swap3A_23 = vector.load %arg5[%swap3A, %swap3A_22] : memref<1000x16xf32, #tpu.memory_space<vmem>>, vector<1000x16xf32>
    tpu.vector_store %arg5[%swap3A, %swap3A_22], %mul3A_21 {strides = array<i32>} : memref<1000x16xf32, #tpu.memory_space<vmem>>, vector<1000x16xf32>,
    return
  }
  func.func @transform_0(%arg0: i32) -> (i32, i32, i32) {
    %c0_i32 = arith.constant 0 : i32
    %c0_i32_0 = arith.constant 0 : i32
    %c0_i32_1 = arith.constant 0 : i32
    return %c0_i32, %arg0, %c0_i32_0 : i32, i32, i32
  }
  func.func @transform_1(%arg0: i32) -> (i32, i32) {
    %c0_i32 = arith.constant 0 : i32
    %c0_i32_0 = arith.constant 0 : i32
    return %arg0, %c0_i32 : i32, i32
  }
  func.func @transform_2(%arg0: i32) -> (i32, i32) {
    %c0_i32 = arith.constant 0 : i32
    %c0_i32_0 = arith.constant 0 : i32
    %c0_i32_1 = arith.constant 0 : i32
    return %c0_i32, %c0_i32_0 : i32, i32
  }
  func.func @transform_3(%arg0: i32) -> (i32, i32) {
    %c0_i32 = arith.constant 0 : i32
    %c0_i32_0 = arith.constant 0 : i32
    %c0_i32_1 = arith.constant 0 : i32
    return %c0_i32, %c0_i32_0 : i32, i32
  }
  func.func @transform_4(%arg0: i32) -> (i32, i32) {
    %c0_i32 = arith.constant 0 : i32
    %c0_i32_0 = arith.constant 0 : i32
    return %arg0, %c0_i32 : i32, i32
  }
}

module attributes {stable_mosaic.version = 14 : i64} {
  func.func @_final_body(%arg0: i32, %arg1: memref<2x1000x16xf32, #tpu.memory_space<vmem>>, %arg2: memref<1000x1xf32, #tpu.memory_space<vmem>>, %arg3: memref<1x16xf32, #tpu.memory_space<vmem>>, %arg4: memref<1000x16xf32, #tpu.memory_space<vmem>>) attributes {dimension_semantics = [#tpu.dimension_semantics<arbitrary>], iteration_bounds = array<i64: 10>, scalar_prefetch = 0 : i64, scratch_operands = 0 : i64, tpu.core_type = #tpu.core_type<tc>, window_params = [{transform_indices = @transform_0, window_bounds = array<i64: 2, 1000, 16>}, {transform_indices = @transform_1, window_bounds = array<i64: 1000, 1>}, {pipeline_mode = #tpu.pipeline_mode<synchronous>, transform_indices = @transform_2, window_bounds = array<i64: 1, 16>}, {transform_indices = @transform_3, window_bounds = array<i64: 1000, 16>}]} {
    %get3A = arith.constant 0 : index
    %get3A_0 = arith.constant 0 : index
    %get3A_1 = arith.constant 0 : index
    %get3A_2 = vector.load %arg1[%get3A, %get3A_0, %get3A_1] : memref<2x1000x16xf32, #tpu.memory_space<vmem>>, vector<2x1000x16xf32>
    %slice3A = vector.extract_strided_slice %get3A_2 {offsets = [0, 0, 0], sizes = [1, 1000, 16], strides = [1, 1, 1]} : vector<2x1000x16xf32> to vector<1x1000x16xf32>
    %squeeze3A = vector.shape_cast %slice3A : vector<1x1000x16xf32> to vector<1000x16xf32>
    %slice3A_3 = vector.extract_strided_slice %get3A_2 {offsets = [1, 0, 0], sizes = [1, 1000, 16], strides = [1, 1, 1]} : vector<2x1000x16xf32> to vector<1x1000x16xf32>
    %squeeze3A_4 = vector.shape_cast %slice3A_3 : vector<1x1000x16xf32> to vector<1000x16xf32>
    %add3A = arith.addf %squeeze3A, %squeeze3A_4 : vector<1000x16xf32>
    %get3A_5 = arith.constant 0 : index
    %get3A_6 = arith.constant 0 : index
    %get3A_7 = vector.load %arg2[%get3A_5, %get3A_6] : memref<1000x1xf32, #tpu.memory_space<vmem>>, vector<1000x1xf32>
    %rsqrt3A = math.rsqrt %get3A_7 : vector<1000x1xf32>
    %mul3A = vector.broadcast %rsqrt3A : vector<1000x1xf32> to vector<1000x16xf32>
    %mul3A_8 = arith.mulf %add3A, %mul3A : vector<1000x16xf32>
    %get3A_9 = arith.constant 0 : index
    %get3A_10 = arith.constant 0 : index
    %get3A_11 = vector.load %arg3[%get3A_9, %get3A_10] : memref<1x16xf32, #tpu.memory_space<vmem>>, vector<1x16xf32>
    %add3A_12 = vector.broadcast %get3A_11 : vector<1x16xf32> to vector<1000x16xf32>
    %add3A_13 = arith.addf %mul3A_8, %add3A_12 : vector<1000x16xf32>
    %swap3A = arith.constant 0 : index
    %swap3A_14 = arith.constant 0 : index
    %swap3A_15 = vector.load %arg4[%swap3A, %swap3A_14] : memref<1000x16xf32, #tpu.memory_space<vmem>>, vector<1000x16xf32>
    tpu.vector_store %arg4[%swap3A, %swap3A_14], %add3A_13 {strides = array<i32>} : memref<1000x16xf32, #tpu.memory_space<vmem>>, vector<1000x16xf32>,
    return
  }
  func.func @transform_0(%arg0: i32) -> (i32, i32, i32) {
    %c0_i32 = arith.constant 0 : i32
    %c0_i32_0 = arith.constant 0 : i32
    %c0_i32_1 = arith.constant 0 : i32
    return %c0_i32, %arg0, %c0_i32_0 : i32, i32, i32
  }
  func.func @transform_1(%arg0: i32) -> (i32, i32) {
    %c0_i32 = arith.constant 0 : i32
    %c0_i32_0 = arith.constant 0 : i32
    return %arg0, %c0_i32 : i32, i32
  }
  func.func @transform_2(%arg0: i32) -> (i32, i32) {
    %c0_i32 = arith.constant 0 : i32
    %c0_i32_0 = arith.constant 0 : i32
    %c0_i32_1 = arith.constant 0 : i32
    return %c0_i32, %c0_i32_0 : i32, i32
  }
  func.func @transform_3(%arg0: i32) -> (i32, i32) {
    %c0_i32 = arith.constant 0 : i32
    %c0_i32_0 = arith.constant 0 : i32
    return %arg0, %c0_i32 : i32, i32
  }
}

module attributes {stable_mosaic.version = 14 : i64} {
  func.func @_decoder_body(%arg0: i32, %arg1: i32, %arg2: memref<1024x16xf32, #tpu.memory_space<vmem>>, %arg3: memref<2048x16xf32, #tpu.memory_space<vmem>>, %arg4: memref<1024x2048xf32, #tpu.memory_space<vmem>>) attributes {dimension_semantics = [#tpu.dimension_semantics<arbitrary>, #tpu.dimension_semantics<arbitrary>], iteration_bounds = array<i64: 10, 5>, scalar_prefetch = 0 : i64, scratch_operands = 0 : i64, tpu.core_type = #tpu.core_type<tc>, window_params = [{transform_indices = @transform_0, window_bounds = array<i64: 1024, 16>}, {transform_indices = @transform_1, window_bounds = array<i64: 2048, 16>}, {transform_indices = @transform_2, window_bounds = array<i64: 1024, 2048>}]} {
    %get3A = arith.constant 0 : index
    %get3A_0 = arith.constant 0 : index
    %get3A_1 = vector.load %arg2[%get3A, %get3A_0] : memref<1024x16xf32, #tpu.memory_space<vmem>>, vector<1024x16xf32>
    %get3A_2 = arith.constant 0 : index
    %get3A_3 = arith.constant 0 : index
    %get3A_4 = vector.load %arg3[%get3A_2, %get3A_3] : memref<2048x16xf32, #tpu.memory_space<vmem>>, vector<2048x16xf32>
    %dot_general3A = arith.constant dense<0.000000e+00> : vector<1024x2048xf32>
    %dot_general3A_5 = tpu.matmul %get3A_1, %get3A_4, %dot_general3A {dimension_numbers = #tpu.dot_dimension_numbers<[1], [1], [0], [0], [0, 0, 1, 0], [], []>, transpose_lhs_hint = false} : vector<1024x16xf32>, vector<2048x16xf32>, vector<1024x2048xf32> -> vector<1024x2048xf32>
    %logistic3A = arith.negf %dot_general3A_5 : vector<1024x2048xf32>
    %logistic3A_6 = math.exp %logistic3A : vector<1024x2048xf32>
    %logistic3A_7 = arith.constant 1.000000e+00 : f32
    %logistic3A_8 = vector.broadcast %logistic3A_7 : f32 to vector<1024x2048xf32>
    %logistic3A_9 = arith.addf %logistic3A_8, %logistic3A_6 : vector<1024x2048xf32>
    %logistic3A_10 = arith.divf %logistic3A_8, %logistic3A_9 : vector<1024x2048xf32>
    %swap3A = arith.constant 0 : index
    %swap3A_11 = arith.constant 0 : index
    %swap3A_12 = vector.load %arg4[%swap3A, %swap3A_11] : memref<1024x2048xf32, #tpu.memory_space<vmem>>, vector<1024x2048xf32>
    tpu.vector_store %arg4[%swap3A, %swap3A_11], %logistic3A_10 {strides = array<i32>} : memref<1024x2048xf32, #tpu.memory_space<vmem>>, vector<1024x2048xf32>,
    return
  }
  func.func @transform_0(%arg0: i32, %arg1: i32) -> (i32, i32) {
    %c0_i32 = arith.constant 0 : i32
    %c0_i32_0 = arith.constant 0 : i32
    return %arg0, %c0_i32 : i32, i32
  }
  func.func @transform_1(%arg0: i32, %arg1: i32) -> (i32, i32) {
    %c0_i32 = arith.constant 0 : i32
    %c0_i32_0 = arith.constant 0 : i32
    return %arg1, %c0_i32 : i32, i32
  }
  func.func @transform_2(%arg0: i32, %arg1: i32) -> (i32, i32) {
    %c0_i32 = arith.constant 0 : i32
    return %arg0, %arg1 : i32, i32
  }
}

</mosaic_0001>

<sc_bundles>
// kernel: kernel.10.cloned.1.call-start
scs
__scs_entry_jumppad:
0x0: {  	(pc) =	sbr.rel $0x88, $3  }
0x1: {  	(tag) =	ssettag $0x0;
	lr =	simm.s32 $0x1  }
0x2: {  	[smem:$0x3F9B] =	sst lr;
	_ =	strace $0xD0000000  }
0x3: {  	_ = 	snop  }
0x4: {  	_ = 	snop  }
0x5: {  	_ = 	snop  }
0x6: {  	_ = 	snop  }
0x7: {  	_ = 	snop  }
__scs_overlays_trampoline_lowered:
0x8: {  	[smem:$0x3FAA] =	sst s0  }
0x9: {  	[smem:$0x3FAB] =	sst s1  }
0xa: {  	[smem:$0x3FAC] =	sst s2  }
0xb: {  	[smem:$0x3FAD] =	sst s3  }
0xc: {  	[smem:$0x3FAE] =	sst s4  }
0xd: {  	[smem:$0x3FAF] =	sst s5  }
0xe: {  	[smem:$0x3FB0] =	sst s6  }
0xf: {  	[smem:$0x3FB1] =	sst s7  }
0x10: {  	[smem:$0x3FB2] =	sst s8  }
0x11: {  	[smem:$0x3FB3] =	sst s9;
	s0 =	simm.s32 @!p0 $0x0  }
0x12: {  	s1 =	sld [smem:$0x3F99];
	s0 =	simm.s32 @p0 $0x1  }
0x13: {  	[smem:$0x3FB4] =	sst s0;
	s0 =	simm.s32 @!p1 $0x0  }
0x14: {  	s2 =	sld [smem:$0x3F98];
	s0 =	simm.s32 @p1 $0x1  }
0x15: {  	[smem:$0x3FB5] =	sst s0;
	s0 =	simm.s32 @!p2 $0x0  }
0x16: {  	s3 =	sld [smem:$0x3FDB];
	s0 =	simm.s32 @p2 $0x1  }
0x17: {  	s4 =	simm.s32 $0x1BF5;
	[smem:$0x3FB7] =	sst s0  }
0x18: {  	s0 =	sld [smem:$0x3F9A];
	_ =	swait.ge [sflag:s4], $0x0  }
0x19: {  	s7 =	sld [smem:$0x3F9B]  }
0x1a: {  	s8 =	sadd.s32 $0xFFFFE003, lr  }
0x1b: {  	s9 =	sadd.s32 $0xFFFFFEF7, lr;
	s5 =	simm.s32 $0xFFFFFFFF;
	p2 =	slt.u32 s8, $0xFFFFF086  }
0x1c: {  	p1 =	slt.u32 s9, $0xF7A;
	s5 =	simm.s32 @!p2 $0x0  }
0x1d: {  	s5 =	simm.s32 @p1 $0x1;
	p0 =	seq.s32 s7, s2  }
0x1e: {  	s7 =	smul.u32 @!p0 $0xF7A, s2;
	p2 =	seq.s32 @!p0 s5, $0x0  }
0x1f: {  	s9 =	smul.u32 $0xF7A, s1;
	s8 =	simm.s32 @!p0 $0x1BF5;
	p2 =	por !p2, p0  }
0x20: {  	[sflag:s8] =	ssyncset.s32 @!p0 $0xFFFFF086;
	s6 =	sadd.s32 @!p0 s3, s7;
	s7 =	simm.s32 @!p0 $0x108  }
0x21: {  	s3 =	sadd.s32 s3, s9;
	s6 =	sadd.s32 @!p0 $0x88, s6;
	s7 =	simm.s32 @p2 $0x1082  }
0x22: {  	[simem:s7], [sflag:s8] =	dma.local @!p0 [hbm:s6], $0xF7A  }
0x23: {  	s9 =	sor.u32 $0xD0000000, s2;
	s6 =	simm.s32 $0x108;
	_ =	swait.ge @!p0 [sflag:s8], $0x0  }
0x24: {  	s3 =	sadd.s32 $0x88, s3;
	s6 =	simm.s32 @!p1 $0x1082;
	[sflag:s4] =	ssyncset.s32 $0xFFFFF086  }
0x25: {  	[simem:s6], [sflag:s4] =	dma.local [hbm:s3], $0xF7A  }
0x26: {  	[smem:$0x3F9B] =	sst s1;
	(tag) =	ssettag s2;
	_ =	strace s9  }
0x27: {  	s1 =	sld [smem:$0x3FAB]  }
0x28: {  	s2 =	sld [smem:$0x3FAC]  }
0x29: {  	s4 =	sld [smem:$0x3FAE]  }
0x2a: {  	p0 =	seq.s32 s5, $0x0;
	s5 =	sld [smem:$0x3FAF]  }
0x2b: {  	s6 =	sld [smem:$0x3FB0]  }
0x2c: {  	s7 =	sld [smem:$0x3FB1]  }
0x2d: {  	s3 =	simm.s32 $0x108;
	s8 =	sld [smem:$0x3FB2]  }
0x2e: {  	s3 =	simm.s32 @!p0 $0x1082;
	s9 =	sld [smem:$0x3FB3]  }
0x2f: {  	lr =	sadd.s32 s0, s3;
	s0 =	sld [smem:$0x3FAA]  }
0x30: {  	s3 =	sld [smem:$0x3FAD]  }
0x31: {  	[smem:$0x3FB6] =	sst s10  }
0x32: {  	s10 =	sld [smem:$0x3FB4];
	_ =	sdelay $0x3  }
0x33: {  	p0 =	seq.s32 s10, $0x1;
	s10 =	sld [smem:$0x3FB6];
	_ =	sdelay $0x3  }
0x34: {  	[smem:$0x3FB6] =	sst s10  }
0x35: {  	s10 =	sld [smem:$0x3FB5];
	_ =	sdelay $0x3  }
0x36: {  	p1 =	seq.s32 s10, $0x1;
	s10 =	sld [smem:$0x3FB6];
	_ =	sdelay $0x3  }
0x37: {  	[smem:$0x3FB6] =	sst s10  }
0x38: {  	s10 =	sld [smem:$0x3FB7]  }
0x39: {  	_ = 	snop;
	(pc) =	sbr.ind lr, $3  }
0x3a: {  	_ = 	snop  }
0x3b: {  	_ = 	snop  }
0x3c: {  	p2 =	seq.s32 s10, $0x1;
	s10 =	sld [smem:$0x3FB6]  }
0x3d: {  	_ =	shalt  }
0x3e: {  	_ =	shalt  }
0x3f: {  	_ =	shalt  }
0x40: {  	_ =	shalt  }
0x41: {  	_ =	shalt  }
0x42: {  	_ =	shalt  }
0x43: {  	_ =	shalt  }
0x44: {  	_ =	shalt  }
0x45: {  	_ =	shalt  }
0x46: {  	_ =	shalt  }
0x47: {  	_ =	shalt  }
0x48: {  	_ =	shalt  }
0x49: {  	_ =	shalt  }
0x4a: {  	_ =	shalt  }
0x4b: {  	_ =	shalt  }
0x4c: {  	_ =	shalt  }
0x4d: {  	_ =	shalt  }
0x4e: {  	_ =	shalt  }
0x4f: {  	_ =	shalt  }
0x50: {  	_ =	shalt  }
0x51: {  	_ =	shalt  }
0x52: {  	_ =	shalt  }
0x53: {  	_ =	shalt  }
0x54: {  	_ =	shalt  }
0x55: {  	_ =	shalt  }
0x56: {  	_ =	shalt  }
0x57: {  	_ =	shalt  }
0x58: {  	_ =	shalt  }
0x59: {  	_ =	shalt  }
0x5a: {  	_ =	shalt  }
0x5b: {  	_ =	shalt  }
0x5c: {  	_ =	shalt  }
0x5d: {  	_ =	shalt  }
0x5e: {  	_ =	shalt  }
0x5f: {  	_ =	shalt  }
0x60: {  	_ =	shalt  }
0x61: {  	_ =	shalt  }
0x62: {  	_ =	shalt  }
0x63: {  	_ =	shalt  }
0x64: {  	_ =	shalt  }
0x65: {  	_ =	shalt  }
0x66: {  	_ =	shalt  }
0x67: {  	_ =	shalt  }
0x68: {  	_ =	shalt  }
0x69: {  	_ =	shalt  }
0x6a: {  	_ =	shalt  }
0x6b: {  	_ =	shalt  }
0x6c: {  	_ =	shalt  }
0x6d: {  	_ =	shalt  }
0x6e: {  	_ =	shalt  }
0x6f: {  	_ =	shalt  }
0x70: {  	_ =	shalt  }
0x71: {  	_ =	shalt  }
0x72: {  	_ =	shalt  }
0x73: {  	_ =	shalt  }
0x74: {  	_ =	shalt  }
0x75: {  	_ =	shalt  }
0x76: {  	_ =	shalt  }
0x77: {  	_ =	shalt  }
0x78: {  	_ =	shalt  }
0x79: {  	_ =	shalt  }
0x7a: {  	_ =	shalt  }
0x7b: {  	_ =	shalt  }
0x7c: {  	_ =	shalt  }
0x7d: {  	_ =	shalt  }
0x7e: {  	_ =	shalt  }
0x7f: {  	_ =	shalt  }
0x80: {  	_ =	shalt  }
0x81: {  	_ =	shalt  }
0x82: {  	_ =	shalt  }
0x83: {  	_ =	shalt  }
0x84: {  	_ =	shalt  }
0x85: {  	_ =	shalt  }
0x86: {  	_ =	shalt  }
0x87: {  	_ =	shalt  }
.Lfunc_end0:
.L_simem_size_0:
called_computation_lowered:
.L_overlay_start_0:
0x88: {  	s2 =	sld [smem:$0x3FD9]  }
0x89: {  	s3 =	sld [smem:$0x3FFE];
	_ =	sdelay $0x1  }
0x8a: {  	s1 =	srdreg.scid  }
0x8b: {  	s0 =	sand.u32 $0x1, s1  }
0x8c: {  	s14 =	sshll.u32 s0, $0xA;
	s2 =	sadd.s32 s3, s2  }
0x8d: {  	s2 =	sadd.s32 s2, s14  }
0x8e: {  	[smem:$0x3FC2] =	sst s2  }
0x8f: {  	_ = 	snop  }
0x90: {  	s2 =	sld [smem:$0x3FD0];
	_ =	sdelay $0x2  }
0x91: {  	s15 =	simm.s32 $0xA;
	s4 =	simm.s32 $0x10  }
0x92: {  	[smem:s4], [sflag:s15] =	dma.local [hbm:s2], $0x1  }
0x93: {  	_ =	swait.eq [sflag:s15], $0x1  }
0x94: {  	[sflag:s15] =	ssyncset.done $0x0  }
0x95: {  	s16 =	sld [smem:$0x10];
	[sflag:s15] =	ssyncadd.s32 $0xFFFFFFFF  }
0x96: {  	s17 =	sld [smem:$0x11];
	(tm) =	ssettm $0x1  }
0x97: {  	s18 =	sld [smem:$0x3FFB];
	_ =	sdelay $0x3  }
0x98: {  	_ =	strace s18  }
0x99: {  	s4 =	sld [smem:$0x3FFC];
	_ =	sdelay $0x3  }
0x9a: {  	_ =	strace s4  }
0x9b: {  	s4 =	sld [smem:$0x3FFD];
	_ =	sdelay $0x3  }
0x9c: {  	_ =	strace s4  }
0x9d: {  	_ =	strace $0x8FFFFFFF  }
0x9e: {  	s19 =	sld [smem:$0x3FDB];
	_ =	sdelay $0x1  }
0x9f: {  	s5 =	simm.s32 $_scs_section_size  }
0xa0: {  	s6 =	simm.s32 $_size__tile_overlayer_lowered;
	s7 =	simm.s32 $_tile_overlayer_lowered  }
0xa1: {  	s22 =	simm.s32 $0x1BFF;
	s21 =	sshll.u32 s7, $0x1;
	s4 =	sadd.s32 s5, s19  }
0xa2: {  	s8 =	simm.s32 $0x0;
	s20 =	sshll.u32 s6, $0x1;
	s6 =	sadd.s32 s21, s4  }
0xa3: {  	[timem:s8], [sflag:s22] =	dma.local [hbm:s6], s20  }
0xa4: {  	_ =	swait.ge [sflag:s22], s20  }
0xa5: {  	s5 =	ssub.s32 $0x0, s20;
	[sflag:s22] =	ssyncset.done $0x0  }
0xa6: {  	[sflag:s22] =	ssyncadd.s32 s5;
	_ =	sdelay $0x1  }
0xa7: {  	s23 =	simm.s32 $0x1B8B  }
0xa8: {  	_ =	swait.ge [sflag:s23], $0x1  }
0xa9: {  	[sflag:s23] =	ssyncset.done $0x0  }
0xaa: {  	s25 =	simm.s32 $0x1B8E;
	s24 =	sld [smem:$0x3FFE];
	[sflag:s23] =	ssyncadd.s32 $0xFFFFFFFF  }
0xab: {  	s26 =	simm.s32 $execute0_lowered;
	[smem:$0x3FD2] =	sst s25  }
0xac: {  	s6 =	sshll.u32 s26, $0x1;
	_ =	strace $0x80000046;
	[dreg:$0x1] =	wrdreg $0xFFFFFFFF  }
0xad: {  	s28 =	simm.s32 $_size_execute0_lowered;
	s4 =	sadd.s32 s4, s6;
	[dreg:$0x0] =	wrdreg $0x0  }
0xae: {  	s6 =	sshll.u32 s28, $0x1;
	[dreg:$0x2] =	wrdreg s4  }
0xaf: {  	[dreg:$0x3] =	wrdreg s6  }
0xb0: {  	[dreg:$0x4] =	wrdreg $0xC0  }
0xb1: {  	_ =	task [dreg:s8], $0x5FFFF  }
0xb2: {  	[dreg:$0x1] =	wrdreg $0xFFFFFFFF  }
0xb3: {  	[dreg:$0x0] =	wrdreg $0x60  }
0xb4: {  	[dreg:$0x2] =	wrdreg s24  }
0xb5: {  	[dreg:$0x3] =	wrdreg s17  }
0xb6: {  	[dreg:$0x4] =	wrdreg s16  }
0xb7: {  	[dreg:$0x5] =	wrdreg $0x2FD00  }
0xb8: {  	[dreg:$0x6] =	wrdreg $0x9  }
0xb9: {  	_ =	task.clear_ibuf [dreg:s8], $0x7FFFF;
	_ =	strace $0x90000046  }
0xba: {  	s29 =	simm.s32 $0x9;
	_ =	strace $0x80000048  }
0xbb: {  	_ =	swait.ge [sflag:s29], $0x1  }
0xbc: {  	[sflag:s29] =	ssyncadd.s32 $0xFFFFFFFF  }
0xbd: {  	_ =	strace $0x90000048  }
0xbe: {  	_ =	sfence  }
0xbf: {  	s30 =	sld [smem:$0x0];
	_ =	sdelay $0x2  }
0xc0: {  	s31 =	sshll.u32 s1, $0xD;
	s1 =	sshrl.u32 s1, $0x2  }
0xc1: {  	s3 =	sand.u32 $0x4000, s31;
	s1 =	sadd.s32 s1, s30  }
0xc2: {  	s0 =	sor.u32 s3, s0;
	s1 =	sshll.u32 s1, $0x11  }
0xc3: {  	s0 =	sor.u32 s1, s0  }
0xc4: {  	s0 =	sadd.s32 $0x8F2B, s0  }
0xc5: {  	[sflag:s0] =	ssyncadd.remote.s32 $0x1  }
0xc6: {  	_ =	sfence.sel $0xFFFF  }
0xc7: {  	[dreg:$0x0] =	wrdreg $0xFFFFFFFF;
	(pc) =	sbr.abs _section_cstart, $3  }
0xc8: {  	[dreg:$0x1] =	wrdreg $0xFFFFFFFF  }
0xc9: {  	_ =	task.clear_ibuf [dreg:s8], $0x2FFFF;
	_ =	strace $0x9FFFFFFF  }
0xca: {  	(tm) =	ssettm $0x7FFFFFFF  }
0xcb: {  	_ =	shalt  }
tec
execute0_lowered:
.L_overlay_start_1:
0x0: {  	(tag) =	ssettag $0x1  }
0x1: {  	s5 =	rddreg [dreg:$0x0]  }
0x2: {  	s1 =	rddreg [dreg:$0x1]  }
0x3: {  	s2 =	rddreg [dreg:$0x2]  }
0x4: {  	s3 =	rddreg [dreg:$0x3]  }
0x5: {  	s4 =	srdreg.scid;
	s0 =	rddreg [dreg:$0x4]  }
0x6: {  	s20 =	stileid.u32;
	s12 =	simm.s32 $0x7D;
	s13 =	simm.s32 $0x80  }
0x7: {  	s14 =	simm.s32 $0x100;
	s15 =	simm.s32 $0x180;
	s16 =	simm.s32 $0x1  }
0x8: {  	s17 =	simm.s32 $0x2;
	s18 =	simm.s32 $0x3;
	s19 =	simm.s32 $0x4  }
0x9: {  	s22 =	simm.s32 $0x0;
	s6 =	sand.u32 $0x1, s4;
	s4 =	simm.s32 $0x0  }
0xa: {  	s9 =	smul.u32 $0x2800, s20;
	s11 =	sadd.s32 $0x27100, s3;
	p0 =	sne.s32 s20, $0x0  }
0xb: {  	s7 =	sshll.u32 s6, $0x4;
	s8 =	smul.u32 $0x28000, s6;
	[smem:$0x7FF] =	sst s4  }
0xc: {  	s6 =	ssub.s32 $0x2, s6;
	s11 =	sshrl.u32 @!p0 s11, $0x3;
	s7 =	sor.u32 s20, s7  }
0xd: {  	_ =	strace $0x80000047;
	s10 =	sshrl.u32 s6, $0x1;
	s21 =	sadd.s32 s9, s3  }
0xe: {  	s20 =	sshll.u32 s20, $0x6;
	s7 =	smul.u32 $0x500, s7;
	s8 =	sadd.s32 s9, s8  }
0xf: {  	s10 =	ssub.s32 s6, s10;
	s9 =	simm.s32 $0x2800;
	s8 =	sshrl.u32 s8, $0x3  }
0x10: {  	s20 =	sor.u32 $0x1C05, s20;
	s7 =	sadd.s32 s7, s5;
	s8 =	sadd.s32 s8, s5  }
0x11: {  	s21 =	sshrl.u32 s21, $0x3;
	s5 =	sadd.s32 $0x1600, s7;
	s6 =	sadd.s32 $0xB600, s8  }
0x12: {  	s7 =	smax.u32 s10, $0x1;
	s8 =	simm.s32 $0x5;
	s10 =	sshrl.u32 @!p0 s3, $0x3  }
.LBB2_1:
0x13: {  	[tilespmem:s4], [sflag:$0x5] =	stream.linear.gather [hbm4b:s5+s4], $0x2800, $0x38;
	[tilespmem:$0x57D0] =	vst v63  }
0x14: {  	_ =	swait.ge [sflag:s8], $0x2800  }
0x15: {  	[sflag:s8] =	ssyncset.done $0x0  }
0x16: {  	[sflag:s8] =	ssyncadd.s32 $0xFFFFD800  }
0x17: {  	[tilespmem:s9], [sflag:$0x5] =	stream.linear.gather [hbm4b:s1+s4], $0x7D0, $0x38;
	[tilespmem:$0x57D0] =	vst v63  }
0x18: {  	_ =	swait.ge [sflag:s8], $0x7D0  }
0x19: {  	[sflag:s8] =	ssyncset.done $0x0  }
0x1a: {  	s23 =	simm.s32 @!p0 $0x1C05;
	s24 =	simm.s32 @!p0 $0x5;
	[sflag:s8] =	ssyncadd.s32 $0xFFFFF830  }
0x1b: {  	[spmem:s10], [sflag:s23] =	dma.local @!p0 [hbm:s2], $0x4E20  }
0x1c: {  	_ =	swait.ge @!p0 [sflag:s24], $0x4E20  }
0x1d: {  	[sflag:s24] =	ssyncset.done @!p0 $0x0  }
0x1e: {  	[sflag:s24] =	ssyncadd.s32 @!p0 $0xFFFFB1E0  }
0x1f: {  	[spmem:s11], [sflag:s23] =	dma.local @!p0 [hbm:s2], $0x1E0  }
0x20: {  	_ =	swait.ge @!p0 [sflag:s24], $0x1E0  }
0x21: {  	[sflag:s24] =	ssyncset.done @!p0 $0x0  }
0x22: {  	[sflag:s24] =	ssyncadd.s32 @!p0 $0xFFFFFE20  }
0x23: {  	[bflag:$0x0] =	sbarrier.arrive $0xFFFF  }
0x24: {  	[spmem:s3] =	stream.indirect.scatter.add.f32 [tilespmem:s9], [sflag:$0x1], $0x10, s4, s12, $0xb8;
	[tilespmem:$0x57D0] =	vst v63  }
0x25: {  	_ = 	snop  }
0x26: {  	[spmem:s3] =	stream.indirect.scatter.add.f32 [tilespmem:s9], [sflag:$0x2], $0x10, s13, s12, $0xb8;
	[tilespmem:$0x57D0] =	vst v63  }
0x27: {  	_ = 	snop  }
0x28: {  	[spmem:s3] =	stream.indirect.scatter.add.f32 [tilespmem:s9], [sflag:$0x3], $0x10, s14, s12, $0xb8;
	[tilespmem:$0x57D0] =	vst v63  }
0x29: {  	_ = 	snop  }
0x2a: {  	[spmem:s3] =	stream.indirect.scatter.add.f32 [tilespmem:s9], [sflag:$0x4], $0x10, s15, s12, $0xb8;
	[tilespmem:$0x57D0] =	vst v63  }
0x2b: {  	_ =	swait.ge [sflag:s16], $0x7D0  }
0x2c: {  	[sflag:s16] =	ssyncset.done $0x0  }
0x2d: {  	s29 =	simm.s32 $0x200;
	[sflag:s16] =	ssyncadd.s32 $0xFFFFF830  }
0x2e: {  	[spmem:s3] =	stream.indirect.scatter.add.f32 [tilespmem:s9], [sflag:$0x1], $0x10, s29, s12, $0xb8;
	[tilespmem:$0x57D0] =	vst v63  }
0x2f: {  	_ =	swait.ge [sflag:s17], $0x7D0  }
0x30: {  	[sflag:s17] =	ssyncset.done $0x0  }
0x31: {  	s30 =	simm.s32 $0x280;
	[sflag:s17] =	ssyncadd.s32 $0xFFFFF830  }
0x32: {  	[spmem:s3] =	stream.indirect.scatter.add.f32 [tilespmem:s9], [sflag:$0x2], $0x10, s30, s12, $0xb8;
	[tilespmem:$0x57D0] =	vst v63  }
0x33: {  	_ =	swait.ge [sflag:s18], $0x7D0  }
0x34: {  	[sflag:s18] =	ssyncset.done $0x0  }
0x35: {  	s31 =	simm.s32 $0x300;
	[sflag:s18] =	ssyncadd.s32 $0xFFFFF830  }
0x36: {  	[spmem:s3] =	stream.indirect.scatter.add.f32 [tilespmem:s9], [sflag:$0x3], $0x10, s31, s12, $0xb8;
	[tilespmem:$0x57D0] =	vst v63  }
0x37: {  	_ =	swait.ge [sflag:s19], $0x7D0  }
0x38: {  	[sflag:s19] =	ssyncset.done $0x0  }
0x39: {  	s23 =	simm.s32 $0xFFFF7000;
	s24 =	simm.s32 $0x380;
	[sflag:s19] =	ssyncadd.s32 $0xFFFFF830  }
.LBB2_2:
0x3a: {  	[spmem:s3] =	stream.indirect.scatter.add.f32 [tilespmem:s9], [sflag:$0x4], $0x10, s24, s12, $0xb8;
	[tilespmem:$0x57D0] =	vst v63  }
0x3b: {  	s24 =	smov.u32 s23  }
0x3c: {  	p1 =	sne.s32 s23, $0xFFFFF800;
	s23 =	sadd.s32 $0x800, s23;
	_ =	swait.ge [sflag:s16], $0x7D0  }
0x3d: {  	s24 =	sshra.s32 s24, $0x2;
	[sflag:s16] =	ssyncset.done $0x0  }
0x3e: {  	s25 =	sadd.s32 $0x2800, s24;
	[sflag:s16] =	ssyncadd.s32 $0xFFFFF830  }
0x3f: {  	[spmem:s3] =	stream.indirect.scatter.add.f32 [tilespmem:s9], [sflag:$0x1], $0x10, s25, s12, $0xb8;
	[tilespmem:$0x57D0] =	vst v63  }
0x40: {  	_ =	swait.ge [sflag:s17], $0x7D0  }
0x41: {  	[sflag:s17] =	ssyncset.done $0x0  }
0x42: {  	s25 =	sadd.s32 $0x2880, s24;
	[sflag:s17] =	ssyncadd.s32 $0xFFFFF830  }
0x43: {  	[spmem:s3] =	stream.indirect.scatter.add.f32 [tilespmem:s9], [sflag:$0x2], $0x10, s25, s12, $0xb8;
	[tilespmem:$0x57D0] =	vst v63  }
0x44: {  	_ =	swait.ge [sflag:s18], $0x7D0  }
0x45: {  	[sflag:s18] =	ssyncset.done $0x0  }
.Ltmp0:
0x46: {  	s25 =	sadd.s32 $0x2900, s24;
	[sflag:s18] =	ssyncadd.s32 $0xFFFFF830;
	(pc) =	sbr.rel @p1 .LBB2_2-.Ltmp0, $4  }
0x47: {  	[spmem:s3] =	stream.indirect.scatter.add.f32 [tilespmem:s9], [sflag:$0x3], $0x10, s25, s12, $0xb8;
	[tilespmem:$0x57D0] =	vst v63  }
0x48: {  	_ =	swait.ge [sflag:s19], $0x7D0  }
0x49: {  	[sflag:s19] =	ssyncset.done $0x0  }
0x4a: {  	s24 =	sadd.s32 $0x2980, s24;
	[sflag:s19] =	ssyncadd.s32 $0xFFFFF830  }
0x4b: {  	[spmem:s3] =	stream.indirect.scatter.add.f32 [tilespmem:s9], [sflag:$0x4], $0x10, s24, s12, $0xb8;
	[tilespmem:$0x57D0] =	vst v63  }
0x4c: {  	_ =	swait.ge [sflag:s16], $0x7D0  }
0x4d: {  	[sflag:s16] =	ssyncset.done $0x0  }
0x4e: {  	[sflag:s16] =	ssyncadd.s32 $0xFFFFF830  }
0x4f: {  	_ =	swait.ge [sflag:s17], $0x7D0  }
0x50: {  	[sflag:s17] =	ssyncset.done $0x0  }
0x51: {  	[sflag:s17] =	ssyncadd.s32 $0xFFFFF830  }
0x52: {  	_ =	swait.ge [sflag:s18], $0x7D0  }
0x53: {  	[sflag:s18] =	ssyncset.done $0x0  }
0x54: {  	[sflag:s18] =	ssyncadd.s32 $0xFFFFF830  }
0x55: {  	_ =	swait.ge [sflag:s19], $0x7D0  }
0x56: {  	s22 =	sadd.s32 $0x1, s22;
	[sflag:s19] =	ssyncset.done $0x0  }
0x57: {  	p1 =	sne.s32 s22, s7;
	[sflag:s19] =	ssyncadd.s32 $0xFFFFF830  }
.Ltmp1:
0x58: {  	[bflag:$0x0] =	sbarrier.arrive $0xFFFF;
	(pc) =	sbr.rel @p1 .LBB2_1-.Ltmp1, $4  }
0x59: {  	[hbm:s6], [sflag:s20] =	dma.local [spmem:s21], $0x500  }
0x5a: {  	_ =	swait.ge [sflag:s8], $0x500  }
0x5b: {  	[sflag:s8] =	ssyncset.done $0x0  }
0x5c: {  	[sflag:s8] =	ssyncadd.s32 $0xFFFFFB00  }
0x5d: {  	_ =	sfence.sel $0x180000  }
0x5e: {  	[bflag:$0x0] =	sbarrier.arrive $0xFFFF  }
0x5f: {  	_ =	strace $0x90000047  }
0x60: {  	s0 =	sadd.s32 @!p0 $0x100000, s0;
	[bflag:$0x2] =	sbarrier.arrive $0xFFFF  }
0x61: {  	[sflag:s0] =	ssyncadd.tile.s32 @!p0 $0x1;
	_ =	shalt  }
.Lfunc_end2:
_tile_overlayer_lowered:
.L_overlay_start_2:
0x62: {  	(tag) =	ssettag $0x2  }
0x63: {  	s0 =	rddreg [dreg:$0x0];
	s2 =	stileid.u32  }
0x64: {  	s1 =	rddreg [dreg:$0x1];
	p0 =	sne.s32 s2, $0x0  }
0x65: {  	s3 =	rddreg [dreg:$0x2];
	[bflag:$0x3] =	sbarrier.arrive $0xFFFF;
	s2 =	simm.s32 @!p0 $0x1C05  }
0x66: {  	[timem:s3], [sflag:s2] =	dma.local @!p0 [hbm:s0], s1  }
0x67: {  	s0 =	simm.s32 @!p0 $0x5  }
0x68: {  	_ =	swait.ge @!p0 [sflag:s0], s1  }
0x69: {  	s1 =	ssub.s32 @!p0 $0x0, s1;
	[sflag:s0] =	ssyncset.done @!p0 $0x0  }
0x6a: {  	[sflag:s0] =	ssyncadd.s32 @!p0 s1  }
0x6b: {  	[bflag:$0x3] =	sbarrier.arrive $0xFFFF  }
0x6c: {  	_ =	shalt  }

// kernel: kernel.13.cloned.1.call-start
scs
__scs_entry_jumppad:
0x0: {  	(pc) =	sbr.rel $0x88, $3  }
0x1: {  	(tag) =	ssettag $0x0;
	lr =	simm.s32 $0x1  }
0x2: {  	[smem:$0x3F9B] =	sst lr;
	_ =	strace $0xD0000000  }
0x3: {  	_ = 	snop  }
0x4: {  	_ = 	snop  }
0x5: {  	_ = 	snop  }
0x6: {  	_ = 	snop  }
0x7: {  	_ = 	snop  }
__scs_overlays_trampoline_lowered:
0x8: {  	[smem:$0x3FAA] =	sst s0  }
0x9: {  	[smem:$0x3FAB] =	sst s1  }
0xa: {  	[smem:$0x3FAC] =	sst s2  }
0xb: {  	[smem:$0x3FAD] =	sst s3  }
0xc: {  	[smem:$0x3FAE] =	sst s4  }
0xd: {  	[smem:$0x3FAF] =	sst s5  }
0xe: {  	[smem:$0x3FB0] =	sst s6  }
0xf: {  	[smem:$0x3FB1] =	sst s7  }
0x10: {  	[smem:$0x3FB2] =	sst s8  }
0x11: {  	[smem:$0x3FB3] =	sst s9;
	s0 =	simm.s32 @!p0 $0x0  }
0x12: {  	s1 =	sld [smem:$0x3F99];
	s0 =	simm.s32 @p0 $0x1  }
0x13: {  	[smem:$0x3FB4] =	sst s0;
	s0 =	simm.s32 @!p1 $0x0  }
0x14: {  	s2 =	sld [smem:$0x3F98];
	s0 =	simm.s32 @p1 $0x1  }
0x15: {  	[smem:$0x3FB5] =	sst s0;
	s0 =	simm.s32 @!p2 $0x0  }
0x16: {  	s3 =	sld [smem:$0x3FDB];
	s0 =	simm.s32 @p2 $0x1  }
0x17: {  	s4 =	simm.s32 $0x1BF5;
	[smem:$0x3FB7] =	sst s0  }
0x18: {  	s0 =	sld [smem:$0x3F9A];
	_ =	swait.ge [sflag:s4], $0x0  }
0x19: {  	s7 =	sld [smem:$0x3F9B]  }
0x1a: {  	s8 =	sadd.s32 $0xFFFFE003, lr  }
0x1b: {  	s9 =	sadd.s32 $0xFFFFFEF7, lr;
	s5 =	simm.s32 $0xFFFFFFFF;
	p2 =	slt.u32 s8, $0xFFFFF086  }
0x1c: {  	p1 =	slt.u32 s9, $0xF7A;
	s5 =	simm.s32 @!p2 $0x0  }
0x1d: {  	s5 =	simm.s32 @p1 $0x1;
	p0 =	seq.s32 s7, s2  }
0x1e: {  	s7 =	smul.u32 @!p0 $0xF7A, s2;
	p2 =	seq.s32 @!p0 s5, $0x0  }
0x1f: {  	s9 =	smul.u32 $0xF7A, s1;
	s8 =	simm.s32 @!p0 $0x1BF5;
	p2 =	por !p2, p0  }
0x20: {  	[sflag:s8] =	ssyncset.s32 @!p0 $0xFFFFF086;
	s6 =	sadd.s32 @!p0 s3, s7;
	s7 =	simm.s32 @!p0 $0x108  }
0x21: {  	s3 =	sadd.s32 s3, s9;
	s6 =	sadd.s32 @!p0 $0x88, s6;
	s7 =	simm.s32 @p2 $0x1082  }
0x22: {  	[simem:s7], [sflag:s8] =	dma.local @!p0 [hbm:s6], $0xF7A  }
0x23: {  	s9 =	sor.u32 $0xD0000000, s2;
	s6 =	simm.s32 $0x108;
	_ =	swait.ge @!p0 [sflag:s8], $0x0  }
0x24: {  	s3 =	sadd.s32 $0x88, s3;
	s6 =	simm.s32 @!p1 $0x1082;
	[sflag:s4] =	ssyncset.s32 $0xFFFFF086  }
0x25: {  	[simem:s6], [sflag:s4] =	dma.local [hbm:s3], $0xF7A  }
0x26: {  	[smem:$0x3F9B] =	sst s1;
	(tag) =	ssettag s2;
	_ =	strace s9  }
0x27: {  	s1 =	sld [smem:$0x3FAB]  }
0x28: {  	s2 =	sld [smem:$0x3FAC]  }
0x29: {  	s4 =	sld [smem:$0x3FAE]  }
0x2a: {  	p0 =	seq.s32 s5, $0x0;
	s5 =	sld [smem:$0x3FAF]  }
0x2b: {  	s6 =	sld [smem:$0x3FB0]  }
0x2c: {  	s7 =	sld [smem:$0x3FB1]  }
0x2d: {  	s3 =	simm.s32 $0x108;
	s8 =	sld [smem:$0x3FB2]  }
0x2e: {  	s3 =	simm.s32 @!p0 $0x1082;
	s9 =	sld [smem:$0x3FB3]  }
0x2f: {  	lr =	sadd.s32 s0, s3;
	s0 =	sld [smem:$0x3FAA]  }
0x30: {  	s3 =	sld [smem:$0x3FAD]  }
0x31: {  	[smem:$0x3FB6] =	sst s10  }
0x32: {  	s10 =	sld [smem:$0x3FB4];
	_ =	sdelay $0x3  }
0x33: {  	p0 =	seq.s32 s10, $0x1;
	s10 =	sld [smem:$0x3FB6];
	_ =	sdelay $0x3  }
0x34: {  	[smem:$0x3FB6] =	sst s10  }
0x35: {  	s10 =	sld [smem:$0x3FB5];
	_ =	sdelay $0x3  }
0x36: {  	p1 =	seq.s32 s10, $0x1;
	s10 =	sld [smem:$0x3FB6];
	_ =	sdelay $0x3  }
0x37: {  	[smem:$0x3FB6] =	sst s10  }
0x38: {  	s10 =	sld [smem:$0x3FB7]  }
0x39: {  	_ = 	snop;
	(pc) =	sbr.ind lr, $3  }
0x3a: {  	_ = 	snop  }
0x3b: {  	_ = 	snop  }
0x3c: {  	p2 =	seq.s32 s10, $0x1;
	s10 =	sld [smem:$0x3FB6]  }
0x3d: {  	_ =	shalt  }
0x3e: {  	_ =	shalt  }
0x3f: {  	_ =	shalt  }
0x40: {  	_ =	shalt  }
0x41: {  	_ =	shalt  }
0x42: {  	_ =	shalt  }
0x43: {  	_ =	shalt  }
0x44: {  	_ =	shalt  }
0x45: {  	_ =	shalt  }
0x46: {  	_ =	shalt  }
0x47: {  	_ =	shalt  }
0x48: {  	_ =	shalt  }
0x49: {  	_ =	shalt  }
0x4a: {  	_ =	shalt  }
0x4b: {  	_ =	shalt  }
0x4c: {  	_ =	shalt  }
0x4d: {  	_ =	shalt  }
0x4e: {  	_ =	shalt  }
0x4f: {  	_ =	shalt  }
0x50: {  	_ =	shalt  }
0x51: {  	_ =	shalt  }
0x52: {  	_ =	shalt  }
0x53: {  	_ =	shalt  }
0x54: {  	_ =	shalt  }
0x55: {  	_ =	shalt  }
0x56: {  	_ =	shalt  }
0x57: {  	_ =	shalt  }
0x58: {  	_ =	shalt  }
0x59: {  	_ =	shalt  }
0x5a: {  	_ =	shalt  }
0x5b: {  	_ =	shalt  }
0x5c: {  	_ =	shalt  }
0x5d: {  	_ =	shalt  }
0x5e: {  	_ =	shalt  }
0x5f: {  	_ =	shalt  }
0x60: {  	_ =	shalt  }
0x61: {  	_ =	shalt  }
0x62: {  	_ =	shalt  }
0x63: {  	_ =	shalt  }
0x64: {  	_ =	shalt  }
0x65: {  	_ =	shalt  }
0x66: {  	_ =	shalt  }
0x67: {  	_ =	shalt  }
0x68: {  	_ =	shalt  }
0x69: {  	_ =	shalt  }
0x6a: {  	_ =	shalt  }
0x6b: {  	_ =	shalt  }
0x6c: {  	_ =	shalt  }
0x6d: {  	_ =	shalt  }
0x6e: {  	_ =	shalt  }
0x6f: {  	_ =	shalt  }
0x70: {  	_ =	shalt  }
0x71: {  	_ =	shalt  }
0x72: {  	_ =	shalt  }
0x73: {  	_ =	shalt  }
0x74: {  	_ =	shalt  }
0x75: {  	_ =	shalt  }
0x76: {  	_ =	shalt  }
0x77: {  	_ =	shalt  }
0x78: {  	_ =	shalt  }
0x79: {  	_ =	shalt  }
0x7a: {  	_ =	shalt  }
0x7b: {  	_ =	shalt  }
0x7c: {  	_ =	shalt  }
0x7d: {  	_ =	shalt  }
0x7e: {  	_ =	shalt  }
0x7f: {  	_ =	shalt  }
0x80: {  	_ =	shalt  }
0x81: {  	_ =	shalt  }
0x82: {  	_ =	shalt  }
0x83: {  	_ =	shalt  }
0x84: {  	_ =	shalt  }
0x85: {  	_ =	shalt  }
0x86: {  	_ =	shalt  }
0x87: {  	_ =	shalt  }
.Lfunc_end0:
.L_simem_size_0:
called_computation.1_lowered:
.L_overlay_start_0:
0x88: {  	s2 =	sld [smem:$0x3FD9]  }
0x89: {  	s3 =	sld [smem:$0x3FFE];
	_ =	sdelay $0x1  }
0x8a: {  	s1 =	srdreg.scid  }
0x8b: {  	s0 =	sand.u32 $0x1, s1  }
0x8c: {  	s14 =	sshll.u32 s0, $0xA;
	s2 =	sadd.s32 s3, s2  }
0x8d: {  	s2 =	sadd.s32 s2, s14  }
0x8e: {  	[smem:$0x3FC2] =	sst s2  }
0x8f: {  	_ = 	snop  }
0x90: {  	s2 =	sld [smem:$0x3FD0];
	_ =	sdelay $0x2  }
0x91: {  	s15 =	simm.s32 $0xA;
	s4 =	simm.s32 $0x10  }
0x92: {  	[smem:s4], [sflag:s15] =	dma.local [hbm:s2], $0x1  }
0x93: {  	_ =	swait.eq [sflag:s15], $0x1  }
0x94: {  	[sflag:s15] =	ssyncset.done $0x0  }
0x95: {  	[sflag:s15] =	ssyncadd.s32 $0xFFFFFFFF  }
0x96: {  	s16 =	sld [smem:$0x11];
	(tm) =	ssettm $0x1  }
0x97: {  	s17 =	sld [smem:$0x3FFB];
	_ =	sdelay $0x3  }
0x98: {  	_ =	strace s17  }
0x99: {  	s3 =	sld [smem:$0x3FFC];
	_ =	sdelay $0x3  }
0x9a: {  	_ =	strace s3  }
0x9b: {  	s3 =	sld [smem:$0x3FFD];
	_ =	sdelay $0x3  }
0x9c: {  	_ =	strace s3  }
0x9d: {  	_ =	strace $0x8FFFFFFF  }
0x9e: {  	s18 =	sld [smem:$0x3FDB];
	_ =	sdelay $0x1  }
0x9f: {  	s19 =	simm.s32 $_scs_section_size  }
0xa0: {  	s5 =	simm.s32 $_size__tile_overlayer_lowered;
	s6 =	simm.s32 $_tile_overlayer_lowered  }
0xa1: {  	s22 =	simm.s32 $0x1BFF;
	s21 =	sshll.u32 s6, $0x1;
	s3 =	sadd.s32 s19, s18  }
0xa2: {  	s7 =	simm.s32 $0x0;
	s20 =	sshll.u32 s5, $0x1;
	s5 =	sadd.s32 s21, s3  }
0xa3: {  	[timem:s7], [sflag:s22] =	dma.local [hbm:s5], s20  }
0xa4: {  	_ =	swait.ge [sflag:s22], s20  }
0xa5: {  	s4 =	ssub.s32 $0x0, s20;
	[sflag:s22] =	ssyncset.done $0x0  }
0xa6: {  	[sflag:s22] =	ssyncadd.s32 s4;
	_ =	sdelay $0x1  }
0xa7: {  	s23 =	simm.s32 $0x1B8B  }
0xa8: {  	_ =	swait.ge [sflag:s23], $0x1  }
0xa9: {  	[sflag:s23] =	ssyncset.done $0x0  }
0xaa: {  	s25 =	simm.s32 $0x1B8E;
	s24 =	sld [smem:$0x3FFE];
	[sflag:s23] =	ssyncadd.s32 $0xFFFFFFFF  }
0xab: {  	s26 =	simm.s32 $execute0_lowered;
	[smem:$0x3FD2] =	sst s25  }
0xac: {  	s5 =	sshll.u32 s26, $0x1;
	_ =	strace $0x80000049;
	[dreg:$0x1] =	wrdreg $0xFFFFFFFF  }
0xad: {  	s28 =	simm.s32 $_size_execute0_lowered;
	s3 =	sadd.s32 s3, s5;
	[dreg:$0x0] =	wrdreg $0x0  }
0xae: {  	s5 =	sshll.u32 s28, $0x1;
	[dreg:$0x2] =	wrdreg s3  }
0xaf: {  	[dreg:$0x3] =	wrdreg s5  }
0xb0: {  	[dreg:$0x4] =	wrdreg $0xC0  }
0xb1: {  	_ =	task [dreg:s7], $0x5FFFF  }
0xb2: {  	[dreg:$0x1] =	wrdreg $0xFFFFFFFF  }
0xb3: {  	[dreg:$0x0] =	wrdreg $0x60  }
0xb4: {  	[dreg:$0x2] =	wrdreg s24  }
0xb5: {  	[dreg:$0x3] =	wrdreg s16  }
0xb6: {  	[dreg:$0x4] =	wrdreg $0x8E800  }
0xb7: {  	[dreg:$0x5] =	wrdreg $0xDE800  }
0xb8: {  	[dreg:$0x6] =	wrdreg $0x9  }
0xb9: {  	_ =	task.clear_ibuf [dreg:s7], $0x7FFFF;
	_ =	strace $0x90000049  }
0xba: {  	s29 =	simm.s32 $0x9;
	_ =	strace $0x8000004B  }
0xbb: {  	_ =	swait.ge [sflag:s29], $0x1  }
0xbc: {  	[sflag:s29] =	ssyncadd.s32 $0xFFFFFFFF  }
0xbd: {  	_ =	strace $0x9000004B  }
0xbe: {  	_ =	sfence  }
0xbf: {  	s30 =	sld [smem:$0x0];
	_ =	sdelay $0x2  }
0xc0: {  	s31 =	sshll.u32 s1, $0xD;
	s1 =	sshrl.u32 s1, $0x2  }
0xc1: {  	s3 =	sand.u32 $0x4000, s31;
	s1 =	sadd.s32 s1, s30  }
0xc2: {  	s0 =	sor.u32 s3, s0;
	s1 =	sshll.u32 s1, $0x11  }
0xc3: {  	s0 =	sor.u32 s1, s0  }
0xc4: {  	s0 =	sadd.s32 $0x8F2B, s0  }
0xc5: {  	[sflag:s0] =	ssyncadd.remote.s32 $0x1  }
0xc6: {  	_ =	sfence.sel $0xFFFF  }
0xc7: {  	[dreg:$0x0] =	wrdreg $0xFFFFFFFF;
	(pc) =	sbr.abs _section_cstart, $3  }
0xc8: {  	[dreg:$0x1] =	wrdreg $0xFFFFFFFF  }
0xc9: {  	_ =	task.clear_ibuf [dreg:s7], $0x2FFFF;
	_ =	strace $0x9FFFFFFF  }
0xca: {  	(tm) =	ssettm $0x7FFFFFFF  }
0xcb: {  	_ =	shalt  }
tec
execute0_lowered:
.L_overlay_start_1:
0x0: {  	(tag) =	ssettag $0x1  }
0x1: {  	s0 =	rddreg [dreg:$0x0]  }
0x2: {  	s1 =	rddreg [dreg:$0x1]  }
0x3: {  	s3 =	srdreg.scid;
	s2 =	rddreg [dreg:$0x2]  }
0x4: {  	s12 =	stileid.u32;
	s4 =	simm.s32 $0x0;
	s13 =	simm.s32 $0x2800  }
0x5: {  	s17 =	simm.s32 $0x7D;
	s18 =	simm.s32 $0x5000;
	s20 =	simm.s32 $0x5FA0  }
0x6: {  	s28 =	simm.s32 $0x2;
	s30 =	simm.s32 $0x5;
	s31 =	simm.s32 $0x7  }
0x7: {  	s19 =	simm.s32 $0x8;
	s7 =	sand.u32 $0x1, s3;
	s3 =	rddreg [dreg:$0x3]  }
0x8: {  	s21 =	simm.s32 $0x0;
	[smem:$0x7FF] =	sst s4;
	s11 =	smul.u32 $0x5000, s12  }
0x9: {  	s16 =	sadd.s32 $0x4E200, s2;
	p0 =	seq.s32 s12, $0x1;
	s5 =	sshll.u32 s7, $0x4  }
0xa: {  	_ =	strace $0x8000004A;
	s8 =	smul.u32 $0x50000, s7;
	s9 =	ssub.s32 $0x2, s7  }
0xb: {  	p1 =	seq.s32 s7, $0x0;
	s14 =	sshrl.u32 @p0 s3, $0x3;
	s5 =	sor.u32 s12, s5  }
0xc: {  	s22 =	sshrl.u32 s9, $0x1;
	s6 =	smul.u32 $0x500, s5;
	s24 =	sadd.s32 s11, s8  }
0xd: {  	s29 =	sadd.s32 s11, s2;
	s5 =	sadd.s32 $0xB600, s0;
	s26 =	sshrl.u32 s24, $0x3  }
0xe: {  	s8 =	smov.u32 s5;
	s24 =	simm.s32 $0x4;
	s10 =	sadd.s32 s6, s0  }
0xf: {  	s6 =	sadd.s32 $0x1F600, s0;
	s0 =	ssub.s32 s9, s22;
	s9 =	sadd.s32 s1, s26  }
0x10: {  	s22 =	simm.s32 $0x6F40;
	s26 =	simm.s32 $0x7EE0;
	s1 =	simm.s32 $0x6  }
0x11: {  	s23 =	sadd.s32 $0x15600, s10;
	s25 =	sadd.s32 $0x1600, s10;
	s10 =	smov.u32 s6  }
0x12: {  	s11 =	smax.u32 s0, $0x1;
	s0 =	simm.s32 $0x3;
	[dreg:$0x5] =	wrdreg s23  }
0x13: {  	[dreg:$0x6] =	wrdreg s25;
	s10 =	smov.u32 @p1 s5;
	p1 =	sne.s32 @!p0 s12, $0x0  }
0x14: {  	s12 =	simm.s32 $0x9;
	s23 =	simm.s32 $0x1;
	p1 =	por p1, p0  }
0x15: {  	s25 =	sshrl.u32 s29, $0x3;
	s15 =	sshrl.u32 @!p1 s2, $0x3;
	s16 =	sshrl.u32 @!p1 s16, $0x3  }
.LBB2_1:
0x16: {  	s5 =	rddreg [dreg:$0x5]  }
0x17: {  	[tilespmem:s4], [sflag:$0x9] =	stream.linear.gather [hbm4b:s5+s4], $0x2800, $0x38;
	[tilespmem:$0x12E80] =	vst v63  }
0x18: {  	_ =	swait.ge [sflag:s12], $0x2800  }
0x19: {  	[sflag:s12] =	ssyncset.done $0x0  }
0x1a: {  	s7 =	rddreg [dreg:$0x6];
	[sflag:s12] =	ssyncadd.s32 $0xFFFFD800  }
0x1b: {  	[tilespmem:s13], [sflag:$0x9] =	stream.linear.gather [hbm4b:s7+s4], $0x2800, $0x38;
	[tilespmem:$0x12E80] =	vst v63  }
0x1c: {  	_ =	swait.ge [sflag:s12], $0x2800  }
0x1d: {  	[sflag:s12] =	ssyncset.done $0x0  }
0x1e: {  	s7 =	simm.s32 @p0 $0x1C49;
	[sflag:s12] =	ssyncadd.s32 $0xFFFFD800  }
0x1f: {  	[spmem:s14], [sflag:s7] =	dma.local @p0 [hbm:s8], $0x9C40  }
0x20: {  	s7 =	simm.s32 @p0 $0x9  }
0x21: {  	_ =	swait.ge @p0 [sflag:s7], $0x9C40  }
0x22: {  	[sflag:s7] =	ssyncset.done @p0 $0x0  }
0x23: {  	s29 =	simm.s32 @!p1 $0x9;
	[sflag:s7] =	ssyncadd.s32 @p0 $0xFFFF63C0;
	s7 =	simm.s32 @!p1 $0x1C09  }
0x24: {  	[spmem:s15], [sflag:s7] =	dma.local @!p1 [hbm:s10], $0x9C40  }
0x25: {  	_ =	swait.ge @!p1 [sflag:s29], $0x9C40  }
0x26: {  	[sflag:s29] =	ssyncset.done @!p1 $0x0  }
0x27: {  	[sflag:s29] =	ssyncadd.s32 @!p1 $0xFFFF63C0  }
0x28: {  	[spmem:s16], [sflag:s7] =	dma.local @!p1 [hbm:s6], $0x3C0  }
0x29: {  	_ =	swait.ge @!p1 [sflag:s29], $0x3C0  }
0x2a: {  	[sflag:s29] =	ssyncset.done @!p1 $0x0  }
0x2b: {  	[sflag:s29] =	ssyncadd.s32 @!p1 $0xFFFFFC40  }
0x2c: {  	[bflag:$0x0] =	sbarrier.arrive $0xFFFF  }
0x2d: {  	[tilespmem:s18], [sflag:$0x1] =	stream.indirect.gather [spmem:s3], $0x20, s4, s17, $0xb8;
	[tilespmem:$0x12E80] =	vst v63  }
0x2e: {  	s7 =	simm.s32 $0x80  }
0x2f: {  	[tilespmem:s20], [sflag:$0x2] =	stream.indirect.gather [spmem:s3], $0x20, s7, s17, $0xb8;
	[tilespmem:$0x12E80] =	vst v63  }
0x30: {  	s7 =	simm.s32 $0x100  }
0x31: {  	[tilespmem:s22], [sflag:$0x3] =	stream.indirect.gather [spmem:s3], $0x20, s7, s17, $0xb8;
	[tilespmem:$0x12E80] =	vst v63  }
0x32: {  	_ =	swait.ge [sflag:s23], $0xFA0  }
0x33: {  	[sflag:s23] =	ssyncset.done $0x0  }
0x34: {  	[sflag:s23] =	ssyncadd.s32 $0xFFFFF060  }
0x35: {  	[spmem:s2] =	stream.indirect.scatter.add.f32 [tilespmem:s18], [sflag:$0x5], $0x20, s13, s17, $0xb8;
	[tilespmem:$0x12E80] =	vst v63  }
0x36: {  	s7 =	simm.s32 $0x180  }
0x37: {  	[tilespmem:s26], [sflag:$0x4] =	stream.indirect.gather [spmem:s3], $0x20, s7, s17, $0xb8;
	[tilespmem:$0x12E80] =	vst v63  }
0x38: {  	_ =	swait.ge [sflag:s28], $0xFA0  }
0x39: {  	[sflag:s28] =	ssyncset.done $0x0  }
0x3a: {  	s7 =	simm.s32 $0x2880;
	[sflag:s28] =	ssyncadd.s32 $0xFFFFF060  }
0x3b: {  	[spmem:s2] =	stream.indirect.scatter.add.f32 [tilespmem:s20], [sflag:$0x6], $0x20, s7, s17, $0xb8;
	[tilespmem:$0x12E80] =	vst v63  }
0x3c: {  	_ =	swait.ge [sflag:s30], $0xFA0  }
0x3d: {  	[sflag:s30] =	ssyncset.done $0x0  }
0x3e: {  	s7 =	simm.s32 $0x200;
	[sflag:s30] =	ssyncadd.s32 $0xFFFFF060  }
0x3f: {  	[tilespmem:s18], [sflag:$0x1] =	stream.indirect.gather [spmem:s3], $0x20, s7, s17, $0xb8;
	[tilespmem:$0x12E80] =	vst v63  }
0x40: {  	_ =	swait.ge [sflag:s0], $0xFA0  }
0x41: {  	[sflag:s0] =	ssyncset.done $0x0  }
0x42: {  	s7 =	simm.s32 $0x2900;
	[sflag:s0] =	ssyncadd.s32 $0xFFFFF060  }
0x43: {  	[spmem:s2] =	stream.indirect.scatter.add.f32 [tilespmem:s22], [sflag:$0x7], $0x20, s7, s17, $0xb8;
	[tilespmem:$0x12E80] =	vst v63  }
0x44: {  	_ =	swait.ge [sflag:s1], $0xFA0  }
0x45: {  	[sflag:s1] =	ssyncset.done $0x0  }
0x46: {  	s7 =	simm.s32 $0x280;
	[sflag:s1] =	ssyncadd.s32 $0xFFFFF060  }
0x47: {  	[tilespmem:s20], [sflag:$0x2] =	stream.indirect.gather [spmem:s3], $0x20, s7, s17, $0xb8;
	[tilespmem:$0x12E80] =	vst v63  }
0x48: {  	_ =	swait.ge [sflag:s24], $0xFA0  }
0x49: {  	[sflag:s24] =	ssyncset.done $0x0  }
0x4a: {  	s7 =	simm.s32 $0x2980;
	[sflag:s24] =	ssyncadd.s32 $0xFFFFF060  }
0x4b: {  	[spmem:s2] =	stream.indirect.scatter.add.f32 [tilespmem:s26], [sflag:$0x8], $0x20, s7, s17, $0xb8;
	[tilespmem:$0x12E80] =	vst v63  }
0x4c: {  	_ =	swait.ge [sflag:s31], $0xFA0  }
0x4d: {  	[sflag:s31] =	ssyncset.done $0x0  }
0x4e: {  	s5 =	simm.s32 $0x300;
	[sflag:s31] =	ssyncadd.s32 $0xFFFFF060  }
0x4f: {  	[tilespmem:s22], [sflag:$0x3] =	stream.indirect.gather [spmem:s3], $0x20, s5, s17, $0xb8;
	[tilespmem:$0x12E80] =	vst v63  }
0x50: {  	_ =	swait.ge [sflag:s23], $0xFA0  }
0x51: {  	[sflag:s23] =	ssyncset.done $0x0  }
0x52: {  	s5 =	simm.s32 $0x2A00;
	[sflag:s23] =	ssyncadd.s32 $0xFFFFF060  }
0x53: {  	[spmem:s2] =	stream.indirect.scatter.add.f32 [tilespmem:s18], [sflag:$0x5], $0x20, s5, s17, $0xb8;
	[tilespmem:$0x12E80] =	vst v63  }
0x54: {  	_ =	swait.ge [sflag:s19], $0xFA0  }
0x55: {  	[sflag:s19] =	ssyncset.done $0x0  }
0x56: {  	s5 =	simm.s32 $0x380;
	[sflag:s19] =	ssyncadd.s32 $0xFFFFF060  }
0x57: {  	[tilespmem:s26], [sflag:$0x4] =	stream.indirect.gather [spmem:s3], $0x20, s5, s17, $0xb8;
	[tilespmem:$0x12E80] =	vst v63  }
0x58: {  	_ =	swait.ge [sflag:s28], $0xFA0  }
0x59: {  	[sflag:s28] =	ssyncset.done $0x0  }
0x5a: {  	s5 =	simm.s32 $0x2A80;
	[sflag:s28] =	ssyncadd.s32 $0xFFFFF060  }
0x5b: {  	[spmem:s2] =	stream.indirect.scatter.add.f32 [tilespmem:s20], [sflag:$0x6], $0x20, s5, s17, $0xb8;
	[tilespmem:$0x12E80] =	vst v63  }
0x5c: {  	_ =	swait.ge [sflag:s30], $0xFA0  }
0x5d: {  	[sflag:s30] =	ssyncset.done $0x0  }
0x5e: {  	s5 =	simm.s32 $0x400;
	[sflag:s30] =	ssyncadd.s32 $0xFFFFF060  }
0x5f: {  	[tilespmem:s18], [sflag:$0x1] =	stream.indirect.gather [spmem:s3], $0x20, s5, s17, $0xb8;
	[tilespmem:$0x12E80] =	vst v63  }
0x60: {  	_ =	swait.ge [sflag:s0], $0xFA0  }
0x61: {  	[sflag:s0] =	ssyncset.done $0x0  }
0x62: {  	s5 =	simm.s32 $0x2B00;
	[sflag:s0] =	ssyncadd.s32 $0xFFFFF060  }
0x63: {  	[spmem:s2] =	stream.indirect.scatter.add.f32 [tilespmem:s22], [sflag:$0x7], $0x20, s5, s17, $0xb8;
	[tilespmem:$0x12E80] =	vst v63  }
0x64: {  	_ =	swait.ge [sflag:s1], $0xFA0  }
0x65: {  	[sflag:s1] =	ssyncset.done $0x0  }
0x66: {  	s5 =	simm.s32 $0x480;
	[sflag:s1] =	ssyncadd.s32 $0xFFFFF060  }
0x67: {  	[tilespmem:s20], [sflag:$0x2] =	stream.indirect.gather [spmem:s3], $0x20, s5, s17, $0xb8;
	[tilespmem:$0x12E80] =	vst v63  }
0x68: {  	_ =	swait.ge [sflag:s24], $0xFA0  }
0x69: {  	[sflag:s24] =	ssyncset.done $0x0  }
0x6a: {  	s29 =	simm.s32 $0x800;
	s7 =	simm.s32 $0x2B80;
	[sflag:s24] =	ssyncadd.s32 $0xFFFFF060  }
.LBB2_2:
0x6b: {  	[spmem:s2] =	stream.indirect.scatter.add.f32 [tilespmem:s26], [sflag:$0x8], $0x20, s7, s17, $0xb8;
	[tilespmem:$0x12E80] =	vst v63  }
0x6c: {  	s7 =	smov.u32 s29  }
0x6d: {  	p2 =	sne.s32 s29, $0x8800;
	s29 =	sadd.s32 $0x800, s29;
	_ =	swait.ge [sflag:s31], $0xFA0  }
0x6e: {  	s7 =	sshra.s32 s7, $0x2;
	[sflag:s31] =	ssyncset.done $0x0  }
0x6f: {  	s5 =	sadd.s32 $0x300, s7;
	[sflag:s31] =	ssyncadd.s32 $0xFFFFF060  }
0x70: {  	[tilespmem:s22], [sflag:$0x3] =	stream.indirect.gather [spmem:s3], $0x20, s5, s17, $0xb8;
	[tilespmem:$0x12E80] =	vst v63  }
0x71: {  	_ =	swait.ge [sflag:s23], $0xFA0  }
0x72: {  	[sflag:s23] =	ssyncset.done $0x0  }
0x73: {  	s5 =	sadd.s32 $0x2A00, s7;
	[sflag:s23] =	ssyncadd.s32 $0xFFFFF060  }
0x74: {  	[spmem:s2] =	stream.indirect.scatter.add.f32 [tilespmem:s18], [sflag:$0x5], $0x20, s5, s17, $0xb8;
	[tilespmem:$0x12E80] =	vst v63  }
0x75: {  	_ =	swait.ge [sflag:s19], $0xFA0  }
0x76: {  	[sflag:s19] =	ssyncset.done $0x0  }
0x77: {  	s5 =	sadd.s32 $0x380, s7;
	[sflag:s19] =	ssyncadd.s32 $0xFFFFF060  }
0x78: {  	[tilespmem:s26], [sflag:$0x4] =	stream.indirect.gather [spmem:s3], $0x20, s5, s17, $0xb8;
	[tilespmem:$0x12E80] =	vst v63  }
0x79: {  	_ =	swait.ge [sflag:s28], $0xFA0  }
0x7a: {  	[sflag:s28] =	ssyncset.done $0x0  }
0x7b: {  	s5 =	sadd.s32 $0x2A80, s7;
	[sflag:s28] =	ssyncadd.s32 $0xFFFFF060  }
0x7c: {  	[spmem:s2] =	stream.indirect.scatter.add.f32 [tilespmem:s20], [sflag:$0x6], $0x20, s5, s17, $0xb8;
	[tilespmem:$0x12E80] =	vst v63  }
0x7d: {  	_ =	swait.ge [sflag:s30], $0xFA0  }
0x7e: {  	[sflag:s30] =	ssyncset.done $0x0  }
0x7f: {  	s5 =	sadd.s32 $0x400, s7;
	[sflag:s30] =	ssyncadd.s32 $0xFFFFF060  }
0x80: {  	[tilespmem:s18], [sflag:$0x1] =	stream.indirect.gather [spmem:s3], $0x20, s5, s17, $0xb8;
	[tilespmem:$0x12E80] =	vst v63  }
0x81: {  	_ =	swait.ge [sflag:s0], $0xFA0  }
0x82: {  	[sflag:s0] =	ssyncset.done $0x0  }
0x83: {  	s5 =	sadd.s32 $0x2B00, s7;
	[sflag:s0] =	ssyncadd.s32 $0xFFFFF060  }
0x84: {  	[spmem:s2] =	stream.indirect.scatter.add.f32 [tilespmem:s22], [sflag:$0x7], $0x20, s5, s17, $0xb8;
	[tilespmem:$0x12E80] =	vst v63  }
0x85: {  	_ =	swait.ge [sflag:s1], $0xFA0  }
0x86: {  	[sflag:s1] =	ssyncset.done $0x0  }
.Ltmp0:
0x87: {  	s5 =	sadd.s32 $0x480, s7;
	[sflag:s1] =	ssyncadd.s32 $0xFFFFF060;
	(pc) =	sbr.rel @p2 .LBB2_2-.Ltmp0, $4  }
0x88: {  	[tilespmem:s20], [sflag:$0x2] =	stream.indirect.gather [spmem:s3], $0x20, s5, s17, $0xb8;
	[tilespmem:$0x12E80] =	vst v63  }
0x89: {  	_ =	swait.ge [sflag:s24], $0xFA0  }
0x8a: {  	[sflag:s24] =	ssyncset.done $0x0  }
0x8b: {  	s7 =	sadd.s32 $0x2B80, s7;
	[sflag:s24] =	ssyncadd.s32 $0xFFFFF060  }
0x8c: {  	[spmem:s2] =	stream.indirect.scatter.add.f32 [tilespmem:s26], [sflag:$0x8], $0x20, s7, s17, $0xb8;
	[tilespmem:$0x12E80] =	vst v63  }
0x8d: {  	_ =	swait.ge [sflag:s31], $0xFA0  }
0x8e: {  	[sflag:s31] =	ssyncset.done $0x0  }
0x8f: {  	s5 =	simm.s32 $0x2700;
	[sflag:s31] =	ssyncadd.s32 $0xFFFFF060  }
0x90: {  	[tilespmem:s22], [sflag:$0x3] =	stream.indirect.gather [spmem:s3], $0x20, s5, s17, $0xb8;
	[tilespmem:$0x12E80] =	vst v63  }
0x91: {  	_ =	swait.ge [sflag:s23], $0xFA0  }
0x92: {  	[sflag:s23] =	ssyncset.done $0x0  }
0x93: {  	s7 =	simm.s32 $0x4E00;
	[sflag:s23] =	ssyncadd.s32 $0xFFFFF060  }
0x94: {  	[spmem:s2] =	stream.indirect.scatter.add.f32 [tilespmem:s18], [sflag:$0x5], $0x20, s7, s17, $0xb8;
	[tilespmem:$0x12E80] =	vst v63  }
0x95: {  	_ =	swait.ge [sflag:s19], $0xFA0  }
0x96: {  	[sflag:s19] =	ssyncset.done $0x0  }
0x97: {  	s29 =	simm.s32 $0x2780;
	[sflag:s19] =	ssyncadd.s32 $0xFFFFF060  }
0x98: {  	[tilespmem:s26], [sflag:$0x4] =	stream.indirect.gather [spmem:s3], $0x20, s29, s17, $0xb8;
	[tilespmem:$0x12E80] =	vst v63  }
0x99: {  	_ =	swait.ge [sflag:s28], $0xFA0  }
0x9a: {  	[sflag:s28] =	ssyncset.done $0x0  }
0x9b: {  	s7 =	simm.s32 $0x4E80;
	[sflag:s28] =	ssyncadd.s32 $0xFFFFF060  }
0x9c: {  	[spmem:s2] =	stream.indirect.scatter.add.f32 [tilespmem:s20], [sflag:$0x6], $0x20, s7, s17, $0xb8;
	[tilespmem:$0x12E80] =	vst v63  }
0x9d: {  	_ =	swait.ge [sflag:s30], $0xFA0  }
0x9e: {  	[sflag:s30] =	ssyncset.done $0x0  }
0x9f: {  	[sflag:s30] =	ssyncadd.s32 $0xFFFFF060  }
0xa0: {  	_ =	swait.ge [sflag:s0], $0xFA0  }
0xa1: {  	[sflag:s0] =	ssyncset.done $0x0  }
0xa2: {  	s29 =	simm.s32 $0x4F00;
	[sflag:s0] =	ssyncadd.s32 $0xFFFFF060  }
0xa3: {  	[spmem:s2] =	stream.indirect.scatter.add.f32 [tilespmem:s22], [sflag:$0x7], $0x20, s29, s17, $0xb8;
	[tilespmem:$0x12E80] =	vst v63  }
0xa4: {  	_ =	swait.ge [sflag:s1], $0xFA0  }
0xa5: {  	[sflag:s1] =	ssyncset.done $0x0  }
0xa6: {  	[sflag:s1] =	ssyncadd.s32 $0xFFFFF060  }
0xa7: {  	_ =	swait.ge [sflag:s24], $0xFA0  }
0xa8: {  	[sflag:s24] =	ssyncset.done $0x0  }
0xa9: {  	s7 =	simm.s32 $0x4F80;
	[sflag:s24] =	ssyncadd.s32 $0xFFFFF060  }
0xaa: {  	[spmem:s2] =	stream.indirect.scatter.add.f32 [tilespmem:s26], [sflag:$0x8], $0x20, s7, s17, $0xb8;
	[tilespmem:$0x12E80] =	vst v63  }
0xab: {  	_ =	swait.ge [sflag:s31], $0xFA0  }
0xac: {  	[sflag:s31] =	ssyncset.done $0x0  }
0xad: {  	[sflag:s31] =	ssyncadd.s32 $0xFFFFF060  }
0xae: {  	_ =	swait.ge [sflag:s19], $0xFA0  }
0xaf: {  	s21 =	sadd.s32 $0x1, s21;
	s29 =	stileid.u32;
	[sflag:s19] =	ssyncset.done $0x0  }
0xb0: {  	p2 =	sne.s32 s21, s11;
	s5 =	sshll.u32 s29, $0x6;
	[sflag:s19] =	ssyncadd.s32 $0xFFFFF060  }
.Ltmp1:
0xb1: {  	s5 =	sor.u32 $0x1C09, s5;
	[bflag:$0x0] =	sbarrier.arrive $0xFFFF;
	(pc) =	sbr.rel @p2 .LBB2_1-.Ltmp1, $4  }
0xb2: {  	[hbm:s9], [sflag:s5] =	dma.local [spmem:s25], $0xA00  }
0xb3: {  	_ =	swait.ge [sflag:s12], $0xA00  }
0xb4: {  	[sflag:s12] =	ssyncset.done $0x0  }
0xb5: {  	[sflag:s12] =	ssyncadd.s32 $0xFFFFF600  }
0xb6: {  	_ =	sfence.sel $0x180000  }
0xb7: {  	[bflag:$0x0] =	sbarrier.arrive $0xFFFF  }
0xb8: {  	_ =	strace $0x9000004A  }
0xb9: {  	s0 =	stileid.u32;
	[bflag:$0x2] =	sbarrier.arrive $0xFFFF  }
0xba: {  	p0 =	sne.s32 s0, $0x0;
	s0 =	rddreg [dreg:$0x4]  }
0xbb: {  	s0 =	sadd.s32 @!p0 $0x100000, s0  }
0xbc: {  	[sflag:s0] =	ssyncadd.tile.s32 @!p0 $0x1;
	_ =	shalt  }
.Lfunc_end2:
_tile_overlayer_lowered:
.L_overlay_start_2:
0xbd: {  	(tag) =	ssettag $0x2  }
0xbe: {  	s0 =	rddreg [dreg:$0x0];
	s2 =	stileid.u32  }
0xbf: {  	s1 =	rddreg [dreg:$0x1];
	p0 =	sne.s32 s2, $0x0  }
0xc0: {  	s3 =	rddreg [dreg:$0x2];
	[bflag:$0x3] =	sbarrier.arrive $0xFFFF;
	s2 =	simm.s32 @!p0 $0x1C09  }
0xc1: {  	[timem:s3], [sflag:s2] =	dma.local @!p0 [hbm:s0], s1  }
0xc2: {  	s0 =	simm.s32 @!p0 $0x9  }
0xc3: {  	_ =	swait.ge @!p0 [sflag:s0], s1  }
0xc4: {  	s1 =	ssub.s32 @!p0 $0x0, s1;
	[sflag:s0] =	ssyncset.done @!p0 $0x0  }
0xc5: {  	[sflag:s0] =	ssyncadd.s32 @!p0 s1  }
0xc6: {  	[bflag:$0x3] =	sbarrier.arrive $0xFFFF  }
0xc7: {  	_ =	shalt  }

// kernel: kernel.16.cloned.1.call-start
scs
__scs_entry_jumppad:
0x0: {  	(pc) =	sbr.rel $0x88, $3  }
0x1: {  	(tag) =	ssettag $0x0;
	lr =	simm.s32 $0x1  }
0x2: {  	[smem:$0x3F9B] =	sst lr;
	_ =	strace $0xD0000000  }
0x3: {  	_ = 	snop  }
0x4: {  	_ = 	snop  }
0x5: {  	_ = 	snop  }
0x6: {  	_ = 	snop  }
0x7: {  	_ = 	snop  }
__scs_overlays_trampoline_lowered:
0x8: {  	[smem:$0x3FAA] =	sst s0  }
0x9: {  	[smem:$0x3FAB] =	sst s1  }
0xa: {  	[smem:$0x3FAC] =	sst s2  }
0xb: {  	[smem:$0x3FAD] =	sst s3  }
0xc: {  	[smem:$0x3FAE] =	sst s4  }
0xd: {  	[smem:$0x3FAF] =	sst s5  }
0xe: {  	[smem:$0x3FB0] =	sst s6  }
0xf: {  	[smem:$0x3FB1] =	sst s7  }
0x10: {  	[smem:$0x3FB2] =	sst s8  }
0x11: {  	[smem:$0x3FB3] =	sst s9;
	s0 =	simm.s32 @!p0 $0x0  }
0x12: {  	s1 =	sld [smem:$0x3F99];
	s0 =	simm.s32 @p0 $0x1  }
0x13: {  	[smem:$0x3FB4] =	sst s0;
	s0 =	simm.s32 @!p1 $0x0  }
0x14: {  	s2 =	sld [smem:$0x3F98];
	s0 =	simm.s32 @p1 $0x1  }
0x15: {  	[smem:$0x3FB5] =	sst s0;
	s0 =	simm.s32 @!p2 $0x0  }
0x16: {  	s3 =	sld [smem:$0x3FDB];
	s0 =	simm.s32 @p2 $0x1  }
0x17: {  	s4 =	simm.s32 $0x1BF5;
	[smem:$0x3FB7] =	sst s0  }
0x18: {  	s0 =	sld [smem:$0x3F9A];
	_ =	swait.ge [sflag:s4], $0x0  }
0x19: {  	s7 =	sld [smem:$0x3F9B]  }
0x1a: {  	s8 =	sadd.s32 $0xFFFFE003, lr  }
0x1b: {  	s9 =	sadd.s32 $0xFFFFFEF7, lr;
	s5 =	simm.s32 $0xFFFFFFFF;
	p2 =	slt.u32 s8, $0xFFFFF086  }
0x1c: {  	p1 =	slt.u32 s9, $0xF7A;
	s5 =	simm.s32 @!p2 $0x0  }
0x1d: {  	s5 =	simm.s32 @p1 $0x1;
	p0 =	seq.s32 s7, s2  }
0x1e: {  	s7 =	smul.u32 @!p0 $0xF7A, s2;
	p2 =	seq.s32 @!p0 s5, $0x0  }
0x1f: {  	s9 =	smul.u32 $0xF7A, s1;
	s8 =	simm.s32 @!p0 $0x1BF5;
	p2 =	por !p2, p0  }
0x20: {  	[sflag:s8] =	ssyncset.s32 @!p0 $0xFFFFF086;
	s6 =	sadd.s32 @!p0 s3, s7;
	s7 =	simm.s32 @!p0 $0x108  }
0x21: {  	s3 =	sadd.s32 s3, s9;
	s6 =	sadd.s32 @!p0 $0x88, s6;
	s7 =	simm.s32 @p2 $0x1082  }
0x22: {  	[simem:s7], [sflag:s8] =	dma.local @!p0 [hbm:s6], $0xF7A  }
0x23: {  	s9 =	sor.u32 $0xD0000000, s2;
	s6 =	simm.s32 $0x108;
	_ =	swait.ge @!p0 [sflag:s8], $0x0  }
0x24: {  	s3 =	sadd.s32 $0x88, s3;
	s6 =	simm.s32 @!p1 $0x1082;
	[sflag:s4] =	ssyncset.s32 $0xFFFFF086  }
0x25: {  	[simem:s6], [sflag:s4] =	dma.local [hbm:s3], $0xF7A  }
0x26: {  	[smem:$0x3F9B] =	sst s1;
	(tag) =	ssettag s2;
	_ =	strace s9  }
0x27: {  	s1 =	sld [smem:$0x3FAB]  }
0x28: {  	s2 =	sld [smem:$0x3FAC]  }
0x29: {  	s4 =	sld [smem:$0x3FAE]  }
0x2a: {  	p0 =	seq.s32 s5, $0x0;
	s5 =	sld [smem:$0x3FAF]  }
0x2b: {  	s6 =	sld [smem:$0x3FB0]  }
0x2c: {  	s7 =	sld [smem:$0x3FB1]  }
0x2d: {  	s3 =	simm.s32 $0x108;
	s8 =	sld [smem:$0x3FB2]  }
0x2e: {  	s3 =	simm.s32 @!p0 $0x1082;
	s9 =	sld [smem:$0x3FB3]  }
0x2f: {  	lr =	sadd.s32 s0, s3;
	s0 =	sld [smem:$0x3FAA]  }
0x30: {  	s3 =	sld [smem:$0x3FAD]  }
0x31: {  	[smem:$0x3FB6] =	sst s10  }
0x32: {  	s10 =	sld [smem:$0x3FB4];
	_ =	sdelay $0x3  }
0x33: {  	p0 =	seq.s32 s10, $0x1;
	s10 =	sld [smem:$0x3FB6];
	_ =	sdelay $0x3  }
0x34: {  	[smem:$0x3FB6] =	sst s10  }
0x35: {  	s10 =	sld [smem:$0x3FB5];
	_ =	sdelay $0x3  }
0x36: {  	p1 =	seq.s32 s10, $0x1;
	s10 =	sld [smem:$0x3FB6];
	_ =	sdelay $0x3  }
0x37: {  	[smem:$0x3FB6] =	sst s10  }
0x38: {  	s10 =	sld [smem:$0x3FB7]  }
0x39: {  	_ = 	snop;
	(pc) =	sbr.ind lr, $3  }
0x3a: {  	_ = 	snop  }
0x3b: {  	_ = 	snop  }
0x3c: {  	p2 =	seq.s32 s10, $0x1;
	s10 =	sld [smem:$0x3FB6]  }
0x3d: {  	_ =	shalt  }
0x3e: {  	_ =	shalt  }
0x3f: {  	_ =	shalt  }
0x40: {  	_ =	shalt  }
0x41: {  	_ =	shalt  }
0x42: {  	_ =	shalt  }
0x43: {  	_ =	shalt  }
0x44: {  	_ =	shalt  }
0x45: {  	_ =	shalt  }
0x46: {  	_ =	shalt  }
0x47: {  	_ =	shalt  }
0x48: {  	_ =	shalt  }
0x49: {  	_ =	shalt  }
0x4a: {  	_ =	shalt  }
0x4b: {  	_ =	shalt  }
0x4c: {  	_ =	shalt  }
0x4d: {  	_ =	shalt  }
0x4e: {  	_ =	shalt  }
0x4f: {  	_ =	shalt  }
0x50: {  	_ =	shalt  }
0x51: {  	_ =	shalt  }
0x52: {  	_ =	shalt  }
0x53: {  	_ =	shalt  }
0x54: {  	_ =	shalt  }
0x55: {  	_ =	shalt  }
0x56: {  	_ =	shalt  }
0x57: {  	_ =	shalt  }
0x58: {  	_ =	shalt  }
0x59: {  	_ =	shalt  }
0x5a: {  	_ =	shalt  }
0x5b: {  	_ =	shalt  }
0x5c: {  	_ =	shalt  }
0x5d: {  	_ =	shalt  }
0x5e: {  	_ =	shalt  }
0x5f: {  	_ =	shalt  }
0x60: {  	_ =	shalt  }
0x61: {  	_ =	shalt  }
0x62: {  	_ =	shalt  }
0x63: {  	_ =	shalt  }
0x64: {  	_ =	shalt  }
0x65: {  	_ =	shalt  }
0x66: {  	_ =	shalt  }
0x67: {  	_ =	shalt  }
0x68: {  	_ =	shalt  }
0x69: {  	_ =	shalt  }
0x6a: {  	_ =	shalt  }
0x6b: {  	_ =	shalt  }
0x6c: {  	_ =	shalt  }
0x6d: {  	_ =	shalt  }
0x6e: {  	_ =	shalt  }
0x6f: {  	_ =	shalt  }
0x70: {  	_ =	shalt  }
0x71: {  	_ =	shalt  }
0x72: {  	_ =	shalt  }
0x73: {  	_ =	shalt  }
0x74: {  	_ =	shalt  }
0x75: {  	_ =	shalt  }
0x76: {  	_ =	shalt  }
0x77: {  	_ =	shalt  }
0x78: {  	_ =	shalt  }
0x79: {  	_ =	shalt  }
0x7a: {  	_ =	shalt  }
0x7b: {  	_ =	shalt  }
0x7c: {  	_ =	shalt  }
0x7d: {  	_ =	shalt  }
0x7e: {  	_ =	shalt  }
0x7f: {  	_ =	shalt  }
0x80: {  	_ =	shalt  }
0x81: {  	_ =	shalt  }
0x82: {  	_ =	shalt  }
0x83: {  	_ =	shalt  }
0x84: {  	_ =	shalt  }
0x85: {  	_ =	shalt  }
0x86: {  	_ =	shalt  }
0x87: {  	_ =	shalt  }
.Lfunc_end0:
.L_simem_size_0:
called_computation.2_lowered:
.L_overlay_start_0:
0x88: {  	s2 =	sld [smem:$0x3FD9]  }
0x89: {  	s3 =	sld [smem:$0x3FFE];
	_ =	sdelay $0x1  }
0x8a: {  	s1 =	srdreg.scid  }
0x8b: {  	s0 =	sand.u32 $0x1, s1  }
0x8c: {  	s14 =	sshll.u32 s0, $0xA;
	s2 =	sadd.s32 s3, s2  }
0x8d: {  	s2 =	sadd.s32 s2, s14  }
0x8e: {  	[smem:$0x3FC2] =	sst s2  }
0x8f: {  	_ = 	snop  }
0x90: {  	s2 =	sld [smem:$0x3FD0];
	_ =	sdelay $0x2  }
0x91: {  	s15 =	simm.s32 $0xA;
	s4 =	simm.s32 $0x10  }
0x92: {  	[smem:s4], [sflag:s15] =	dma.local [hbm:s2], $0x1  }
0x93: {  	_ =	swait.eq [sflag:s15], $0x1  }
0x94: {  	[sflag:s15] =	ssyncset.done $0x0  }
0x95: {  	s16 =	sld [smem:$0x10];
	[sflag:s15] =	ssyncadd.s32 $0xFFFFFFFF  }
0x96: {  	s17 =	sld [smem:$0x11];
	(tm) =	ssettm $0x1  }
0x97: {  	s18 =	sld [smem:$0x3FFB];
	_ =	sdelay $0x3  }
0x98: {  	_ =	strace s18  }
0x99: {  	s4 =	sld [smem:$0x3FFC];
	_ =	sdelay $0x3  }
0x9a: {  	_ =	strace s4  }
0x9b: {  	s4 =	sld [smem:$0x3FFD];
	_ =	sdelay $0x3  }
0x9c: {  	_ =	strace s4  }
0x9d: {  	_ =	strace $0x8FFFFFFF  }
0x9e: {  	s19 =	sld [smem:$0x3FDB];
	_ =	sdelay $0x1  }
0x9f: {  	s5 =	simm.s32 $_scs_section_size  }
0xa0: {  	s6 =	simm.s32 $_size__tile_overlayer_lowered;
	s7 =	simm.s32 $_tile_overlayer_lowered  }
0xa1: {  	s22 =	simm.s32 $0x1BFF;
	s21 =	sshll.u32 s7, $0x1;
	s4 =	sadd.s32 s5, s19  }
0xa2: {  	s8 =	simm.s32 $0x0;
	s20 =	sshll.u32 s6, $0x1;
	s6 =	sadd.s32 s21, s4  }
0xa3: {  	[timem:s8], [sflag:s22] =	dma.local [hbm:s6], s20  }
0xa4: {  	_ =	swait.ge [sflag:s22], s20  }
0xa5: {  	s5 =	ssub.s32 $0x0, s20;
	[sflag:s22] =	ssyncset.done $0x0  }
0xa6: {  	[sflag:s22] =	ssyncadd.s32 s5;
	_ =	sdelay $0x1  }
0xa7: {  	s23 =	simm.s32 $0x1B8B  }
0xa8: {  	_ =	swait.ge [sflag:s23], $0x1  }
0xa9: {  	[sflag:s23] =	ssyncset.done $0x0  }
0xaa: {  	s25 =	simm.s32 $0x1B8E;
	s24 =	sld [smem:$0x3FFE];
	[sflag:s23] =	ssyncadd.s32 $0xFFFFFFFF  }
0xab: {  	s26 =	simm.s32 $execute0_lowered;
	[smem:$0x3FD2] =	sst s25  }
0xac: {  	s6 =	sshll.u32 s26, $0x1;
	_ =	strace $0x8000004C;
	[dreg:$0x1] =	wrdreg $0xFFFFFFFF  }
0xad: {  	s28 =	simm.s32 $_size_execute0_lowered;
	s4 =	sadd.s32 s4, s6;
	[dreg:$0x0] =	wrdreg $0x0  }
0xae: {  	s6 =	sshll.u32 s28, $0x1;
	[dreg:$0x2] =	wrdreg s4  }
0xaf: {  	[dreg:$0x3] =	wrdreg s6  }
0xb0: {  	[dreg:$0x4] =	wrdreg $0xC0  }
0xb1: {  	_ =	task [dreg:s8], $0x5FFFF  }
0xb2: {  	[dreg:$0x1] =	wrdreg $0xFFFFFFFF  }
0xb3: {  	[dreg:$0x0] =	wrdreg $0x60  }
0xb4: {  	[dreg:$0x2] =	wrdreg s24  }
0xb5: {  	[dreg:$0x3] =	wrdreg s16  }
0xb6: {  	[dreg:$0x4] =	wrdreg s17  }
0xb7: {  	[dreg:$0x5] =	wrdreg $0x6F400  }
0xb8: {  	[dreg:$0x6] =	wrdreg $0x97400  }
0xb9: {  	[dreg:$0x7] =	wrdreg $0x9  }
0xba: {  	_ =	task.clear_ibuf [dreg:s8], $0x8FFFF;
	_ =	strace $0x9000004C  }
0xbb: {  	s29 =	simm.s32 $0x9;
	_ =	strace $0x8000004E  }
0xbc: {  	_ =	swait.ge [sflag:s29], $0x1  }
0xbd: {  	[sflag:s29] =	ssyncadd.s32 $0xFFFFFFFF  }
0xbe: {  	_ =	strace $0x9000004E  }
0xbf: {  	_ =	sfence  }
0xc0: {  	s30 =	sld [smem:$0x0];
	_ =	sdelay $0x2  }
0xc1: {  	s31 =	sshll.u32 s1, $0xD;
	s1 =	sshrl.u32 s1, $0x2  }
0xc2: {  	s3 =	sand.u32 $0x4000, s31;
	s1 =	sadd.s32 s1, s30  }
0xc3: {  	s0 =	sor.u32 s3, s0;
	s1 =	sshll.u32 s1, $0x11  }
0xc4: {  	s0 =	sor.u32 s1, s0  }
0xc5: {  	s0 =	sadd.s32 $0x8F2B, s0  }
0xc6: {  	[sflag:s0] =	ssyncadd.remote.s32 $0x1  }
0xc7: {  	_ =	sfence.sel $0xFFFF  }
0xc8: {  	[dreg:$0x0] =	wrdreg $0xFFFFFFFF;
	(pc) =	sbr.abs _section_cstart, $3  }
0xc9: {  	[dreg:$0x1] =	wrdreg $0xFFFFFFFF  }
0xca: {  	_ =	task.clear_ibuf [dreg:s8], $0x2FFFF;
	_ =	strace $0x9FFFFFFF  }
0xcb: {  	(tm) =	ssettm $0x7FFFFFFF  }
tec
execute0_lowered:
.L_overlay_start_1:
0x0: {  	(tag) =	ssettag $0x1  }
0x1: {  	s0 =	rddreg [dreg:$0x0]  }
0x2: {  	s10 =	rddreg [dreg:$0x1]  }
0x3: {  	s2 =	rddreg [dreg:$0x2]  }
0x4: {  	s1 =	srdreg.scid;
	s3 =	rddreg [dreg:$0x3]  }
0x5: {  	s13 =	stileid.u32;
	s4 =	rddreg [dreg:$0x4]  }
0x6: {  	s17 =	simm.s32 $0x7D;
	s18 =	simm.s32 $0x5000;
	s20 =	simm.s32 $0x57D0  }
0x7: {  	s28 =	simm.s32 $0x2;
	s30 =	simm.s32 $0x5;
	s19 =	simm.s32 $0x6  }
0x8: {  	s21 =	simm.s32 $0x4;
	s29 =	simm.s32 $0x7;
	s31 =	simm.s32 $0x8  }
0x9: {  	s1 =	sand.u32 $0x1, s1;
	s11 =	smul.u32 $0x2800, s13;
	p0 =	seq.s32 s13, $0x1  }
0xa: {  	s5 =	sshll.u32 s1, $0x4;
	s8 =	smul.u32 $0x28000, s1;
	s9 =	ssub.s32 $0x2, s1  }
0xb: {  	p1 =	seq.s32 s1, $0x0;
	s1 =	sadd.s32 $0x27100, s3;
	s14 =	sshrl.u32 @p0 s4, $0x3  }
0xc: {  	s6 =	sor.u32 s13, s5;
	s5 =	simm.s32 $0x0;
	s22 =	sshrl.u32 s9, $0x1  }
0xd: {  	s26 =	sadd.s32 s11, s3;
	s7 =	smul.u32 $0x500, s6;
	[smem:$0x7FF] =	sst s5  }
0xe: {  	s6 =	sadd.s32 $0xB600, s0;
	s12 =	ssub.s32 s9, s22;
	s24 =	sadd.s32 s11, s8  }
0xf: {  	s22 =	simm.s32 $0x5FA0;
	_ =	strace $0x8000004D;
	s25 =	sshrl.u32 s24, $0x3  }
0x10: {  	s10 =	smov.u32 @p1 s6;
	p1 =	sne.s32 @!p0 s13, $0x0;
	s11 =	smax.u32 s12, $0x1  }
0x11: {  	s12 =	simm.s32 $0x9;
	s13 =	simm.s32 $0x2800;
	s0 =	sadd.s32 s7, s0  }
0x12: {  	s9 =	sadd.s32 s2, s25;
	p1 =	por p1, p0;
	s25 =	sshrl.u32 s26, $0x3  }
0x13: {  	s26 =	simm.s32 $0x6770;
	s2 =	simm.s32 $0x3;
	s23 =	sadd.s32 $0x15600, s0  }
0x14: {  	s8 =	sadd.s32 $0x1600, s0;
	s15 =	sshrl.u32 @!p1 s3, $0x3;
	s16 =	sshrl.u32 @!p1 s1, $0x3  }
0x15: {  	s0 =	simm.s32 $0x0;
	[dreg:$0x6] =	wrdreg s23;
	s23 =	simm.s32 $0x1  }
.LBB2_1:
0x16: {  	s1 =	rddreg [dreg:$0x6]  }
0x17: {  	[tilespmem:s5], [sflag:$0x9] =	stream.linear.gather [hbm4b:s1+s5], $0x2800, $0x38;
	[tilespmem:$0xBF40] =	vst v63  }
0x18: {  	_ =	swait.ge [sflag:s12], $0x2800  }
0x19: {  	[sflag:s12] =	ssyncset.done $0x0  }
0x1a: {  	[sflag:s12] =	ssyncadd.s32 $0xFFFFD800  }
0x1b: {  	[tilespmem:s13], [sflag:$0x9] =	stream.linear.gather [hbm4b:s8+s5], $0x2800, $0x38;
	[tilespmem:$0xBF40] =	vst v63  }
0x1c: {  	_ =	swait.ge [sflag:s12], $0x2800  }
0x1d: {  	[sflag:s12] =	ssyncset.done $0x0  }
0x1e: {  	s1 =	simm.s32 @p0 $0x1C49;
	[sflag:s12] =	ssyncadd.s32 $0xFFFFD800  }
0x1f: {  	[spmem:s14], [sflag:s1] =	dma.local @p0 [hbm:s6], $0x4E20  }
0x20: {  	s1 =	simm.s32 @p0 $0x9  }
0x21: {  	_ =	swait.ge @p0 [sflag:s1], $0x4E20  }
0x22: {  	[sflag:s1] =	ssyncset.done @p0 $0x0  }
0x23: {  	s24 =	simm.s32 @!p1 $0x9;
	[sflag:s1] =	ssyncadd.s32 @p0 $0xFFFFB1E0;
	s1 =	simm.s32 @!p1 $0x1C09  }
0x24: {  	[spmem:s15], [sflag:s1] =	dma.local @!p1 [hbm:s10], $0x4E20  }
0x25: {  	_ =	swait.ge @!p1 [sflag:s24], $0x4E20  }
0x26: {  	[sflag:s24] =	ssyncset.done @!p1 $0x0  }
0x27: {  	[sflag:s24] =	ssyncadd.s32 @!p1 $0xFFFFB1E0  }
0x28: {  	s7 =	rddreg [dreg:$0x1]  }
0x29: {  	[spmem:s16], [sflag:s1] =	dma.local @!p1 [hbm:s7], $0x1E0  }
0x2a: {  	_ =	swait.ge @!p1 [sflag:s24], $0x1E0  }
0x2b: {  	[sflag:s24] =	ssyncset.done @!p1 $0x0  }
0x2c: {  	[sflag:s24] =	ssyncadd.s32 @!p1 $0xFFFFFE20  }
0x2d: {  	[bflag:$0x0] =	sbarrier.arrive $0xFFFF  }
0x2e: {  	[tilespmem:s18], [sflag:$0x1] =	stream.indirect.gather [spmem:s4], $0x10, s5, s17, $0xb8;
	[tilespmem:$0xBF40] =	vst v63  }
0x2f: {  	s24 =	simm.s32 $0x80  }
0x30: {  	[tilespmem:s20], [sflag:$0x2] =	stream.indirect.gather [spmem:s4], $0x10, s24, s17, $0xb8;
	[tilespmem:$0xBF40] =	vst v63  }
0x31: {  	s7 =	simm.s32 $0x100  }
0x32: {  	[tilespmem:s22], [sflag:$0x3] =	stream.indirect.gather [spmem:s4], $0x10, s7, s17, $0xb8;
	[tilespmem:$0xBF40] =	vst v63  }
0x33: {  	_ =	swait.ge [sflag:s23], $0x7D0  }
0x34: {  	[sflag:s23] =	ssyncset.done $0x0  }
0x35: {  	[sflag:s23] =	ssyncadd.s32 $0xFFFFF830  }
0x36: {  	[spmem:s3] =	stream.indirect.scatter.add.f32 [tilespmem:s18], [sflag:$0x5], $0x10, s13, s17, $0xb8;
	[tilespmem:$0xBF40] =	vst v63  }
0x37: {  	s24 =	simm.s32 $0x180  }
0x38: {  	[tilespmem:s26], [sflag:$0x4] =	stream.indirect.gather [spmem:s4], $0x10, s24, s17, $0xb8;
	[tilespmem:$0xBF40] =	vst v63  }
0x39: {  	_ =	swait.ge [sflag:s28], $0x7D0  }
0x3a: {  	[sflag:s28] =	ssyncset.done $0x0  }
0x3b: {  	s7 =	simm.s32 $0x2880;
	[sflag:s28] =	ssyncadd.s32 $0xFFFFF830  }
0x3c: {  	[spmem:s3] =	stream.indirect.scatter.add.f32 [tilespmem:s20], [sflag:$0x6], $0x10, s7, s17, $0xb8;
	[tilespmem:$0xBF40] =	vst v63  }
0x3d: {  	_ =	swait.ge [sflag:s30], $0x7D0  }
0x3e: {  	[sflag:s30] =	ssyncset.done $0x0  }
0x3f: {  	s24 =	simm.s32 $0x200;
	[sflag:s30] =	ssyncadd.s32 $0xFFFFF830  }
0x40: {  	[tilespmem:s18], [sflag:$0x1] =	stream.indirect.gather [spmem:s4], $0x10, s24, s17, $0xb8;
	[tilespmem:$0xBF40] =	vst v63  }
0x41: {  	_ =	swait.ge [sflag:s2], $0x7D0  }
0x42: {  	[sflag:s2] =	ssyncset.done $0x0  }
0x43: {  	s7 =	simm.s32 $0x2900;
	[sflag:s2] =	ssyncadd.s32 $0xFFFFF830  }
0x44: {  	[spmem:s3] =	stream.indirect.scatter.add.f32 [tilespmem:s22], [sflag:$0x7], $0x10, s7, s17, $0xb8;
	[tilespmem:$0xBF40] =	vst v63  }
0x45: {  	_ =	swait.ge [sflag:s19], $0x7D0  }
0x46: {  	[sflag:s19] =	ssyncset.done $0x0  }
0x47: {  	s24 =	simm.s32 $0x280;
	[sflag:s19] =	ssyncadd.s32 $0xFFFFF830  }
0x48: {  	[tilespmem:s20], [sflag:$0x2] =	stream.indirect.gather [spmem:s4], $0x10, s24, s17, $0xb8;
	[tilespmem:$0xBF40] =	vst v63  }
0x49: {  	_ =	swait.ge [sflag:s21], $0x7D0  }
0x4a: {  	[sflag:s21] =	ssyncset.done $0x0  }
0x4b: {  	s7 =	simm.s32 $0x2980;
	[sflag:s21] =	ssyncadd.s32 $0xFFFFF830  }
0x4c: {  	[spmem:s3] =	stream.indirect.scatter.add.f32 [tilespmem:s26], [sflag:$0x8], $0x10, s7, s17, $0xb8;
	[tilespmem:$0xBF40] =	vst v63  }
0x4d: {  	_ =	swait.ge [sflag:s29], $0x7D0  }
0x4e: {  	[sflag:s29] =	ssyncset.done $0x0  }
0x4f: {  	s24 =	simm.s32 $0x300;
	[sflag:s29] =	ssyncadd.s32 $0xFFFFF830  }
0x50: {  	[tilespmem:s22], [sflag:$0x3] =	stream.indirect.gather [spmem:s4], $0x10, s24, s17, $0xb8;
	[tilespmem:$0xBF40] =	vst v63  }
0x51: {  	_ =	swait.ge [sflag:s23], $0x7D0  }
0x52: {  	[sflag:s23] =	ssyncset.done $0x0  }
0x53: {  	s7 =	simm.s32 $0x2A00;
	[sflag:s23] =	ssyncadd.s32 $0xFFFFF830  }
0x54: {  	[spmem:s3] =	stream.indirect.scatter.add.f32 [tilespmem:s18], [sflag:$0x5], $0x10, s7, s17, $0xb8;
	[tilespmem:$0xBF40] =	vst v63  }
0x55: {  	_ =	swait.ge [sflag:s31], $0x7D0  }
0x56: {  	[sflag:s31] =	ssyncset.done $0x0  }
0x57: {  	s24 =	simm.s32 $0x380;
	[sflag:s31] =	ssyncadd.s32 $0xFFFFF830  }
0x58: {  	[tilespmem:s26], [sflag:$0x4] =	stream.indirect.gather [spmem:s4], $0x10, s24, s17, $0xb8;
	[tilespmem:$0xBF40] =	vst v63  }
0x59: {  	_ =	swait.ge [sflag:s28], $0x7D0  }
0x5a: {  	[sflag:s28] =	ssyncset.done $0x0  }
0x5b: {  	s7 =	simm.s32 $0x2A80;
	[sflag:s28] =	ssyncadd.s32 $0xFFFFF830  }
0x5c: {  	[spmem:s3] =	stream.indirect.scatter.add.f32 [tilespmem:s20], [sflag:$0x6], $0x10, s7, s17, $0xb8;
	[tilespmem:$0xBF40] =	vst v63  }
0x5d: {  	_ =	swait.ge [sflag:s30], $0x7D0  }
0x5e: {  	[sflag:s30] =	ssyncset.done $0x0  }
0x5f: {  	s24 =	simm.s32 $0x400;
	[sflag:s30] =	ssyncadd.s32 $0xFFFFF830  }
0x60: {  	[tilespmem:s18], [sflag:$0x1] =	stream.indirect.gather [spmem:s4], $0x10, s24, s17, $0xb8;
	[tilespmem:$0xBF40] =	vst v63  }
0x61: {  	_ =	swait.ge [sflag:s2], $0x7D0  }
0x62: {  	[sflag:s2] =	ssyncset.done $0x0  }
0x63: {  	s7 =	simm.s32 $0x2B00;
	[sflag:s2] =	ssyncadd.s32 $0xFFFFF830  }
0x64: {  	[spmem:s3] =	stream.indirect.scatter.add.f32 [tilespmem:s22], [sflag:$0x7], $0x10, s7, s17, $0xb8;
	[tilespmem:$0xBF40] =	vst v63  }
0x65: {  	_ =	swait.ge [sflag:s19], $0x7D0  }
0x66: {  	[sflag:s19] =	ssyncset.done $0x0  }
0x67: {  	s24 =	simm.s32 $0x480;
	[sflag:s19] =	ssyncadd.s32 $0xFFFFF830  }
0x68: {  	[tilespmem:s20], [sflag:$0x2] =	stream.indirect.gather [spmem:s4], $0x10, s24, s17, $0xb8;
	[tilespmem:$0xBF40] =	vst v63  }
0x69: {  	_ =	swait.ge [sflag:s21], $0x7D0  }
0x6a: {  	[sflag:s21] =	ssyncset.done $0x0  }
0x6b: {  	s1 =	simm.s32 $0x800;
	s24 =	simm.s32 $0x2B80;
	[sflag:s21] =	ssyncadd.s32 $0xFFFFF830  }
.LBB2_2:
0x6c: {  	[spmem:s3] =	stream.indirect.scatter.add.f32 [tilespmem:s26], [sflag:$0x8], $0x10, s24, s17, $0xb8;
	[tilespmem:$0xBF40] =	vst v63  }
0x6d: {  	s24 =	smov.u32 s1  }
0x6e: {  	p2 =	sne.s32 s1, $0x8800;
	s1 =	sadd.s32 $0x800, s1;
	_ =	swait.ge [sflag:s29], $0x7D0  }
0x6f: {  	s24 =	sshra.s32 s24, $0x2;
	[sflag:s29] =	ssyncset.done $0x0  }
0x70: {  	s7 =	sadd.s32 $0x300, s24;
	[sflag:s29] =	ssyncadd.s32 $0xFFFFF830  }
0x71: {  	[tilespmem:s22], [sflag:$0x3] =	stream.indirect.gather [spmem:s4], $0x10, s7, s17, $0xb8;
	[tilespmem:$0xBF40] =	vst v63  }
0x72: {  	_ =	swait.ge [sflag:s23], $0x7D0  }
0x73: {  	[sflag:s23] =	ssyncset.done $0x0  }
0x74: {  	s7 =	sadd.s32 $0x2A00, s24;
	[sflag:s23] =	ssyncadd.s32 $0xFFFFF830  }
0x75: {  	[spmem:s3] =	stream.indirect.scatter.add.f32 [tilespmem:s18], [sflag:$0x5], $0x10, s7, s17, $0xb8;
	[tilespmem:$0xBF40] =	vst v63  }
0x76: {  	_ =	swait.ge [sflag:s31], $0x7D0  }
0x77: {  	[sflag:s31] =	ssyncset.done $0x0  }
0x78: {  	s7 =	sadd.s32 $0x380, s24;
	[sflag:s31] =	ssyncadd.s32 $0xFFFFF830  }
0x79: {  	[tilespmem:s26], [sflag:$0x4] =	stream.indirect.gather [spmem:s4], $0x10, s7, s17, $0xb8;
	[tilespmem:$0xBF40] =	vst v63  }
0x7a: {  	_ =	swait.ge [sflag:s28], $0x7D0  }
0x7b: {  	[sflag:s28] =	ssyncset.done $0x0  }
0x7c: {  	s7 =	sadd.s32 $0x2A80, s24;
	[sflag:s28] =	ssyncadd.s32 $0xFFFFF830  }
0x7d: {  	[spmem:s3] =	stream.indirect.scatter.add.f32 [tilespmem:s20], [sflag:$0x6], $0x10, s7, s17, $0xb8;
	[tilespmem:$0xBF40] =	vst v63  }
0x7e: {  	_ =	swait.ge [sflag:s30], $0x7D0  }
0x7f: {  	[sflag:s30] =	ssyncset.done $0x0  }
0x80: {  	s7 =	sadd.s32 $0x400, s24;
	[sflag:s30] =	ssyncadd.s32 $0xFFFFF830  }
0x81: {  	[tilespmem:s18], [sflag:$0x1] =	stream.indirect.gather [spmem:s4], $0x10, s7, s17, $0xb8;
	[tilespmem:$0xBF40] =	vst v63  }
0x82: {  	_ =	swait.ge [sflag:s2], $0x7D0  }
0x83: {  	[sflag:s2] =	ssyncset.done $0x0  }
0x84: {  	s7 =	sadd.s32 $0x2B00, s24;
	[sflag:s2] =	ssyncadd.s32 $0xFFFFF830  }
0x85: {  	[spmem:s3] =	stream.indirect.scatter.add.f32 [tilespmem:s22], [sflag:$0x7], $0x10, s7, s17, $0xb8;
	[tilespmem:$0xBF40] =	vst v63  }
0x86: {  	_ =	swait.ge [sflag:s19], $0x7D0  }
0x87: {  	[sflag:s19] =	ssyncset.done $0x0  }
.Ltmp0:
0x88: {  	s7 =	sadd.s32 $0x480, s24;
	[sflag:s19] =	ssyncadd.s32 $0xFFFFF830;
	(pc) =	sbr.rel @p2 .LBB2_2-.Ltmp0, $4  }
0x89: {  	[tilespmem:s20], [sflag:$0x2] =	stream.indirect.gather [spmem:s4], $0x10, s7, s17, $0xb8;
	[tilespmem:$0xBF40] =	vst v63  }
0x8a: {  	_ =	swait.ge [sflag:s21], $0x7D0  }
0x8b: {  	[sflag:s21] =	ssyncset.done $0x0  }
0x8c: {  	s24 =	sadd.s32 $0x2B80, s24;
	[sflag:s21] =	ssyncadd.s32 $0xFFFFF830  }
0x8d: {  	[spmem:s3] =	stream.indirect.scatter.add.f32 [tilespmem:s26], [sflag:$0x8], $0x10, s24, s17, $0xb8;
	[tilespmem:$0xBF40] =	vst v63  }
0x8e: {  	_ =	swait.ge [sflag:s29], $0x7D0  }
0x8f: {  	[sflag:s29] =	ssyncset.done $0x0  }
0x90: {  	s1 =	simm.s32 $0x2700;
	[sflag:s29] =	ssyncadd.s32 $0xFFFFF830  }
0x91: {  	[tilespmem:s22], [sflag:$0x3] =	stream.indirect.gather [spmem:s4], $0x10, s1, s17, $0xb8;
	[tilespmem:$0xBF40] =	vst v63  }
0x92: {  	_ =	swait.ge [sflag:s23], $0x7D0  }
0x93: {  	[sflag:s23] =	ssyncset.done $0x0  }
0x94: {  	s7 =	simm.s32 $0x4E00;
	[sflag:s23] =	ssyncadd.s32 $0xFFFFF830  }
0x95: {  	[spmem:s3] =	stream.indirect.scatter.add.f32 [tilespmem:s18], [sflag:$0x5], $0x10, s7, s17, $0xb8;
	[tilespmem:$0xBF40] =	vst v63  }
0x96: {  	_ =	swait.ge [sflag:s31], $0x7D0  }
0x97: {  	[sflag:s31] =	ssyncset.done $0x0  }
0x98: {  	s24 =	simm.s32 $0x2780;
	[sflag:s31] =	ssyncadd.s32 $0xFFFFF830  }
0x99: {  	[tilespmem:s26], [sflag:$0x4] =	stream.indirect.gather [spmem:s4], $0x10, s24, s17, $0xb8;
	[tilespmem:$0xBF40] =	vst v63  }
0x9a: {  	_ =	swait.ge [sflag:s28], $0x7D0  }
0x9b: {  	[sflag:s28] =	ssyncset.done $0x0  }
0x9c: {  	s7 =	simm.s32 $0x4E80;
	[sflag:s28] =	ssyncadd.s32 $0xFFFFF830  }
0x9d: {  	[spmem:s3] =	stream.indirect.scatter.add.f32 [tilespmem:s20], [sflag:$0x6], $0x10, s7, s17, $0xb8;
	[tilespmem:$0xBF40] =	vst v63  }
0x9e: {  	_ =	swait.ge [sflag:s30], $0x7D0  }
0x9f: {  	[sflag:s30] =	ssyncset.done $0x0  }
0xa0: {  	[sflag:s30] =	ssyncadd.s32 $0xFFFFF830  }
0xa1: {  	_ =	swait.ge [sflag:s2], $0x7D0  }
0xa2: {  	[sflag:s2] =	ssyncset.done $0x0  }
0xa3: {  	s24 =	simm.s32 $0x4F00;
	[sflag:s2] =	ssyncadd.s32 $0xFFFFF830  }
0xa4: {  	[spmem:s3] =	stream.indirect.scatter.add.f32 [tilespmem:s22], [sflag:$0x7], $0x10, s24, s17, $0xb8;
	[tilespmem:$0xBF40] =	vst v63  }
0xa5: {  	_ =	swait.ge [sflag:s19], $0x7D0  }
0xa6: {  	[sflag:s19] =	ssyncset.done $0x0  }
0xa7: {  	[sflag:s19] =	ssyncadd.s32 $0xFFFFF830  }
0xa8: {  	_ =	swait.ge [sflag:s21], $0x7D0  }
0xa9: {  	[sflag:s21] =	ssyncset.done $0x0  }
0xaa: {  	s7 =	simm.s32 $0x4F80;
	[sflag:s21] =	ssyncadd.s32 $0xFFFFF830  }
0xab: {  	[spmem:s3] =	stream.indirect.scatter.add.f32 [tilespmem:s26], [sflag:$0x8], $0x10, s7, s17, $0xb8;
	[tilespmem:$0xBF40] =	vst v63  }
0xac: {  	_ =	swait.ge [sflag:s29], $0x7D0  }
0xad: {  	[sflag:s29] =	ssyncset.done $0x0  }
0xae: {  	[sflag:s29] =	ssyncadd.s32 $0xFFFFF830  }
0xaf: {  	_ =	swait.ge [sflag:s31], $0x7D0  }
0xb0: {  	s0 =	sadd.s32 $0x1, s0;
	s24 =	stileid.u32;
	[sflag:s31] =	ssyncset.done $0x0  }
0xb1: {  	p2 =	sne.s32 s0, s11;
	s1 =	sshll.u32 s24, $0x6;
	[sflag:s31] =	ssyncadd.s32 $0xFFFFF830  }
.Ltmp1:
0xb2: {  	s1 =	sor.u32 $0x1C09, s1;
	[bflag:$0x0] =	sbarrier.arrive $0xFFFF;
	(pc) =	sbr.rel @p2 .LBB2_1-.Ltmp1, $4  }
0xb3: {  	[hbm:s9], [sflag:s1] =	dma.local [spmem:s25], $0x500  }
0xb4: {  	_ =	swait.ge [sflag:s12], $0x500  }
0xb5: {  	[sflag:s12] =	ssyncset.done $0x0  }
0xb6: {  	[sflag:s12] =	ssyncadd.s32 $0xFFFFFB00  }
0xb7: {  	_ =	sfence.sel $0x180000  }
0xb8: {  	[bflag:$0x0] =	sbarrier.arrive $0xFFFF  }
0xb9: {  	_ =	strace $0x9000004D  }
0xba: {  	s0 =	stileid.u32;
	[bflag:$0x2] =	sbarrier.arrive $0xFFFF  }
0xbb: {  	p0 =	sne.s32 s0, $0x0;
	s0 =	rddreg [dreg:$0x5]  }
0xbc: {  	s0 =	sadd.s32 @!p0 $0x100000, s0  }
0xbd: {  	[sflag:s0] =	ssyncadd.tile.s32 @!p0 $0x1;
	_ =	shalt  }
.Lfunc_end2:
_tile_overlayer_lowered:
.L_overlay_start_2:
0xbe: {  	(tag) =	ssettag $0x2  }
0xbf: {  	s0 =	rddreg [dreg:$0x0];
	s2 =	stileid.u32  }
0xc0: {  	s1 =	rddreg [dreg:$0x1];
	p0 =	sne.s32 s2, $0x0  }
0xc1: {  	s3 =	rddreg [dreg:$0x2];
	[bflag:$0x3] =	sbarrier.arrive $0xFFFF;
	s2 =	simm.s32 @!p0 $0x1C09  }
0xc2: {  	[timem:s3], [sflag:s2] =	dma.local @!p0 [hbm:s0], s1  }
0xc3: {  	s0 =	simm.s32 @!p0 $0x9  }
0xc4: {  	_ =	swait.ge @!p0 [sflag:s0], s1  }
0xc5: {  	s1 =	ssub.s32 @!p0 $0x0, s1;
	[sflag:s0] =	ssyncset.done @!p0 $0x0  }
0xc6: {  	[sflag:s0] =	ssyncadd.s32 @!p0 s1  }
0xc7: {  	[bflag:$0x3] =	sbarrier.arrive $0xFFFF  }
0xc8: {  	_ =	shalt  }

</sc_bundles>
